<compile_context>
chip_gen: v7x
topology: tpu7x:2x2x1
jax: 0.10.2.dev20260603
libtpu: 0.0.44.dev20260713+nightly
codegen_flags: <defaults>
</compile_context>

<pallas_src>
import functools

import jax
import jax.numpy as jnp
from jax import lax
from jax.experimental import pallas as pl
from jax.experimental.pallas import tpu as pltpu
from jax.experimental.pallas import tpu_sc as plsc

_NB = 1000000
_CW = 512
_NCH = 61
_W31 = 968192


@jax.jit
def _scan_lookup(x, tableT, tailpad):
    (batch,) = x.shape
    dim, _ = tableT.shape
    info = plsc.get_sparse_core_info()
    num_cores, num_subcores, lanes = (
        info.num_cores, info.num_subcores, info.num_lanes)
    mesh = plsc.VectorSubcoreMesh(core_axis_name="c", subcore_axis_name="s")
    piece = 4096

    @functools.partial(
        pl.kernel,
        mesh=mesh,
        compiler_params=pltpu.CompilerParams(needs_layout_passes=False),
        out_type=jax.ShapeDtypeStruct((batch, 128), jnp.float32),
        scratch_types=[
            pltpu.VMEM((piece,), jnp.int32),
            pltpu.VMEM((batch,), jnp.int32),
            pltpu.VMEM((2, dim, _CW), jnp.float32),
            pltpu.SemaphoreType.DMA,
            pltpu.SemaphoreType.DMA,
            pltpu.VMEM((lanes, 128), jnp.float32),
            pltpu.VMEM((batch,), jnp.int32),
        ],
    )
    def body(x_hbm, tT_hbm, tail_hbm, out_hbm,
             xp, hoko, ring, csem0, csem1, stg, pm):
        wid = lax.axis_index("s") * num_cores + lax.axis_index("c")
        iota = lax.iota(jnp.int32, lanes)
        lo = jnp.where(wid == 31, _W31, wid * (_NCH * _CW))
        nch = jnp.where(wid == 31, 63, _NCH)
        hi = lo + nch * _CW

        p = jnp.int32(0)
        for pp in range(batch // piece):
            pltpu.sync_copy(x_hbm.at[pl.ds(pp * piece, piece)], xp)

            def fbody(i, p):
                xs = plsc.load_gather(xp, [i * lanes + iota])
                h = lax.rem(xs, _NB)
                m = (h >= lo) & (h < hi)
                mi = m.astype(jnp.int32)
                idx = jnp.maximum(p + plsc.cumsum(mi) - 1, 0)
                packed = (h - lo) * batch + (pp * piece + i * lanes + iota)
                plsc.store_scatter(hoko, [idx], packed, mask=m)
                return p + jnp.sum(mi)

            p = lax.fori_loop(0, piece // lanes, fbody, p)

        nv = (p + lanes - 1) // lanes

        def fire(cc, buf, sem):
            off = pl.multiple_of(lo + cc * _CW, 128)

            @pl.when((cc < nch) & (cc < _NCH + 1))
            def _():
                pltpu.async_copy(
                    tT_hbm.at[:, pl.ds(off, _CW)], ring.at[buf], sem)

            @pl.when((cc < nch) & (cc >= _NCH + 1))
            def _():
                pltpu.async_copy(tail_hbm, ring.at[buf], sem)

        def process(cc, buf):
            clo = lo + cc * _CW

            crel0 = cc * _CW

            def rbody(q, mc):
                pv = q * lanes + iota
                pvc = jnp.minimum(pv, batch - 1)
                v = plsc.load_gather(hoko, [pvc])
                rel = v // batch
                kq = v - rel * batch
                m = (pv < p) & (rel >= crel0) & (rel < crel0 + _CW) & (cc < nch)
                mi = m.astype(jnp.int32)
                idx = jnp.maximum(mc + plsc.cumsum(mi) - 1, 0)
                plsc.store_scatter(
                    pm, [idx], (rel - crel0) * batch + kq, mask=m)
                return mc + jnp.sum(mi)

            mc = lax.fori_loop(0, nv, rbody, jnp.int32(0))

            def gbody(g, _):
                pv = g * lanes + iota
                pvc = jnp.minimum(pv, jnp.maximum(mc - 1, 0))
                v = plsc.load_gather(pm, [pvc])
                c16 = v // batch
                k16 = v - c16 * batch

                def jbody(j, _):
                    vals = plsc.load_gather(
                        ring.at[buf], [jnp.full((lanes,), j, jnp.int32), c16])
                    plsc.store_scatter(
                        stg, [iota, jnp.full((lanes,), j, jnp.int32)], vals)
                    return 0
                lax.fori_loop(0, dim, jbody, 0)
                pltpu.sync_copy(stg, out_hbm.at[k16])
                return 0

            lax.fori_loop(0, (mc + lanes - 1) // lanes, gbody, 0)

        def wait_chunk(buf, sem):
            pltpu.make_async_copy(
                tT_hbm.at[:, pl.ds(0, _CW)], ring.at[buf], sem).wait()

        fire(0, 0, csem0)

        def pair_body(tt, carry):
            cc = 2 * tt
            fire(cc + 1, 1, csem1)
            wait_chunk(0, csem0)
            process(cc, 0)
            fire(cc + 2, 0, csem0)

            @pl.when(cc + 1 < nch)
            def _():
                wait_chunk(1, csem1)
            process(cc + 1, 1)
            return carry

        lax.fori_loop(0, (nch + 1) // 2, pair_body, jnp.int32(0))

    return body(x, tableT, tailpad)


def kernel(x, table):
    tailpad = jnp.pad(
        lax.slice(table, (_NB - 64, 0), (_NB, 64)).T, ((0, 0), (0, 448)))
    out = _scan_lookup(x.astype(jnp.int32), table.T, tailpad)
    return out[:, :64]

# --- scband reference (transcript-rebuilt; emitter-appended) ---
"""Pipeline reference for scband-user-id-embedder-31817117729157 (READ-ONLY COPY).

The authoritative reference and input builder live on the scoring server;
editing this copy changes nothing except your own understanding.
"""

import jax, jax.numpy as jnp
import numpy as np

NUM_BUCKETS = 1000000
EMBED_DIM = 64
BATCH = 16384


def setup_inputs(seed: int = 0) -> dict:
    key = jax.random.key(seed)
    k1, k2 = jax.random.split(key)
    x = jax.random.randint(k1, (BATCH,), 0, 1000000000, dtype=jnp.int64) if jax.config.jax_enable_x64 else jax.random.randint(k1, (BATCH,), 0, 1000000000, dtype=jnp.int32)
    table = jax.random.normal(k2, (NUM_BUCKETS, EMBED_DIM), dtype=jnp.float32)
    return {"x": x, "table": table}


def reference(x, table):
    # torch: hashed_indices = [hash(token) % num_buckets for token in x]; emb(hashed_indices)
    # Python hash(int) == int for values < 2**61-1, so this is a modulo bucketing.
    hashed_indices = jnp.mod(x, NUM_BUCKETS)
    return jnp.take(table, hashed_indices, axis=0)

if __name__ == "__main__":
    import jax
    _d = setup_inputs()
    print(jax.jit(kernel)(*tuple(_d.values())))

</pallas_src>

<mosaic_0001>
#map = affine_map<(d0, d1) -> (0)>
#map1 = affine_map<(d0, d1) -> (0, 0)>
module attributes {stable_mosaic.version = 14 : i64} {
  func.func @body(%arg0: i32, %arg1: i32, %arg2: memref<16384xi32, #tpu.memory_space<hbm>>, %arg3: memref<64x1000000xf32, #tpu.memory_space<hbm>>, %arg4: memref<64x512xf32, #tpu.memory_space<hbm>>, %arg5: memref<16384x128xf32, #tpu.memory_space<hbm>>, %arg6: memref<4096xi32, #tpu.memory_space<vmem>>, %arg7: memref<16384xi32, #tpu.memory_space<vmem>>, %arg8: memref<2x64x512xf32, #tpu.memory_space<vmem>>, %arg9: memref<!tpu.dma_semaphore, #tpu.memory_space<semaphore_mem>>, %arg10: memref<!tpu.dma_semaphore, #tpu.memory_space<semaphore_mem>>, %arg11: memref<16x128xf32, #tpu.memory_space<vmem>>, %arg12: memref<16384xi32, #tpu.memory_space<vmem>>) attributes {dimension_semantics = [#tpu.dimension_semantics<core_parallel>, #tpu.dimension_semantics<subcore_parallel>], iteration_bounds = array<i64: 2, 16>, scalar_prefetch = 0 : i64, scratch_operands = 7 : i64, tpu.core_type = #tpu.core_type<sc_vector_subcore>, window_params = [{transform_indices = #map}, {transform_indices = #map1}, {transform_indices = #map1}, {transform_indices = #map1}]} {
    %mul3A = arith.constant 2 : i32
    %mul3A_0 = arith.muli %arg1, %mul3A : i32
    %add3A = arith.addi %mul3A_0, %arg0 : i32
    %iota3A = tpu.iota {dimensions = array<i32: 0>} : vector<16xi32>
    %eq3A = arith.constant 31 : i32
    %eq3A_1 = arith.cmpi eq, %add3A, %eq3A : i32
    %mul3A_2 = arith.constant 31232 : i32
    %mul3A_3 = arith.muli %add3A, %mul3A_2 : i32
    %jit3A = arith.constant 968192 : i32
    %select_n3A = arith.select %eq3A_1, %jit3A, %mul3A_3 : i32
    %eq3A_4 = arith.constant 31 : i32
    %eq3A_5 = arith.cmpi eq, %add3A, %eq3A_4 : i32
    %jit3A_6 = arith.constant 63 : i32
    %jit3A_7 = arith.constant 61 : i32
    %select_n3A_8 = arith.select %eq3A_5, %jit3A_6, %jit3A_7 : i32
    %mul3A_9 = arith.constant 512 : i32
    %mul3A_10 = arith.muli %select_n3A_8, %mul3A_9 : i32
    %add3A_11 = arith.addi %select_n3A, %mul3A_10 : i32
    "tpu.region"() ({
      %run_scoped3A = tpu.sem_alloc : memref<!tpu.dma_semaphore, #tpu.memory_space<semaphore_mem>>
      %dma_start3A = arith.constant 0 : i32
      %dma_start3A_106 = tpu.memref_slice %arg2[%dma_start3A] : memref<16384xi32, #tpu.memory_space<hbm>> -> memref<4096xi32, #tpu.memory_space<hbm>>
      %dma_start3A_107 = arith.constant 0 : i32
      %dma_start3A_108 = tpu.memref_slice %arg2[%dma_start3A_107] : memref<16384xi32, #tpu.memory_space<hbm>> -> memref<4096xi32, #tpu.memory_space<hbm>>
      tpu.enqueue_dma source(%dma_start3A_108 : memref<4096xi32, #tpu.memory_space<hbm>>) target(%arg6 : memref<4096xi32, #tpu.memory_space<vmem>>) target_semaphore(%run_scoped3A : memref<!tpu.dma_semaphore, #tpu.memory_space<semaphore_mem>>)
      %dma_wait3A = arith.constant 0 : i32
      %dma_wait3A_109 = tpu.memref_slice %arg2[%dma_wait3A] : memref<16384xi32, #tpu.memory_space<hbm>> -> memref<4096xi32, #tpu.memory_space<hbm>>
      %dma_wait3A_110 = arith.constant 0 : i32
      %dma_wait3A_111 = tpu.memref_slice %arg2[%dma_wait3A_110] : memref<16384xi32, #tpu.memory_space<hbm>> -> memref<4096xi32, #tpu.memory_space<hbm>>
      tpu.wait_dma2 semaphore(%run_scoped3A : memref<!tpu.dma_semaphore, #tpu.memory_space<semaphore_mem>>) src(%dma_wait3A_111 : memref<4096xi32, #tpu.memory_space<hbm>>) dst(%arg6 : memref<4096xi32, #tpu.memory_space<vmem>>)
      tpu.yield
    }) : () -> ()
    %scan3A = arith.constant 0 : i32
    %scan3A_12 = arith.constant 0 : i32
    %scan3A_13 = arith.constant 256 : i32
    %scan3A_14 = arith.addi %scan3A_12, %scan3A_13 : i32
    %scan3A_15 = arith.constant 1 : i32
    %scan3A_16 = scf.for %scan3A_106 = %scan3A_12 to %scan3A_14 step %scan3A_15 iter_args(%scan3A_107 = %scan3A) -> (i32)  : i32 {
      %mul3A_108 = arith.constant 16 : i32
      %mul3A_109 = arith.muli %scan3A_106, %mul3A_108 : i32
      %add3A_110 = vector.broadcast %mul3A_109 : i32 to vector<16xi32>
      %add3A_111 = arith.addi %add3A_110, %iota3A : vector<16xi32>
      %gather3A = tpu.vector_load_idx %arg6[%add3A_111] : memref<4096xi32, #tpu.memory_space<vmem>>[vector<16xi32>], vector<16xi32>,
      %rem3A_112 = arith.constant 1000000 : i32
      %rem3A_113 = vector.broadcast %rem3A_112 : i32 to vector<16xi32>
      %rem3A_114 = arith.remsi %gather3A, %rem3A_113 : vector<16xi32>
      %ge3A = vector.broadcast %select_n3A : i32 to vector<16xi32>
      %ge3A_115 = arith.cmpi sge, %rem3A_114, %ge3A : vector<16xi32>
      %lt3A = vector.broadcast %add3A_11 : i32 to vector<16xi32>
      %lt3A_116 = arith.cmpi slt, %rem3A_114, %lt3A : vector<16xi32>
      %and3A_117 = arith.andi %ge3A_115, %lt3A_116 : vector<16xi1>
      %convert_element_type3A_118 = arith.extui %and3A_117 : vector<16xi1> to vector<16xi32>
      %broadcast_in_dim3A = arith.constant true
      %broadcast_in_dim3A_119 = vector.broadcast %broadcast_in_dim3A : i1 to vector<16xi1>
      %masked_cumsum3A = tpu.scan <sum>, %convert_element_type3A_118 masked %broadcast_in_dim3A_119 : vector<16xi32>, vector<16xi1> -> vector<16xi32>
      %add3A_120 = vector.broadcast %scan3A_107 : i32 to vector<16xi32>
      %add3A_121 = arith.addi %add3A_120, %masked_cumsum3A : vector<16xi32>
      %sub3A_122 = arith.constant 1 : i32
      %sub3A_123 = vector.broadcast %sub3A_122 : i32 to vector<16xi32>
      %sub3A_124 = arith.subi %add3A_121, %sub3A_123 : vector<16xi32>
      %max3A = arith.constant 0 : i32
      %max3A_125 = vector.broadcast %max3A : i32 to vector<16xi32>
      %max3A_126 = arith.maxsi %sub3A_124, %max3A_125 : vector<16xi32>
      %sub3A_127 = vector.broadcast %select_n3A : i32 to vector<16xi32>
      %sub3A_128 = arith.subi %rem3A_114, %sub3A_127 : vector<16xi32>
      %mul3A_129 = arith.constant 16384 : i32
      %mul3A_130 = vector.broadcast %mul3A_129 : i32 to vector<16xi32>
      %mul3A_131 = arith.muli %sub3A_128, %mul3A_130 : vector<16xi32>
      %mul3A_132 = arith.constant 16 : i32
      %mul3A_133 = arith.muli %scan3A_106, %mul3A_132 : i32
      %add3A_134 = arith.constant 0 : i32
      %add3A_135 = arith.addi %add3A_134, %mul3A_133 : i32
      %add3A_136 = vector.broadcast %add3A_135 : i32 to vector<16xi32>
      %add3A_137 = arith.addi %add3A_136, %iota3A : vector<16xi32>
      %add3A_138 = arith.addi %mul3A_131, %add3A_137 : vector<16xi32>
      tpu.vector_store_idx %arg7[%max3A_126], %add3A_138 masked %and3A_117 : memref<16384xi32, #tpu.memory_space<vmem>>[vector<16xi32>], vector<16xi32>, vector<16xi1>
      %reduce_sum3A = arith.constant true
      %reduce_sum3A_139 = vector.broadcast %reduce_sum3A : i1 to vector<16xi1>
      %reduce_sum3A_140 = tpu.scan <sum>, %convert_element_type3A_118 masked %reduce_sum3A_139 : vector<16xi32>, vector<16xi1> -> vector<16xi32>
      %reduce_sum3A_141 = vector.extract %reduce_sum3A_140[15] : i32 from vector<16xi32>
      %add3A_142 = arith.addi %scan3A_107, %reduce_sum3A_141 : i32
      scf.yield %add3A_142 : i32
    }
    %scan3A_17 = arith.constant 256 : i32
    "tpu.region"() ({
      %run_scoped3A = tpu.sem_alloc : memref<!tpu.dma_semaphore, #tpu.memory_space<semaphore_mem>>
      %dma_start3A = arith.constant 4096 : i32
      %dma_start3A_106 = tpu.memref_slice %arg2[%dma_start3A] : memref<16384xi32, #tpu.memory_space<hbm>> -> memref<4096xi32, #tpu.memory_space<hbm>>
      %dma_start3A_107 = arith.constant 4096 : i32
      %dma_start3A_108 = tpu.memref_slice %arg2[%dma_start3A_107] : memref<16384xi32, #tpu.memory_space<hbm>> -> memref<4096xi32, #tpu.memory_space<hbm>>
      tpu.enqueue_dma source(%dma_start3A_108 : memref<4096xi32, #tpu.memory_space<hbm>>) target(%arg6 : memref<4096xi32, #tpu.memory_space<vmem>>) target_semaphore(%run_scoped3A : memref<!tpu.dma_semaphore, #tpu.memory_space<semaphore_mem>>)
      %dma_wait3A = arith.constant 4096 : i32
      %dma_wait3A_109 = tpu.memref_slice %arg2[%dma_wait3A] : memref<16384xi32, #tpu.memory_space<hbm>> -> memref<4096xi32, #tpu.memory_space<hbm>>
      %dma_wait3A_110 = arith.constant 4096 : i32
      %dma_wait3A_111 = tpu.memref_slice %arg2[%dma_wait3A_110] : memref<16384xi32, #tpu.memory_space<hbm>> -> memref<4096xi32, #tpu.memory_space<hbm>>
      tpu.wait_dma2 semaphore(%run_scoped3A : memref<!tpu.dma_semaphore, #tpu.memory_space<semaphore_mem>>) src(%dma_wait3A_111 : memref<4096xi32, #tpu.memory_space<hbm>>) dst(%arg6 : memref<4096xi32, #tpu.memory_space<vmem>>)
      tpu.yield
    }) : () -> ()
    %scan3A_18 = arith.constant 0 : i32
    %scan3A_19 = arith.constant 256 : i32
    %scan3A_20 = arith.addi %scan3A_18, %scan3A_19 : i32
    %scan3A_21 = arith.constant 1 : i32
    %scan3A_22 = scf.for %scan3A_106 = %scan3A_18 to %scan3A_20 step %scan3A_21 iter_args(%scan3A_107 = %scan3A_16) -> (i32)  : i32 {
      %mul3A_108 = arith.constant 16 : i32
      %mul3A_109 = arith.muli %scan3A_106, %mul3A_108 : i32
      %add3A_110 = vector.broadcast %mul3A_109 : i32 to vector<16xi32>
      %add3A_111 = arith.addi %add3A_110, %iota3A : vector<16xi32>
      %gather3A = tpu.vector_load_idx %arg6[%add3A_111] : memref<4096xi32, #tpu.memory_space<vmem>>[vector<16xi32>], vector<16xi32>,
      %rem3A_112 = arith.constant 1000000 : i32
      %rem3A_113 = vector.broadcast %rem3A_112 : i32 to vector<16xi32>
      %rem3A_114 = arith.remsi %gather3A, %rem3A_113 : vector<16xi32>
      %ge3A = vector.broadcast %select_n3A : i32 to vector<16xi32>
      %ge3A_115 = arith.cmpi sge, %rem3A_114, %ge3A : vector<16xi32>
      %lt3A = vector.broadcast %add3A_11 : i32 to vector<16xi32>
      %lt3A_116 = arith.cmpi slt, %rem3A_114, %lt3A : vector<16xi32>
      %and3A_117 = arith.andi %ge3A_115, %lt3A_116 : vector<16xi1>
      %convert_element_type3A_118 = arith.extui %and3A_117 : vector<16xi1> to vector<16xi32>
      %broadcast_in_dim3A = arith.constant true
      %broadcast_in_dim3A_119 = vector.broadcast %broadcast_in_dim3A : i1 to vector<16xi1>
      %masked_cumsum3A = tpu.scan <sum>, %convert_element_type3A_118 masked %broadcast_in_dim3A_119 : vector<16xi32>, vector<16xi1> -> vector<16xi32>
      %add3A_120 = vector.broadcast %scan3A_107 : i32 to vector<16xi32>
      %add3A_121 = arith.addi %add3A_120, %masked_cumsum3A : vector<16xi32>
      %sub3A_122 = arith.constant 1 : i32
      %sub3A_123 = vector.broadcast %sub3A_122 : i32 to vector<16xi32>
      %sub3A_124 = arith.subi %add3A_121, %sub3A_123 : vector<16xi32>
      %max3A = arith.constant 0 : i32
      %max3A_125 = vector.broadcast %max3A : i32 to vector<16xi32>
      %max3A_126 = arith.maxsi %sub3A_124, %max3A_125 : vector<16xi32>
      %sub3A_127 = vector.broadcast %select_n3A : i32 to vector<16xi32>
      %sub3A_128 = arith.subi %rem3A_114, %sub3A_127 : vector<16xi32>
      %mul3A_129 = arith.constant 16384 : i32
      %mul3A_130 = vector.broadcast %mul3A_129 : i32 to vector<16xi32>
      %mul3A_131 = arith.muli %sub3A_128, %mul3A_130 : vector<16xi32>
      %mul3A_132 = arith.constant 16 : i32
      %mul3A_133 = arith.muli %scan3A_106, %mul3A_132 : i32
      %add3A_134 = arith.constant 4096 : i32
      %add3A_135 = arith.addi %add3A_134, %mul3A_133 : i32
      %add3A_136 = vector.broadcast %add3A_135 : i32 to vector<16xi32>
      %add3A_137 = arith.addi %add3A_136, %iota3A : vector<16xi32>
      %add3A_138 = arith.addi %mul3A_131, %add3A_137 : vector<16xi32>
      tpu.vector_store_idx %arg7[%max3A_126], %add3A_138 masked %and3A_117 : memref<16384xi32, #tpu.memory_space<vmem>>[vector<16xi32>], vector<16xi32>, vector<16xi1>
      %reduce_sum3A = arith.constant true
      %reduce_sum3A_139 = vector.broadcast %reduce_sum3A : i1 to vector<16xi1>
      %reduce_sum3A_140 = tpu.scan <sum>, %convert_element_type3A_118 masked %reduce_sum3A_139 : vector<16xi32>, vector<16xi1> -> vector<16xi32>
      %reduce_sum3A_141 = vector.extract %reduce_sum3A_140[15] : i32 from vector<16xi32>
      %add3A_142 = arith.addi %scan3A_107, %reduce_sum3A_141 : i32
      scf.yield %add3A_142 : i32
    }
    %scan3A_23 = arith.constant 256 : i32
    "tpu.region"() ({
      %run_scoped3A = tpu.sem_alloc : memref<!tpu.dma_semaphore, #tpu.memory_space<semaphore_mem>>
      %dma_start3A = arith.constant 8192 : i32
      %dma_start3A_106 = tpu.memref_slice %arg2[%dma_start3A] : memref<16384xi32, #tpu.memory_space<hbm>> -> memref<4096xi32, #tpu.memory_space<hbm>>
      %dma_start3A_107 = arith.constant 8192 : i32
      %dma_start3A_108 = tpu.memref_slice %arg2[%dma_start3A_107] : memref<16384xi32, #tpu.memory_space<hbm>> -> memref<4096xi32, #tpu.memory_space<hbm>>
      tpu.enqueue_dma source(%dma_start3A_108 : memref<4096xi32, #tpu.memory_space<hbm>>) target(%arg6 : memref<4096xi32, #tpu.memory_space<vmem>>) target_semaphore(%run_scoped3A : memref<!tpu.dma_semaphore, #tpu.memory_space<semaphore_mem>>)
      %dma_wait3A = arith.constant 8192 : i32
      %dma_wait3A_109 = tpu.memref_slice %arg2[%dma_wait3A] : memref<16384xi32, #tpu.memory_space<hbm>> -> memref<4096xi32, #tpu.memory_space<hbm>>
      %dma_wait3A_110 = arith.constant 8192 : i32
      %dma_wait3A_111 = tpu.memref_slice %arg2[%dma_wait3A_110] : memref<16384xi32, #tpu.memory_space<hbm>> -> memref<4096xi32, #tpu.memory_space<hbm>>
      tpu.wait_dma2 semaphore(%run_scoped3A : memref<!tpu.dma_semaphore, #tpu.memory_space<semaphore_mem>>) src(%dma_wait3A_111 : memref<4096xi32, #tpu.memory_space<hbm>>) dst(%arg6 : memref<4096xi32, #tpu.memory_space<vmem>>)
      tpu.yield
    }) : () -> ()
    %scan3A_24 = arith.constant 0 : i32
    %scan3A_25 = arith.constant 256 : i32
    %scan3A_26 = arith.addi %scan3A_24, %scan3A_25 : i32
    %scan3A_27 = arith.constant 1 : i32
    %scan3A_28 = scf.for %scan3A_106 = %scan3A_24 to %scan3A_26 step %scan3A_27 iter_args(%scan3A_107 = %scan3A_22) -> (i32)  : i32 {
      %mul3A_108 = arith.constant 16 : i32
      %mul3A_109 = arith.muli %scan3A_106, %mul3A_108 : i32
      %add3A_110 = vector.broadcast %mul3A_109 : i32 to vector<16xi32>
      %add3A_111 = arith.addi %add3A_110, %iota3A : vector<16xi32>
      %gather3A = tpu.vector_load_idx %arg6[%add3A_111] : memref<4096xi32, #tpu.memory_space<vmem>>[vector<16xi32>], vector<16xi32>,
      %rem3A_112 = arith.constant 1000000 : i32
      %rem3A_113 = vector.broadcast %rem3A_112 : i32 to vector<16xi32>
      %rem3A_114 = arith.remsi %gather3A, %rem3A_113 : vector<16xi32>
      %ge3A = vector.broadcast %select_n3A : i32 to vector<16xi32>
      %ge3A_115 = arith.cmpi sge, %rem3A_114, %ge3A : vector<16xi32>
      %lt3A = vector.broadcast %add3A_11 : i32 to vector<16xi32>
      %lt3A_116 = arith.cmpi slt, %rem3A_114, %lt3A : vector<16xi32>
      %and3A_117 = arith.andi %ge3A_115, %lt3A_116 : vector<16xi1>
      %convert_element_type3A_118 = arith.extui %and3A_117 : vector<16xi1> to vector<16xi32>
      %broadcast_in_dim3A = arith.constant true
      %broadcast_in_dim3A_119 = vector.broadcast %broadcast_in_dim3A : i1 to vector<16xi1>
      %masked_cumsum3A = tpu.scan <sum>, %convert_element_type3A_118 masked %broadcast_in_dim3A_119 : vector<16xi32>, vector<16xi1> -> vector<16xi32>
      %add3A_120 = vector.broadcast %scan3A_107 : i32 to vector<16xi32>
      %add3A_121 = arith.addi %add3A_120, %masked_cumsum3A : vector<16xi32>
      %sub3A_122 = arith.constant 1 : i32
      %sub3A_123 = vector.broadcast %sub3A_122 : i32 to vector<16xi32>
      %sub3A_124 = arith.subi %add3A_121, %sub3A_123 : vector<16xi32>
      %max3A = arith.constant 0 : i32
      %max3A_125 = vector.broadcast %max3A : i32 to vector<16xi32>
      %max3A_126 = arith.maxsi %sub3A_124, %max3A_125 : vector<16xi32>
      %sub3A_127 = vector.broadcast %select_n3A : i32 to vector<16xi32>
      %sub3A_128 = arith.subi %rem3A_114, %sub3A_127 : vector<16xi32>
      %mul3A_129 = arith.constant 16384 : i32
      %mul3A_130 = vector.broadcast %mul3A_129 : i32 to vector<16xi32>
      %mul3A_131 = arith.muli %sub3A_128, %mul3A_130 : vector<16xi32>
      %mul3A_132 = arith.constant 16 : i32
      %mul3A_133 = arith.muli %scan3A_106, %mul3A_132 : i32
      %add3A_134 = arith.constant 8192 : i32
      %add3A_135 = arith.addi %add3A_134, %mul3A_133 : i32
      %add3A_136 = vector.broadcast %add3A_135 : i32 to vector<16xi32>
      %add3A_137 = arith.addi %add3A_136, %iota3A : vector<16xi32>
      %add3A_138 = arith.addi %mul3A_131, %add3A_137 : vector<16xi32>
      tpu.vector_store_idx %arg7[%max3A_126], %add3A_138 masked %and3A_117 : memref<16384xi32, #tpu.memory_space<vmem>>[vector<16xi32>], vector<16xi32>, vector<16xi1>
      %reduce_sum3A = arith.constant true
      %reduce_sum3A_139 = vector.broadcast %reduce_sum3A : i1 to vector<16xi1>
      %reduce_sum3A_140 = tpu.scan <sum>, %convert_element_type3A_118 masked %reduce_sum3A_139 : vector<16xi32>, vector<16xi1> -> vector<16xi32>
      %reduce_sum3A_141 = vector.extract %reduce_sum3A_140[15] : i32 from vector<16xi32>
      %add3A_142 = arith.addi %scan3A_107, %reduce_sum3A_141 : i32
      scf.yield %add3A_142 : i32
    }
    %scan3A_29 = arith.constant 256 : i32
    "tpu.region"() ({
      %run_scoped3A = tpu.sem_alloc : memref<!tpu.dma_semaphore, #tpu.memory_space<semaphore_mem>>
      %dma_start3A = arith.constant 12288 : i32
      %dma_start3A_106 = tpu.memref_slice %arg2[%dma_start3A] : memref<16384xi32, #tpu.memory_space<hbm>> -> memref<4096xi32, #tpu.memory_space<hbm>>
      %dma_start3A_107 = arith.constant 12288 : i32
      %dma_start3A_108 = tpu.memref_slice %arg2[%dma_start3A_107] : memref<16384xi32, #tpu.memory_space<hbm>> -> memref<4096xi32, #tpu.memory_space<hbm>>
      tpu.enqueue_dma source(%dma_start3A_108 : memref<4096xi32, #tpu.memory_space<hbm>>) target(%arg6 : memref<4096xi32, #tpu.memory_space<vmem>>) target_semaphore(%run_scoped3A : memref<!tpu.dma_semaphore, #tpu.memory_space<semaphore_mem>>)
      %dma_wait3A = arith.constant 12288 : i32
      %dma_wait3A_109 = tpu.memref_slice %arg2[%dma_wait3A] : memref<16384xi32, #tpu.memory_space<hbm>> -> memref<4096xi32, #tpu.memory_space<hbm>>
      %dma_wait3A_110 = arith.constant 12288 : i32
      %dma_wait3A_111 = tpu.memref_slice %arg2[%dma_wait3A_110] : memref<16384xi32, #tpu.memory_space<hbm>> -> memref<4096xi32, #tpu.memory_space<hbm>>
      tpu.wait_dma2 semaphore(%run_scoped3A : memref<!tpu.dma_semaphore, #tpu.memory_space<semaphore_mem>>) src(%dma_wait3A_111 : memref<4096xi32, #tpu.memory_space<hbm>>) dst(%arg6 : memref<4096xi32, #tpu.memory_space<vmem>>)
      tpu.yield
    }) : () -> ()
    %scan3A_30 = arith.constant 0 : i32
    %scan3A_31 = arith.constant 256 : i32
    %scan3A_32 = arith.addi %scan3A_30, %scan3A_31 : i32
    %scan3A_33 = arith.constant 1 : i32
    %scan3A_34 = scf.for %scan3A_106 = %scan3A_30 to %scan3A_32 step %scan3A_33 iter_args(%scan3A_107 = %scan3A_28) -> (i32)  : i32 {
      %mul3A_108 = arith.constant 16 : i32
      %mul3A_109 = arith.muli %scan3A_106, %mul3A_108 : i32
      %add3A_110 = vector.broadcast %mul3A_109 : i32 to vector<16xi32>
      %add3A_111 = arith.addi %add3A_110, %iota3A : vector<16xi32>
      %gather3A = tpu.vector_load_idx %arg6[%add3A_111] : memref<4096xi32, #tpu.memory_space<vmem>>[vector<16xi32>], vector<16xi32>,
      %rem3A_112 = arith.constant 1000000 : i32
      %rem3A_113 = vector.broadcast %rem3A_112 : i32 to vector<16xi32>
      %rem3A_114 = arith.remsi %gather3A, %rem3A_113 : vector<16xi32>
      %ge3A = vector.broadcast %select_n3A : i32 to vector<16xi32>
      %ge3A_115 = arith.cmpi sge, %rem3A_114, %ge3A : vector<16xi32>
      %lt3A = vector.broadcast %add3A_11 : i32 to vector<16xi32>
      %lt3A_116 = arith.cmpi slt, %rem3A_114, %lt3A : vector<16xi32>
      %and3A_117 = arith.andi %ge3A_115, %lt3A_116 : vector<16xi1>
      %convert_element_type3A_118 = arith.extui %and3A_117 : vector<16xi1> to vector<16xi32>
      %broadcast_in_dim3A = arith.constant true
      %broadcast_in_dim3A_119 = vector.broadcast %broadcast_in_dim3A : i1 to vector<16xi1>
      %masked_cumsum3A = tpu.scan <sum>, %convert_element_type3A_118 masked %broadcast_in_dim3A_119 : vector<16xi32>, vector<16xi1> -> vector<16xi32>
      %add3A_120 = vector.broadcast %scan3A_107 : i32 to vector<16xi32>
      %add3A_121 = arith.addi %add3A_120, %masked_cumsum3A : vector<16xi32>
      %sub3A_122 = arith.constant 1 : i32
      %sub3A_123 = vector.broadcast %sub3A_122 : i32 to vector<16xi32>
      %sub3A_124 = arith.subi %add3A_121, %sub3A_123 : vector<16xi32>
      %max3A = arith.constant 0 : i32
      %max3A_125 = vector.broadcast %max3A : i32 to vector<16xi32>
      %max3A_126 = arith.maxsi %sub3A_124, %max3A_125 : vector<16xi32>
      %sub3A_127 = vector.broadcast %select_n3A : i32 to vector<16xi32>
      %sub3A_128 = arith.subi %rem3A_114, %sub3A_127 : vector<16xi32>
      %mul3A_129 = arith.constant 16384 : i32
      %mul3A_130 = vector.broadcast %mul3A_129 : i32 to vector<16xi32>
      %mul3A_131 = arith.muli %sub3A_128, %mul3A_130 : vector<16xi32>
      %mul3A_132 = arith.constant 16 : i32
      %mul3A_133 = arith.muli %scan3A_106, %mul3A_132 : i32
      %add3A_134 = arith.constant 12288 : i32
      %add3A_135 = arith.addi %add3A_134, %mul3A_133 : i32
      %add3A_136 = vector.broadcast %add3A_135 : i32 to vector<16xi32>
      %add3A_137 = arith.addi %add3A_136, %iota3A : vector<16xi32>
      %add3A_138 = arith.addi %mul3A_131, %add3A_137 : vector<16xi32>
      tpu.vector_store_idx %arg7[%max3A_126], %add3A_138 masked %and3A_117 : memref<16384xi32, #tpu.memory_space<vmem>>[vector<16xi32>], vector<16xi32>, vector<16xi1>
      %reduce_sum3A = arith.constant true
      %reduce_sum3A_139 = vector.broadcast %reduce_sum3A : i1 to vector<16xi1>
      %reduce_sum3A_140 = tpu.scan <sum>, %convert_element_type3A_118 masked %reduce_sum3A_139 : vector<16xi32>, vector<16xi1> -> vector<16xi32>
      %reduce_sum3A_141 = vector.extract %reduce_sum3A_140[15] : i32 from vector<16xi32>
      %add3A_142 = arith.addi %scan3A_107, %reduce_sum3A_141 : i32
      scf.yield %add3A_142 : i32
    }
    %scan3A_35 = arith.constant 256 : i32
    %add3A_36 = arith.constant 16 : i32
    %add3A_37 = arith.addi %scan3A_34, %add3A_36 : i32
    %sub3A = arith.constant 1 : i32
    %sub3A_38 = arith.subi %add3A_37, %sub3A : i32
    %jit3A_39 = arith.constant 16 : i32
    %div3A = arith.divsi %sub3A_38, %jit3A_39 : i32
    %sign3A = arith.constant 0 : i32
    %sign3A_40 = arith.cmpi sgt, %sub3A_38, %sign3A : i32
    %sign3A_41 = arith.extui %sign3A_40 : i1 to i32
    %sign3A_42 = arith.constant 0 : i32
    %sign3A_43 = arith.cmpi slt, %sub3A_38, %sign3A_42 : i32
    %sign3A_44 = arith.extui %sign3A_43 : i1 to i32
    %sign3A_45 = arith.subi %sign3A_41, %sign3A_44 : i32
    %sign3A_46 = arith.constant 0 : i32
    %sign3A_47 = arith.cmpi sgt, %jit3A_39, %sign3A_46 : i32
    %sign3A_48 = arith.extui %sign3A_47 : i1 to i32
    %sign3A_49 = arith.constant 0 : i32
    %sign3A_50 = arith.cmpi slt, %jit3A_39, %sign3A_49 : i32
    %sign3A_51 = arith.extui %sign3A_50 : i1 to i32
    %sign3A_52 = arith.subi %sign3A_48, %sign3A_51 : i32
    %ne3A = arith.cmpi ne, %sign3A_45, %sign3A_52 : i32
    %rem3A = arith.remsi %sub3A_38, %jit3A_39 : i32
    %ne3A_53 = arith.constant 0 : i32
    %ne3A_54 = arith.cmpi ne, %rem3A, %ne3A_53 : i32
    %and3A = arith.andi %ne3A, %ne3A_54 : i1
    %sub3A_55 = arith.constant 1 : i32
    %sub3A_56 = arith.subi %div3A, %sub3A_55 : i32
    %select_n3A_57 = arith.select %and3A, %sub3A_56, %div3A : i32
    %add3A_58 = arith.constant 0 : i32
    %add3A_59 = arith.addi %select_n3A, %add3A_58 : i32
    %multiple_of3A = tpu.assume_multiple %add3A_59, 128 : i32
    %gt3A = arith.constant 0 : i32
    %gt3A_60 = arith.cmpi sgt, %select_n3A_8, %gt3A : i32
    %and3A_61 = arith.constant true
    %and3A_62 = arith.andi %gt3A_60, %and3A_61 : i1
    %convert_element_type3A = arith.extui %and3A_62 : i1 to i32
    %cond3A = arith.constant 0 : i32
    %cond3A_63 = arith.cmpi ne, %convert_element_type3A, %cond3A : i32
    scf.if %cond3A_63 {
      %dma_start3A = arith.constant 0 : i32
      %dma_start3A_106 = arith.constant 0 : i32
      %dma_start3A_107 = arith.constant 0 : i32
      %dma_start3A_108 = tpu.memref_slice %arg8[%dma_start3A, %dma_start3A_106, %dma_start3A_107] : memref<2x64x512xf32, #tpu.memory_space<vmem>> -> memref<1x64x512xf32, #tpu.memory_space<vmem>>
      %dma_start3A_109 = tpu.memref_squeeze %dma_start3A_108 : memref<1x64x512xf32, #tpu.memory_space<vmem>> -> memref<64x512xf32, #tpu.memory_space<vmem>>
      %dma_start3A_110 = arith.constant 0 : i32
      %dma_start3A_111 = tpu.memref_slice %arg3[%dma_start3A_110, %multiple_of3A] : memref<64x1000000xf32, #tpu.memory_space<hbm>> -> memref<64x512xf32, #tpu.memory_space<hbm>>
      %dma_start3A_112 = arith.constant 0 : i32
      %dma_start3A_113 = arith.constant 0 : i32
      %dma_start3A_114 = tpu.memref_slice %arg8[%dma_start3A, %dma_start3A_112, %dma_start3A_113] : memref<2x64x512xf32, #tpu.memory_space<vmem>> -> memref<1x64x512xf32, #tpu.memory_space<vmem>>
      %dma_start3A_115 = tpu.memref_squeeze %dma_start3A_114 : memref<1x64x512xf32, #tpu.memory_space<vmem>> -> memref<64x512xf32, #tpu.memory_space<vmem>>
      %dma_start3A_116 = arith.constant 0 : i32
      %dma_start3A_117 = tpu.memref_slice %arg3[%dma_start3A_116, %multiple_of3A] : memref<64x1000000xf32, #tpu.memory_space<hbm>> -> memref<64x512xf32, #tpu.memory_space<hbm>>
      tpu.enqueue_dma source(%dma_start3A_117 : memref<64x512xf32, #tpu.memory_space<hbm>>) target(%dma_start3A_115 : memref<64x512xf32, #tpu.memory_space<vmem>>) target_semaphore(%arg9 : memref<!tpu.dma_semaphore, #tpu.memory_space<semaphore_mem>>)
    } else {
    }
    %gt3A_64 = arith.constant 0 : i32
    %gt3A_65 = arith.cmpi sgt, %select_n3A_8, %gt3A_64 : i32
    %and3A_66 = arith.constant false
    %and3A_67 = arith.andi %gt3A_65, %and3A_66 : i1
    %convert_element_type3A_68 = arith.extui %and3A_67 : i1 to i32
    %cond3A_69 = arith.constant 0 : i32
    %cond3A_70 = arith.cmpi ne, %convert_element_type3A_68, %cond3A_69 : i32
    scf.if %cond3A_70 {
      %dma_start3A = arith.constant 0 : i32
      %dma_start3A_106 = arith.constant 0 : i32
      %dma_start3A_107 = arith.constant 0 : i32
      %dma_start3A_108 = tpu.memref_slice %arg8[%dma_start3A, %dma_start3A_106, %dma_start3A_107] : memref<2x64x512xf32, #tpu.memory_space<vmem>> -> memref<1x64x512xf32, #tpu.memory_space<vmem>>
      %dma_start3A_109 = tpu.memref_squeeze %dma_start3A_108 : memref<1x64x512xf32, #tpu.memory_space<vmem>> -> memref<64x512xf32, #tpu.memory_space<vmem>>
      %dma_start3A_110 = arith.constant 0 : i32
      %dma_start3A_111 = arith.constant 0 : i32
      %dma_start3A_112 = tpu.memref_slice %arg8[%dma_start3A, %dma_start3A_110, %dma_start3A_111] : memref<2x64x512xf32, #tpu.memory_space<vmem>> -> memref<1x64x512xf32, #tpu.memory_space<vmem>>
      %dma_start3A_113 = tpu.memref_squeeze %dma_start3A_112 : memref<1x64x512xf32, #tpu.memory_space<vmem>> -> memref<64x512xf32, #tpu.memory_space<vmem>>
      tpu.enqueue_dma source(%arg4 : memref<64x512xf32, #tpu.memory_space<hbm>>) target(%dma_start3A_113 : memref<64x512xf32, #tpu.memory_space<vmem>>) target_semaphore(%arg9 : memref<!tpu.dma_semaphore, #tpu.memory_space<semaphore_mem>>)
    } else {
    }
    %add3A_71 = arith.constant 1 : i32
    %add3A_72 = arith.addi %select_n3A_8, %add3A_71 : i32
    %jit3A_73 = arith.constant 2 : i32
    %div3A_74 = arith.divsi %add3A_72, %jit3A_73 : i32
    %sign3A_75 = arith.constant 0 : i32
    %sign3A_76 = arith.cmpi sgt, %add3A_72, %sign3A_75 : i32
    %sign3A_77 = arith.extui %sign3A_76 : i1 to i32
    %sign3A_78 = arith.constant 0 : i32
    %sign3A_79 = arith.cmpi slt, %add3A_72, %sign3A_78 : i32
    %sign3A_80 = arith.extui %sign3A_79 : i1 to i32
    %sign3A_81 = arith.subi %sign3A_77, %sign3A_80 : i32
    %sign3A_82 = arith.constant 0 : i32
    %sign3A_83 = arith.cmpi sgt, %jit3A_73, %sign3A_82 : i32
    %sign3A_84 = arith.extui %sign3A_83 : i1 to i32
    %sign3A_85 = arith.constant 0 : i32
    %sign3A_86 = arith.cmpi slt, %jit3A_73, %sign3A_85 : i32
    %sign3A_87 = arith.extui %sign3A_86 : i1 to i32
    %sign3A_88 = arith.subi %sign3A_84, %sign3A_87 : i32
    %ne3A_89 = arith.cmpi ne, %sign3A_81, %sign3A_88 : i32
    %rem3A_90 = arith.remsi %add3A_72, %jit3A_73 : i32
    %ne3A_91 = arith.constant 0 : i32
    %ne3A_92 = arith.cmpi ne, %rem3A_90, %ne3A_91 : i32
    %and3A_93 = arith.andi %ne3A_89, %ne3A_92 : i1
    %sub3A_94 = arith.constant 1 : i32
    %sub3A_95 = arith.subi %div3A_74, %sub3A_94 : i32
    %select_n3A_96 = arith.select %and3A_93, %sub3A_95, %div3A_74 : i32
    %while3A = arith.constant 0 : i32
    %while3A_97 = arith.constant 0 : i32
    %while3A_98 = arith.subi %select_n3A_96, %while3A_97 : i32
    %while3A_99 = arith.addi %while3A_97, %while3A_98 : i32
    %while3A_100 = arith.constant 1 : i32
    %while3A_101 = arith.divsi %while3A_98, %while3A_100 : i32
    %while3A_102 = arith.muli %while3A_101, %while3A_100 : i32
    %while3A_103 = arith.addi %while3A_97, %while3A_102 : i32
    %while3A_104 = arith.constant 1 : i32
    scf.for %while3A_106 = %while3A_97 to %while3A_103 step %while3A_104  : i32 {
      %mul3A_107 = arith.constant 2 : i32
      %mul3A_108 = arith.muli %mul3A_107, %while3A_106 : i32
      %add3A_109 = arith.constant 1 : i32
      %add3A_110 = arith.addi %mul3A_108, %add3A_109 : i32
      %mul3A_111 = arith.constant 512 : i32
      %mul3A_112 = arith.muli %add3A_110, %mul3A_111 : i32
      %add3A_113 = arith.addi %select_n3A, %mul3A_112 : i32
      %multiple_of3A_114 = tpu.assume_multiple %add3A_113, 128 : i32
      %lt3A = arith.cmpi slt, %add3A_110, %select_n3A_8 : i32
      %lt3A_115 = arith.constant 62 : i32
      %lt3A_116 = arith.cmpi slt, %add3A_110, %lt3A_115 : i32
      %and3A_117 = arith.andi %lt3A, %lt3A_116 : i1
      %convert_element_type3A_118 = arith.extui %and3A_117 : i1 to i32
      %cond3A_119 = arith.constant 0 : i32
      %cond3A_120 = arith.cmpi ne, %convert_element_type3A_118, %cond3A_119 : i32
      scf.if %cond3A_120 {
        %dma_start3A = arith.constant 1 : i32
        %dma_start3A_283 = arith.constant 0 : i32
        %dma_start3A_284 = arith.constant 0 : i32
        %dma_start3A_285 = tpu.memref_slice %arg8[%dma_start3A, %dma_start3A_283, %dma_start3A_284] : memref<2x64x512xf32, #tpu.memory_space<vmem>> -> memref<1x64x512xf32, #tpu.memory_space<vmem>>
        %dma_start3A_286 = tpu.memref_squeeze %dma_start3A_285 : memref<1x64x512xf32, #tpu.memory_space<vmem>> -> memref<64x512xf32, #tpu.memory_space<vmem>>
        %dma_start3A_287 = arith.constant 0 : i32
        %dma_start3A_288 = tpu.memref_slice %arg3[%dma_start3A_287, %multiple_of3A_114] : memref<64x1000000xf32, #tpu.memory_space<hbm>> -> memref<64x512xf32, #tpu.memory_space<hbm>>
        %dma_start3A_289 = arith.constant 0 : i32
        %dma_start3A_290 = arith.constant 0 : i32
        %dma_start3A_291 = tpu.memref_slice %arg8[%dma_start3A, %dma_start3A_289, %dma_start3A_290] : memref<2x64x512xf32, #tpu.memory_space<vmem>> -> memref<1x64x512xf32, #tpu.memory_space<vmem>>
        %dma_start3A_292 = tpu.memref_squeeze %dma_start3A_291 : memref<1x64x512xf32, #tpu.memory_space<vmem>> -> memref<64x512xf32, #tpu.memory_space<vmem>>
        %dma_start3A_293 = arith.constant 0 : i32
        %dma_start3A_294 = tpu.memref_slice %arg3[%dma_start3A_293, %multiple_of3A_114] : memref<64x1000000xf32, #tpu.memory_space<hbm>> -> memref<64x512xf32, #tpu.memory_space<hbm>>
        tpu.enqueue_dma source(%dma_start3A_294 : memref<64x512xf32, #tpu.memory_space<hbm>>) target(%dma_start3A_292 : memref<64x512xf32, #tpu.memory_space<vmem>>) target_semaphore(%arg10 : memref<!tpu.dma_semaphore, #tpu.memory_space<semaphore_mem>>)
      } else {
      }
      %lt3A_121 = arith.cmpi slt, %add3A_110, %select_n3A_8 : i32
      %ge3A = arith.constant 62 : i32
      %ge3A_122 = arith.cmpi sge, %add3A_110, %ge3A : i32
      %and3A_123 = arith.andi %lt3A_121, %ge3A_122 : i1
      %convert_element_type3A_124 = arith.extui %and3A_123 : i1 to i32
      %cond3A_125 = arith.constant 0 : i32
      %cond3A_126 = arith.cmpi ne, %convert_element_type3A_124, %cond3A_125 : i32
      scf.if %cond3A_126 {
        %dma_start3A = arith.constant 1 : i32
        %dma_start3A_283 = arith.constant 0 : i32
        %dma_start3A_284 = arith.constant 0 : i32
        %dma_start3A_285 = tpu.memref_slice %arg8[%dma_start3A, %dma_start3A_283, %dma_start3A_284] : memref<2x64x512xf32, #tpu.memory_space<vmem>> -> memref<1x64x512xf32, #tpu.memory_space<vmem>>
        %dma_start3A_286 = tpu.memref_squeeze %dma_start3A_285 : memref<1x64x512xf32, #tpu.memory_space<vmem>> -> memref<64x512xf32, #tpu.memory_space<vmem>>
        %dma_start3A_287 = arith.constant 0 : i32
        %dma_start3A_288 = arith.constant 0 : i32
        %dma_start3A_289 = tpu.memref_slice %arg8[%dma_start3A, %dma_start3A_287, %dma_start3A_288] : memref<2x64x512xf32, #tpu.memory_space<vmem>> -> memref<1x64x512xf32, #tpu.memory_space<vmem>>
        %dma_start3A_290 = tpu.memref_squeeze %dma_start3A_289 : memref<1x64x512xf32, #tpu.memory_space<vmem>> -> memref<64x512xf32, #tpu.memory_space<vmem>>
        tpu.enqueue_dma source(%arg4 : memref<64x512xf32, #tpu.memory_space<hbm>>) target(%dma_start3A_290 : memref<64x512xf32, #tpu.memory_space<vmem>>) target_semaphore(%arg10 : memref<!tpu.dma_semaphore, #tpu.memory_space<semaphore_mem>>)
      } else {
      }
      %dma_wait3A = arith.constant 0 : i32
      %dma_wait3A_127 = arith.constant 0 : i32
      %dma_wait3A_128 = arith.constant 0 : i32
      %dma_wait3A_129 = tpu.memref_slice %arg8[%dma_wait3A, %dma_wait3A_127, %dma_wait3A_128] : memref<2x64x512xf32, #tpu.memory_space<vmem>> -> memref<1x64x512xf32, #tpu.memory_space<vmem>>
      %dma_wait3A_130 = tpu.memref_squeeze %dma_wait3A_129 : memref<1x64x512xf32, #tpu.memory_space<vmem>> -> memref<64x512xf32, #tpu.memory_space<vmem>>
      %dma_wait3A_131 = arith.constant 0 : i32
      %dma_wait3A_132 = arith.constant 0 : i32
      %dma_wait3A_133 = tpu.memref_slice %arg3[%dma_wait3A_131, %dma_wait3A_132] : memref<64x1000000xf32, #tpu.memory_space<hbm>> -> memref<64x512xf32, #tpu.memory_space<hbm>>
      %dma_wait3A_134 = arith.constant 0 : i32
      %dma_wait3A_135 = arith.constant 0 : i32
      %dma_wait3A_136 = tpu.memref_slice %arg8[%dma_wait3A, %dma_wait3A_134, %dma_wait3A_135] : memref<2x64x512xf32, #tpu.memory_space<vmem>> -> memref<1x64x512xf32, #tpu.memory_space<vmem>>
      %dma_wait3A_137 = tpu.memref_squeeze %dma_wait3A_136 : memref<1x64x512xf32, #tpu.memory_space<vmem>> -> memref<64x512xf32, #tpu.memory_space<vmem>>
      %dma_wait3A_138 = arith.constant 0 : i32
      %dma_wait3A_139 = arith.constant 0 : i32
      %dma_wait3A_140 = tpu.memref_slice %arg3[%dma_wait3A_138, %dma_wait3A_139] : memref<64x1000000xf32, #tpu.memory_space<hbm>> -> memref<64x512xf32, #tpu.memory_space<hbm>>
      tpu.wait_dma2 semaphore(%arg9 : memref<!tpu.dma_semaphore, #tpu.memory_space<semaphore_mem>>) src(%dma_wait3A_140 : memref<64x512xf32, #tpu.memory_space<hbm>>) dst(%dma_wait3A_137 : memref<64x512xf32, #tpu.memory_space<vmem>>)
      %mul3A_141 = arith.constant 512 : i32
      %mul3A_142 = arith.muli %mul3A_108, %mul3A_141 : i32
      %add3A_143 = arith.addi %select_n3A, %mul3A_142 : i32
      %mul3A_144 = arith.constant 512 : i32
      %mul3A_145 = arith.muli %mul3A_108, %mul3A_144 : i32
      %while3A_146 = arith.constant 0 : i32
      %while3A_147 = arith.constant 0 : i32
      %while3A_148 = arith.subi %select_n3A_57, %while3A_146 : i32
      %while3A_149 = arith.addi %while3A_146, %while3A_148 : i32
      %while3A_150 = arith.constant 1 : i32
      %while3A_151 = arith.divsi %while3A_148, %while3A_150 : i32
      %while3A_152 = arith.muli %while3A_151, %while3A_150 : i32
      %while3A_153 = arith.addi %while3A_146, %while3A_152 : i32
      %while3A_154 = arith.constant 1 : i32
      %while3A_155 = scf.for %while3A_283 = %while3A_146 to %while3A_153 step %while3A_154 iter_args(%while3A_284 = %while3A_147) -> (i32)  : i32 {
        %mul3A_285 = arith.constant 16 : i32
        %mul3A_286 = arith.muli %while3A_283, %mul3A_285 : i32
        %add3A_287 = vector.broadcast %mul3A_286 : i32 to vector<16xi32>
        %add3A_288 = arith.addi %add3A_287, %iota3A : vector<16xi32>
        %min3A = arith.constant 16383 : i32
        %min3A_289 = vector.broadcast %min3A : i32 to vector<16xi32>
        %min3A_290 = arith.minsi %add3A_288, %min3A_289 : vector<16xi32>
        %gather3A = tpu.vector_load_idx %arg7[%min3A_290] : memref<16384xi32, #tpu.memory_space<vmem>>[vector<16xi32>], vector<16xi32>,
        %jit3A_291 = arith.constant 16384 : i32
        %div3A_292 = vector.broadcast %jit3A_291 : i32 to vector<16xi32>
        %div3A_293 = arith.divsi %gather3A, %div3A_292 : vector<16xi32>
        %sign3A_294 = arith.constant 0 : i32
        %sign3A_295 = vector.broadcast %sign3A_294 : i32 to vector<16xi32>
        %sign3A_296 = arith.cmpi sgt, %gather3A, %sign3A_295 : vector<16xi32>
        %sign3A_297 = arith.extui %sign3A_296 : vector<16xi1> to vector<16xi32>
        %sign3A_298 = arith.constant 0 : i32
        %sign3A_299 = vector.broadcast %sign3A_298 : i32 to vector<16xi32>
        %sign3A_300 = arith.cmpi slt, %gather3A, %sign3A_299 : vector<16xi32>
        %sign3A_301 = arith.extui %sign3A_300 : vector<16xi1> to vector<16xi32>
        %sign3A_302 = arith.subi %sign3A_297, %sign3A_301 : vector<16xi32>
        %sign3A_303 = arith.constant 0 : i32
        %sign3A_304 = arith.cmpi sgt, %jit3A_291, %sign3A_303 : i32
        %sign3A_305 = arith.extui %sign3A_304 : i1 to i32
        %sign3A_306 = arith.constant 0 : i32
        %sign3A_307 = arith.cmpi slt, %jit3A_291, %sign3A_306 : i32
        %sign3A_308 = arith.extui %sign3A_307 : i1 to i32
        %sign3A_309 = arith.subi %sign3A_305, %sign3A_308 : i32
        %ne3A_310 = vector.broadcast %sign3A_309 : i32 to vector<16xi32>
        %ne3A_311 = arith.cmpi ne, %sign3A_302, %ne3A_310 : vector<16xi32>
        %rem3A_312 = vector.broadcast %jit3A_291 : i32 to vector<16xi32>
        %rem3A_313 = arith.remsi %gather3A, %rem3A_312 : vector<16xi32>
        %ne3A_314 = arith.constant 0 : i32
        %ne3A_315 = vector.broadcast %ne3A_314 : i32 to vector<16xi32>
        %ne3A_316 = arith.cmpi ne, %rem3A_313, %ne3A_315 : vector<16xi32>
        %and3A_317 = arith.andi %ne3A_311, %ne3A_316 : vector<16xi1>
        %sub3A_318 = arith.constant 1 : i32
        %sub3A_319 = vector.broadcast %sub3A_318 : i32 to vector<16xi32>
        %sub3A_320 = arith.subi %div3A_293, %sub3A_319 : vector<16xi32>
        %select_n3A_321 = arith.select %and3A_317, %sub3A_320, %div3A_293 : vector<16xi1>, vector<16xi32>
        %mul3A_322 = arith.constant 16384 : i32
        %mul3A_323 = vector.broadcast %mul3A_322 : i32 to vector<16xi32>
        %mul3A_324 = arith.muli %select_n3A_321, %mul3A_323 : vector<16xi32>
        %sub3A_325 = arith.subi %gather3A, %mul3A_324 : vector<16xi32>
        %lt3A_326 = vector.broadcast %scan3A_34 : i32 to vector<16xi32>
        %lt3A_327 = arith.cmpi slt, %add3A_288, %lt3A_326 : vector<16xi32>
        %ge3A_328 = vector.broadcast %mul3A_145 : i32 to vector<16xi32>
        %ge3A_329 = arith.cmpi sge, %select_n3A_321, %ge3A_328 : vector<16xi32>
        %and3A_330 = arith.andi %lt3A_327, %ge3A_329 : vector<16xi1>
        %add3A_331 = arith.constant 512 : i32
        %add3A_332 = arith.addi %mul3A_145, %add3A_331 : i32
        %lt3A_333 = vector.broadcast %add3A_332 : i32 to vector<16xi32>
        %lt3A_334 = arith.cmpi slt, %select_n3A_321, %lt3A_333 : vector<16xi32>
        %and3A_335 = arith.andi %and3A_330, %lt3A_334 : vector<16xi1>
        %lt3A_336 = arith.cmpi slt, %mul3A_108, %select_n3A_8 : i32
        %and3A_337 = vector.broadcast %lt3A_336 : i1 to vector<16xi1>
        %and3A_338 = arith.andi %and3A_335, %and3A_337 : vector<16xi1>
        %convert_element_type3A_339 = arith.extui %and3A_338 : vector<16xi1> to vector<16xi32>
        %broadcast_in_dim3A = arith.constant true
        %broadcast_in_dim3A_340 = vector.broadcast %broadcast_in_dim3A : i1 to vector<16xi1>
        %masked_cumsum3A = tpu.scan <sum>, %convert_element_type3A_339 masked %broadcast_in_dim3A_340 : vector<16xi32>, vector<16xi1> -> vector<16xi32>
        %add3A_341 = vector.broadcast %while3A_284 : i32 to vector<16xi32>
        %add3A_342 = arith.addi %add3A_341, %masked_cumsum3A : vector<16xi32>
        %sub3A_343 = arith.constant 1 : i32
        %sub3A_344 = vector.broadcast %sub3A_343 : i32 to vector<16xi32>
        %sub3A_345 = arith.subi %add3A_342, %sub3A_344 : vector<16xi32>
        %max3A = arith.constant 0 : i32
        %max3A_346 = vector.broadcast %max3A : i32 to vector<16xi32>
        %max3A_347 = arith.maxsi %sub3A_345, %max3A_346 : vector<16xi32>
        %sub3A_348 = vector.broadcast %mul3A_145 : i32 to vector<16xi32>
        %sub3A_349 = arith.subi %select_n3A_321, %sub3A_348 : vector<16xi32>
        %mul3A_350 = arith.constant 16384 : i32
        %mul3A_351 = vector.broadcast %mul3A_350 : i32 to vector<16xi32>
        %mul3A_352 = arith.muli %sub3A_349, %mul3A_351 : vector<16xi32>
        %add3A_353 = arith.addi %mul3A_352, %sub3A_325 : vector<16xi32>
        tpu.vector_store_idx %arg12[%max3A_347], %add3A_353 masked %and3A_338 : memref<16384xi32, #tpu.memory_space<vmem>>[vector<16xi32>], vector<16xi32>, vector<16xi1>
        %reduce_sum3A = arith.constant true
        %reduce_sum3A_354 = vector.broadcast %reduce_sum3A : i1 to vector<16xi1>
        %reduce_sum3A_355 = tpu.scan <sum>, %convert_element_type3A_339 masked %reduce_sum3A_354 : vector<16xi32>, vector<16xi1> -> vector<16xi32>
        %reduce_sum3A_356 = vector.extract %reduce_sum3A_355[15] : i32 from vector<16xi32>
        %add3A_357 = arith.addi %while3A_284, %reduce_sum3A_356 : i32
        scf.yield %add3A_357 : i32
      }
      %while3A_156 = arith.constant 1 : i32
      %while3A_157 = scf.for %while3A_283 = %while3A_153 to %while3A_149 step %while3A_156 iter_args(%while3A_284 = %while3A_155) -> (i32)  : i32 {
        %mul3A_285 = arith.constant 16 : i32
        %mul3A_286 = arith.muli %while3A_283, %mul3A_285 : i32
        %add3A_287 = vector.broadcast %mul3A_286 : i32 to vector<16xi32>
        %add3A_288 = arith.addi %add3A_287, %iota3A : vector<16xi32>
        %min3A = arith.constant 16383 : i32
        %min3A_289 = vector.broadcast %min3A : i32 to vector<16xi32>
        %min3A_290 = arith.minsi %add3A_288, %min3A_289 : vector<16xi32>
        %gather3A = tpu.vector_load_idx %arg7[%min3A_290] : memref<16384xi32, #tpu.memory_space<vmem>>[vector<16xi32>], vector<16xi32>,
        %jit3A_291 = arith.constant 16384 : i32
        %div3A_292 = vector.broadcast %jit3A_291 : i32 to vector<16xi32>
        %div3A_293 = arith.divsi %gather3A, %div3A_292 : vector<16xi32>
        %sign3A_294 = arith.constant 0 : i32
        %sign3A_295 = vector.broadcast %sign3A_294 : i32 to vector<16xi32>
        %sign3A_296 = arith.cmpi sgt, %gather3A, %sign3A_295 : vector<16xi32>
        %sign3A_297 = arith.extui %sign3A_296 : vector<16xi1> to vector<16xi32>
        %sign3A_298 = arith.constant 0 : i32
        %sign3A_299 = vector.broadcast %sign3A_298 : i32 to vector<16xi32>
        %sign3A_300 = arith.cmpi slt, %gather3A, %sign3A_299 : vector<16xi32>
        %sign3A_301 = arith.extui %sign3A_300 : vector<16xi1> to vector<16xi32>
        %sign3A_302 = arith.subi %sign3A_297, %sign3A_301 : vector<16xi32>
        %sign3A_303 = arith.constant 0 : i32
        %sign3A_304 = arith.cmpi sgt, %jit3A_291, %sign3A_303 : i32
        %sign3A_305 = arith.extui %sign3A_304 : i1 to i32
        %sign3A_306 = arith.constant 0 : i32
        %sign3A_307 = arith.cmpi slt, %jit3A_291, %sign3A_306 : i32
        %sign3A_308 = arith.extui %sign3A_307 : i1 to i32
        %sign3A_309 = arith.subi %sign3A_305, %sign3A_308 : i32
        %ne3A_310 = vector.broadcast %sign3A_309 : i32 to vector<16xi32>
        %ne3A_311 = arith.cmpi ne, %sign3A_302, %ne3A_310 : vector<16xi32>
        %rem3A_312 = vector.broadcast %jit3A_291 : i32 to vector<16xi32>
        %rem3A_313 = arith.remsi %gather3A, %rem3A_312 : vector<16xi32>
        %ne3A_314 = arith.constant 0 : i32
        %ne3A_315 = vector.broadcast %ne3A_314 : i32 to vector<16xi32>
        %ne3A_316 = arith.cmpi ne, %rem3A_313, %ne3A_315 : vector<16xi32>
        %and3A_317 = arith.andi %ne3A_311, %ne3A_316 : vector<16xi1>
        %sub3A_318 = arith.constant 1 : i32
        %sub3A_319 = vector.broadcast %sub3A_318 : i32 to vector<16xi32>
        %sub3A_320 = arith.subi %div3A_293, %sub3A_319 : vector<16xi32>
        %select_n3A_321 = arith.select %and3A_317, %sub3A_320, %div3A_293 : vector<16xi1>, vector<16xi32>
        %mul3A_322 = arith.constant 16384 : i32
        %mul3A_323 = vector.broadcast %mul3A_322 : i32 to vector<16xi32>
        %mul3A_324 = arith.muli %select_n3A_321, %mul3A_323 : vector<16xi32>
        %sub3A_325 = arith.subi %gather3A, %mul3A_324 : vector<16xi32>
        %lt3A_326 = vector.broadcast %scan3A_34 : i32 to vector<16xi32>
        %lt3A_327 = arith.cmpi slt, %add3A_288, %lt3A_326 : vector<16xi32>
        %ge3A_328 = vector.broadcast %mul3A_145 : i32 to vector<16xi32>
        %ge3A_329 = arith.cmpi sge, %select_n3A_321, %ge3A_328 : vector<16xi32>
        %and3A_330 = arith.andi %lt3A_327, %ge3A_329 : vector<16xi1>
        %add3A_331 = arith.constant 512 : i32
        %add3A_332 = arith.addi %mul3A_145, %add3A_331 : i32
        %lt3A_333 = vector.broadcast %add3A_332 : i32 to vector<16xi32>
        %lt3A_334 = arith.cmpi slt, %select_n3A_321, %lt3A_333 : vector<16xi32>
        %and3A_335 = arith.andi %and3A_330, %lt3A_334 : vector<16xi1>
        %lt3A_336 = arith.cmpi slt, %mul3A_108, %select_n3A_8 : i32
        %and3A_337 = vector.broadcast %lt3A_336 : i1 to vector<16xi1>
        %and3A_338 = arith.andi %and3A_335, %and3A_337 : vector<16xi1>
        %convert_element_type3A_339 = arith.extui %and3A_338 : vector<16xi1> to vector<16xi32>
        %broadcast_in_dim3A = arith.constant true
        %broadcast_in_dim3A_340 = vector.broadcast %broadcast_in_dim3A : i1 to vector<16xi1>
        %masked_cumsum3A = tpu.scan <sum>, %convert_element_type3A_339 masked %broadcast_in_dim3A_340 : vector<16xi32>, vector<16xi1> -> vector<16xi32>
        %add3A_341 = vector.broadcast %while3A_284 : i32 to vector<16xi32>
        %add3A_342 = arith.addi %add3A_341, %masked_cumsum3A : vector<16xi32>
        %sub3A_343 = arith.constant 1 : i32
        %sub3A_344 = vector.broadcast %sub3A_343 : i32 to vector<16xi32>
        %sub3A_345 = arith.subi %add3A_342, %sub3A_344 : vector<16xi32>
        %max3A = arith.constant 0 : i32
        %max3A_346 = vector.broadcast %max3A : i32 to vector<16xi32>
        %max3A_347 = arith.maxsi %sub3A_345, %max3A_346 : vector<16xi32>
        %sub3A_348 = vector.broadcast %mul3A_145 : i32 to vector<16xi32>
        %sub3A_349 = arith.subi %select_n3A_321, %sub3A_348 : vector<16xi32>
        %mul3A_350 = arith.constant 16384 : i32
        %mul3A_351 = vector.broadcast %mul3A_350 : i32 to vector<16xi32>
        %mul3A_352 = arith.muli %sub3A_349, %mul3A_351 : vector<16xi32>
        %add3A_353 = arith.addi %mul3A_352, %sub3A_325 : vector<16xi32>
        tpu.vector_store_idx %arg12[%max3A_347], %add3A_353 masked %and3A_338 : memref<16384xi32, #tpu.memory_space<vmem>>[vector<16xi32>], vector<16xi32>, vector<16xi1>
        %reduce_sum3A = arith.constant true
        %reduce_sum3A_354 = vector.broadcast %reduce_sum3A : i1 to vector<16xi1>
        %reduce_sum3A_355 = tpu.scan <sum>, %convert_element_type3A_339 masked %reduce_sum3A_354 : vector<16xi32>, vector<16xi1> -> vector<16xi32>
        %reduce_sum3A_356 = vector.extract %reduce_sum3A_355[15] : i32 from vector<16xi32>
        %add3A_357 = arith.addi %while3A_284, %reduce_sum3A_356 : i32
        scf.yield %add3A_357 : i32
      }
      %add3A_158 = arith.constant 16 : i32
      %add3A_159 = arith.addi %while3A_157, %add3A_158 : i32
      %sub3A_160 = arith.constant 1 : i32
      %sub3A_161 = arith.subi %add3A_159, %sub3A_160 : i32
      %jit3A_162 = arith.constant 16 : i32
      %div3A_163 = arith.divsi %sub3A_161, %jit3A_162 : i32
      %sign3A_164 = arith.constant 0 : i32
      %sign3A_165 = arith.cmpi sgt, %sub3A_161, %sign3A_164 : i32
      %sign3A_166 = arith.extui %sign3A_165 : i1 to i32
      %sign3A_167 = arith.constant 0 : i32
      %sign3A_168 = arith.cmpi slt, %sub3A_161, %sign3A_167 : i32
      %sign3A_169 = arith.extui %sign3A_168 : i1 to i32
      %sign3A_170 = arith.subi %sign3A_166, %sign3A_169 : i32
      %sign3A_171 = arith.constant 0 : i32
      %sign3A_172 = arith.cmpi sgt, %jit3A_162, %sign3A_171 : i32
      %sign3A_173 = arith.extui %sign3A_172 : i1 to i32
      %sign3A_174 = arith.constant 0 : i32
      %sign3A_175 = arith.cmpi slt, %jit3A_162, %sign3A_174 : i32
      %sign3A_176 = arith.extui %sign3A_175 : i1 to i32
      %sign3A_177 = arith.subi %sign3A_173, %sign3A_176 : i32
      %ne3A_178 = arith.cmpi ne, %sign3A_170, %sign3A_177 : i32
      %rem3A_179 = arith.remsi %sub3A_161, %jit3A_162 : i32
      %ne3A_180 = arith.constant 0 : i32
      %ne3A_181 = arith.cmpi ne, %rem3A_179, %ne3A_180 : i32
      %and3A_182 = arith.andi %ne3A_178, %ne3A_181 : i1
      %sub3A_183 = arith.constant 1 : i32
      %sub3A_184 = arith.subi %div3A_163, %sub3A_183 : i32
      %select_n3A_185 = arith.select %and3A_182, %sub3A_184, %div3A_163 : i32
      %while3A_186 = arith.constant 0 : i32
      %while3A_187 = arith.constant 0 : i32
      %while3A_188 = arith.subi %select_n3A_185, %while3A_186 : i32
      %while3A_189 = arith.addi %while3A_186, %while3A_188 : i32
      %while3A_190 = arith.constant 1 : i32
      %while3A_191 = arith.divsi %while3A_188, %while3A_190 : i32
      %while3A_192 = arith.muli %while3A_191, %while3A_190 : i32
      %while3A_193 = arith.addi %while3A_186, %while3A_192 : i32
      %while3A_194 = arith.constant 1 : i32
      %while3A_195 = scf.for %while3A_283 = %while3A_186 to %while3A_193 step %while3A_194 iter_args(%while3A_284 = %while3A_187) -> (i32)  : i32 {
        %mul3A_285 = arith.constant 16 : i32
        %mul3A_286 = arith.muli %while3A_283, %mul3A_285 : i32
        %add3A_287 = vector.broadcast %mul3A_286 : i32 to vector<16xi32>
        %add3A_288 = arith.addi %add3A_287, %iota3A : vector<16xi32>
        %sub3A_289 = arith.constant 1 : i32
        %sub3A_290 = arith.subi %while3A_157, %sub3A_289 : i32
        %max3A = arith.constant 0 : i32
        %max3A_291 = arith.maxsi %sub3A_290, %max3A : i32
        %min3A = vector.broadcast %max3A_291 : i32 to vector<16xi32>
        %min3A_292 = arith.minsi %add3A_288, %min3A : vector<16xi32>
        %gather3A = tpu.vector_load_idx %arg12[%min3A_292] : memref<16384xi32, #tpu.memory_space<vmem>>[vector<16xi32>], vector<16xi32>,
        %jit3A_293 = arith.constant 16384 : i32
        %div3A_294 = vector.broadcast %jit3A_293 : i32 to vector<16xi32>
        %div3A_295 = arith.divsi %gather3A, %div3A_294 : vector<16xi32>
        %sign3A_296 = arith.constant 0 : i32
        %sign3A_297 = vector.broadcast %sign3A_296 : i32 to vector<16xi32>
        %sign3A_298 = arith.cmpi sgt, %gather3A, %sign3A_297 : vector<16xi32>
        %sign3A_299 = arith.extui %sign3A_298 : vector<16xi1> to vector<16xi32>
        %sign3A_300 = arith.constant 0 : i32
        %sign3A_301 = vector.broadcast %sign3A_300 : i32 to vector<16xi32>
        %sign3A_302 = arith.cmpi slt, %gather3A, %sign3A_301 : vector<16xi32>
        %sign3A_303 = arith.extui %sign3A_302 : vector<16xi1> to vector<16xi32>
        %sign3A_304 = arith.subi %sign3A_299, %sign3A_303 : vector<16xi32>
        %sign3A_305 = arith.constant 0 : i32
        %sign3A_306 = arith.cmpi sgt, %jit3A_293, %sign3A_305 : i32
        %sign3A_307 = arith.extui %sign3A_306 : i1 to i32
        %sign3A_308 = arith.constant 0 : i32
        %sign3A_309 = arith.cmpi slt, %jit3A_293, %sign3A_308 : i32
        %sign3A_310 = arith.extui %sign3A_309 : i1 to i32
        %sign3A_311 = arith.subi %sign3A_307, %sign3A_310 : i32
        %ne3A_312 = vector.broadcast %sign3A_311 : i32 to vector<16xi32>
        %ne3A_313 = arith.cmpi ne, %sign3A_304, %ne3A_312 : vector<16xi32>
        %rem3A_314 = vector.broadcast %jit3A_293 : i32 to vector<16xi32>
        %rem3A_315 = arith.remsi %gather3A, %rem3A_314 : vector<16xi32>
        %ne3A_316 = arith.constant 0 : i32
        %ne3A_317 = vector.broadcast %ne3A_316 : i32 to vector<16xi32>
        %ne3A_318 = arith.cmpi ne, %rem3A_315, %ne3A_317 : vector<16xi32>
        %and3A_319 = arith.andi %ne3A_313, %ne3A_318 : vector<16xi1>
        %sub3A_320 = arith.constant 1 : i32
        %sub3A_321 = vector.broadcast %sub3A_320 : i32 to vector<16xi32>
        %sub3A_322 = arith.subi %div3A_295, %sub3A_321 : vector<16xi32>
        %select_n3A_323 = arith.select %and3A_319, %sub3A_322, %div3A_295 : vector<16xi1>, vector<16xi32>
        %mul3A_324 = arith.constant 16384 : i32
        %mul3A_325 = vector.broadcast %mul3A_324 : i32 to vector<16xi32>
        %mul3A_326 = arith.muli %select_n3A_323, %mul3A_325 : vector<16xi32>
        %sub3A_327 = arith.subi %gather3A, %mul3A_326 : vector<16xi32>
        %scan3A_328 = arith.constant 0 : i32
        %scan3A_329 = arith.constant 0 : i32
        %scan3A_330 = arith.constant 64 : i32
        %scan3A_331 = arith.addi %scan3A_329, %scan3A_330 : i32
        %scan3A_332 = arith.constant 1 : i32
        %scan3A_333 = scf.for %scan3A_336 = %scan3A_329 to %scan3A_331 step %scan3A_332 iter_args(%scan3A_337 = %scan3A_328) -> (i32)  : i32 {
          %broadcast_in_dim3A = vector.broadcast %scan3A_336 : i32 to vector<16xi32>
          %gather3A_338 = arith.constant 0 : i32
          %gather3A_339 = arith.constant 0 : i32
          %gather3A_340 = arith.constant 0 : i32
          %gather3A_341 = tpu.memref_slice %arg8[%gather3A_338, %gather3A_339, %gather3A_340] : memref<2x64x512xf32, #tpu.memory_space<vmem>> -> memref<1x64x512xf32, #tpu.memory_space<vmem>>
          %gather3A_342 = tpu.memref_squeeze %gather3A_341 : memref<1x64x512xf32, #tpu.memory_space<vmem>> -> memref<64x512xf32, #tpu.memory_space<vmem>>
          %gather3A_343 = tpu.vector_load_idx %gather3A_342[%broadcast_in_dim3A, %select_n3A_323] : memref<64x512xf32, #tpu.memory_space<vmem>>[vector<16xi32>, vector<16xi32>], vector<16xf32>,
          %broadcast_in_dim3A_344 = vector.broadcast %scan3A_336 : i32 to vector<16xi32>
          tpu.vector_store_idx %arg11[%iota3A, %broadcast_in_dim3A_344], %gather3A_343 : memref<16x128xf32, #tpu.memory_space<vmem>>[vector<16xi32>, vector<16xi32>], vector<16xf32>,
          %scan3A_345 = arith.constant 0 : i32
          scf.yield %scan3A_345 : i32
        }
        %scan3A_334 = arith.constant 64 : i32
        "tpu.region"() ({
          %run_scoped3A = tpu.sem_alloc : memref<!tpu.dma_semaphore, #tpu.memory_space<semaphore_mem>>
          %dma_start3A = arith.constant 0 : i32
          %dma_start3A_336 = arith.constant 0 : i32
          %dma_start3A_337 = tpu.memref_slice %arg5[%dma_start3A, %dma_start3A_336] : memref<16384x128xf32, #tpu.memory_space<hbm>> -> memref<16384x128xf32, #tpu.memory_space<hbm>>
          tpu.enqueue_indirect_dma source(%arg11 : memref<16x128xf32, #tpu.memory_space<vmem>>) target(%dma_start3A_337 : memref<16384x128xf32, #tpu.memory_space<hbm>>) offsets(%sub3A_327 : vector<16xi32>) semaphore(%run_scoped3A : memref<!tpu.dma_semaphore, #tpu.memory_space<semaphore_mem>>)
          %dma_wait3A_338 = arith.constant 0 : i32
          %dma_wait3A_339 = arith.constant 0 : i32
          %dma_wait3A_340 = tpu.memref_slice %arg5[%dma_wait3A_338, %dma_wait3A_339] : memref<16384x128xf32, #tpu.memory_space<hbm>> -> memref<16384x128xf32, #tpu.memory_space<hbm>>
          tpu.wait_indirect_dma semaphore(%run_scoped3A : memref<!tpu.dma_semaphore, #tpu.memory_space<semaphore_mem>>) src(%arg11 : memref<16x128xf32, #tpu.memory_space<vmem>>) dst(%dma_wait3A_340 : memref<16384x128xf32, #tpu.memory_space<hbm>>)
          tpu.yield
        }) : () -> ()
        %while3A_335 = arith.constant 0 : i32
        scf.yield %while3A_335 : i32
      }
      %while3A_196 = arith.constant 1 : i32
      %while3A_197 = scf.for %while3A_283 = %while3A_193 to %while3A_189 step %while3A_196 iter_args(%while3A_284 = %while3A_195) -> (i32)  : i32 {
        %mul3A_285 = arith.constant 16 : i32
        %mul3A_286 = arith.muli %while3A_283, %mul3A_285 : i32
        %add3A_287 = vector.broadcast %mul3A_286 : i32 to vector<16xi32>
        %add3A_288 = arith.addi %add3A_287, %iota3A : vector<16xi32>
        %sub3A_289 = arith.constant 1 : i32
        %sub3A_290 = arith.subi %while3A_157, %sub3A_289 : i32
        %max3A = arith.constant 0 : i32
        %max3A_291 = arith.maxsi %sub3A_290, %max3A : i32
        %min3A = vector.broadcast %max3A_291 : i32 to vector<16xi32>
        %min3A_292 = arith.minsi %add3A_288, %min3A : vector<16xi32>
        %gather3A = tpu.vector_load_idx %arg12[%min3A_292] : memref<16384xi32, #tpu.memory_space<vmem>>[vector<16xi32>], vector<16xi32>,
        %jit3A_293 = arith.constant 16384 : i32
        %div3A_294 = vector.broadcast %jit3A_293 : i32 to vector<16xi32>
        %div3A_295 = arith.divsi %gather3A, %div3A_294 : vector<16xi32>
        %sign3A_296 = arith.constant 0 : i32
        %sign3A_297 = vector.broadcast %sign3A_296 : i32 to vector<16xi32>
        %sign3A_298 = arith.cmpi sgt, %gather3A, %sign3A_297 : vector<16xi32>
        %sign3A_299 = arith.extui %sign3A_298 : vector<16xi1> to vector<16xi32>
        %sign3A_300 = arith.constant 0 : i32
        %sign3A_301 = vector.broadcast %sign3A_300 : i32 to vector<16xi32>
        %sign3A_302 = arith.cmpi slt, %gather3A, %sign3A_301 : vector<16xi32>
        %sign3A_303 = arith.extui %sign3A_302 : vector<16xi1> to vector<16xi32>
        %sign3A_304 = arith.subi %sign3A_299, %sign3A_303 : vector<16xi32>
        %sign3A_305 = arith.constant 0 : i32
        %sign3A_306 = arith.cmpi sgt, %jit3A_293, %sign3A_305 : i32
        %sign3A_307 = arith.extui %sign3A_306 : i1 to i32
        %sign3A_308 = arith.constant 0 : i32
        %sign3A_309 = arith.cmpi slt, %jit3A_293, %sign3A_308 : i32
        %sign3A_310 = arith.extui %sign3A_309 : i1 to i32
        %sign3A_311 = arith.subi %sign3A_307, %sign3A_310 : i32
        %ne3A_312 = vector.broadcast %sign3A_311 : i32 to vector<16xi32>
        %ne3A_313 = arith.cmpi ne, %sign3A_304, %ne3A_312 : vector<16xi32>
        %rem3A_314 = vector.broadcast %jit3A_293 : i32 to vector<16xi32>
        %rem3A_315 = arith.remsi %gather3A, %rem3A_314 : vector<16xi32>
        %ne3A_316 = arith.constant 0 : i32
        %ne3A_317 = vector.broadcast %ne3A_316 : i32 to vector<16xi32>
        %ne3A_318 = arith.cmpi ne, %rem3A_315, %ne3A_317 : vector<16xi32>
        %and3A_319 = arith.andi %ne3A_313, %ne3A_318 : vector<16xi1>
        %sub3A_320 = arith.constant 1 : i32
        %sub3A_321 = vector.broadcast %sub3A_320 : i32 to vector<16xi32>
        %sub3A_322 = arith.subi %div3A_295, %sub3A_321 : vector<16xi32>
        %select_n3A_323 = arith.select %and3A_319, %sub3A_322, %div3A_295 : vector<16xi1>, vector<16xi32>
        %mul3A_324 = arith.constant 16384 : i32
        %mul3A_325 = vector.broadcast %mul3A_324 : i32 to vector<16xi32>
        %mul3A_326 = arith.muli %select_n3A_323, %mul3A_325 : vector<16xi32>
        %sub3A_327 = arith.subi %gather3A, %mul3A_326 : vector<16xi32>
        %scan3A_328 = arith.constant 0 : i32
        %scan3A_329 = arith.constant 0 : i32
        %scan3A_330 = arith.constant 64 : i32
        %scan3A_331 = arith.addi %scan3A_329, %scan3A_330 : i32
        %scan3A_332 = arith.constant 1 : i32
        %scan3A_333 = scf.for %scan3A_336 = %scan3A_329 to %scan3A_331 step %scan3A_332 iter_args(%scan3A_337 = %scan3A_328) -> (i32)  : i32 {
          %broadcast_in_dim3A = vector.broadcast %scan3A_336 : i32 to vector<16xi32>
          %gather3A_338 = arith.constant 0 : i32
          %gather3A_339 = arith.constant 0 : i32
          %gather3A_340 = arith.constant 0 : i32
          %gather3A_341 = tpu.memref_slice %arg8[%gather3A_338, %gather3A_339, %gather3A_340] : memref<2x64x512xf32, #tpu.memory_space<vmem>> -> memref<1x64x512xf32, #tpu.memory_space<vmem>>
          %gather3A_342 = tpu.memref_squeeze %gather3A_341 : memref<1x64x512xf32, #tpu.memory_space<vmem>> -> memref<64x512xf32, #tpu.memory_space<vmem>>
          %gather3A_343 = tpu.vector_load_idx %gather3A_342[%broadcast_in_dim3A, %select_n3A_323] : memref<64x512xf32, #tpu.memory_space<vmem>>[vector<16xi32>, vector<16xi32>], vector<16xf32>,
          %broadcast_in_dim3A_344 = vector.broadcast %scan3A_336 : i32 to vector<16xi32>
          tpu.vector_store_idx %arg11[%iota3A, %broadcast_in_dim3A_344], %gather3A_343 : memref<16x128xf32, #tpu.memory_space<vmem>>[vector<16xi32>, vector<16xi32>], vector<16xf32>,
          %scan3A_345 = arith.constant 0 : i32
          scf.yield %scan3A_345 : i32
        }
        %scan3A_334 = arith.constant 64 : i32
        "tpu.region"() ({
          %run_scoped3A = tpu.sem_alloc : memref<!tpu.dma_semaphore, #tpu.memory_space<semaphore_mem>>
          %dma_start3A = arith.constant 0 : i32
          %dma_start3A_336 = arith.constant 0 : i32
          %dma_start3A_337 = tpu.memref_slice %arg5[%dma_start3A, %dma_start3A_336] : memref<16384x128xf32, #tpu.memory_space<hbm>> -> memref<16384x128xf32, #tpu.memory_space<hbm>>
          tpu.enqueue_indirect_dma source(%arg11 : memref<16x128xf32, #tpu.memory_space<vmem>>) target(%dma_start3A_337 : memref<16384x128xf32, #tpu.memory_space<hbm>>) offsets(%sub3A_327 : vector<16xi32>) semaphore(%run_scoped3A : memref<!tpu.dma_semaphore, #tpu.memory_space<semaphore_mem>>)
          %dma_wait3A_338 = arith.constant 0 : i32
          %dma_wait3A_339 = arith.constant 0 : i32
          %dma_wait3A_340 = tpu.memref_slice %arg5[%dma_wait3A_338, %dma_wait3A_339] : memref<16384x128xf32, #tpu.memory_space<hbm>> -> memref<16384x128xf32, #tpu.memory_space<hbm>>
          tpu.wait_indirect_dma semaphore(%run_scoped3A : memref<!tpu.dma_semaphore, #tpu.memory_space<semaphore_mem>>) src(%arg11 : memref<16x128xf32, #tpu.memory_space<vmem>>) dst(%dma_wait3A_340 : memref<16384x128xf32, #tpu.memory_space<hbm>>)
          tpu.yield
        }) : () -> ()
        %while3A_335 = arith.constant 0 : i32
        scf.yield %while3A_335 : i32
      }
      %add3A_198 = arith.constant 2 : i32
      %add3A_199 = arith.addi %mul3A_108, %add3A_198 : i32
      %mul3A_200 = arith.constant 512 : i32
      %mul3A_201 = arith.muli %add3A_199, %mul3A_200 : i32
      %add3A_202 = arith.addi %select_n3A, %mul3A_201 : i32
      %multiple_of3A_203 = tpu.assume_multiple %add3A_202, 128 : i32
      %lt3A_204 = arith.cmpi slt, %add3A_199, %select_n3A_8 : i32
      %lt3A_205 = arith.constant 62 : i32
      %lt3A_206 = arith.cmpi slt, %add3A_199, %lt3A_205 : i32
      %and3A_207 = arith.andi %lt3A_204, %lt3A_206 : i1
      %convert_element_type3A_208 = arith.extui %and3A_207 : i1 to i32
      %cond3A_209 = arith.constant 0 : i32
      %cond3A_210 = arith.cmpi ne, %convert_element_type3A_208, %cond3A_209 : i32
      scf.if %cond3A_210 {
        %dma_start3A = arith.constant 0 : i32
        %dma_start3A_283 = arith.constant 0 : i32
        %dma_start3A_284 = arith.constant 0 : i32
        %dma_start3A_285 = tpu.memref_slice %arg8[%dma_start3A, %dma_start3A_283, %dma_start3A_284] : memref<2x64x512xf32, #tpu.memory_space<vmem>> -> memref<1x64x512xf32, #tpu.memory_space<vmem>>
        %dma_start3A_286 = tpu.memref_squeeze %dma_start3A_285 : memref<1x64x512xf32, #tpu.memory_space<vmem>> -> memref<64x512xf32, #tpu.memory_space<vmem>>
        %dma_start3A_287 = arith.constant 0 : i32
        %dma_start3A_288 = tpu.memref_slice %arg3[%dma_start3A_287, %multiple_of3A_203] : memref<64x1000000xf32, #tpu.memory_space<hbm>> -> memref<64x512xf32, #tpu.memory_space<hbm>>
        %dma_start3A_289 = arith.constant 0 : i32
        %dma_start3A_290 = arith.constant 0 : i32
        %dma_start3A_291 = tpu.memref_slice %arg8[%dma_start3A, %dma_start3A_289, %dma_start3A_290] : memref<2x64x512xf32, #tpu.memory_space<vmem>> -> memref<1x64x512xf32, #tpu.memory_space<vmem>>
        %dma_start3A_292 = tpu.memref_squeeze %dma_start3A_291 : memref<1x64x512xf32, #tpu.memory_space<vmem>> -> memref<64x512xf32, #tpu.memory_space<vmem>>
        %dma_start3A_293 = arith.constant 0 : i32
        %dma_start3A_294 = tpu.memref_slice %arg3[%dma_start3A_293, %multiple_of3A_203] : memref<64x1000000xf32, #tpu.memory_space<hbm>> -> memref<64x512xf32, #tpu.memory_space<hbm>>
        tpu.enqueue_dma source(%dma_start3A_294 : memref<64x512xf32, #tpu.memory_space<hbm>>) target(%dma_start3A_292 : memref<64x512xf32, #tpu.memory_space<vmem>>) target_semaphore(%arg9 : memref<!tpu.dma_semaphore, #tpu.memory_space<semaphore_mem>>)
      } else {
      }
      %lt3A_211 = arith.cmpi slt, %add3A_199, %select_n3A_8 : i32
      %ge3A_212 = arith.constant 62 : i32
      %ge3A_213 = arith.cmpi sge, %add3A_199, %ge3A_212 : i32
      %and3A_214 = arith.andi %lt3A_211, %ge3A_213 : i1
      %convert_element_type3A_215 = arith.extui %and3A_214 : i1 to i32
      %cond3A_216 = arith.constant 0 : i32
      %cond3A_217 = arith.cmpi ne, %convert_element_type3A_215, %cond3A_216 : i32
      scf.if %cond3A_217 {
        %dma_start3A = arith.constant 0 : i32
        %dma_start3A_283 = arith.constant 0 : i32
        %dma_start3A_284 = arith.constant 0 : i32
        %dma_start3A_285 = tpu.memref_slice %arg8[%dma_start3A, %dma_start3A_283, %dma_start3A_284] : memref<2x64x512xf32, #tpu.memory_space<vmem>> -> memref<1x64x512xf32, #tpu.memory_space<vmem>>
        %dma_start3A_286 = tpu.memref_squeeze %dma_start3A_285 : memref<1x64x512xf32, #tpu.memory_space<vmem>> -> memref<64x512xf32, #tpu.memory_space<vmem>>
        %dma_start3A_287 = arith.constant 0 : i32
        %dma_start3A_288 = arith.constant 0 : i32
        %dma_start3A_289 = tpu.memref_slice %arg8[%dma_start3A, %dma_start3A_287, %dma_start3A_288] : memref<2x64x512xf32, #tpu.memory_space<vmem>> -> memref<1x64x512xf32, #tpu.memory_space<vmem>>
        %dma_start3A_290 = tpu.memref_squeeze %dma_start3A_289 : memref<1x64x512xf32, #tpu.memory_space<vmem>> -> memref<64x512xf32, #tpu.memory_space<vmem>>
        tpu.enqueue_dma source(%arg4 : memref<64x512xf32, #tpu.memory_space<hbm>>) target(%dma_start3A_290 : memref<64x512xf32, #tpu.memory_space<vmem>>) target_semaphore(%arg9 : memref<!tpu.dma_semaphore, #tpu.memory_space<semaphore_mem>>)
      } else {
      }
      %add3A_218 = arith.constant 1 : i32
      %add3A_219 = arith.addi %mul3A_108, %add3A_218 : i32
      %lt3A_220 = arith.cmpi slt, %add3A_219, %select_n3A_8 : i32
      %convert_element_type3A_221 = arith.extui %lt3A_220 : i1 to i32
      %cond3A_222 = arith.constant 0 : i32
      %cond3A_223 = arith.cmpi ne, %convert_element_type3A_221, %cond3A_222 : i32
      scf.if %cond3A_223 {
        %dma_wait3A_283 = arith.constant 1 : i32
        %dma_wait3A_284 = arith.constant 0 : i32
        %dma_wait3A_285 = arith.constant 0 : i32
        %dma_wait3A_286 = tpu.memref_slice %arg8[%dma_wait3A_283, %dma_wait3A_284, %dma_wait3A_285] : memref<2x64x512xf32, #tpu.memory_space<vmem>> -> memref<1x64x512xf32, #tpu.memory_space<vmem>>
        %dma_wait3A_287 = tpu.memref_squeeze %dma_wait3A_286 : memref<1x64x512xf32, #tpu.memory_space<vmem>> -> memref<64x512xf32, #tpu.memory_space<vmem>>
        %dma_wait3A_288 = arith.constant 0 : i32
        %dma_wait3A_289 = arith.constant 0 : i32
        %dma_wait3A_290 = tpu.memref_slice %arg3[%dma_wait3A_288, %dma_wait3A_289] : memref<64x1000000xf32, #tpu.memory_space<hbm>> -> memref<64x512xf32, #tpu.memory_space<hbm>>
        %dma_wait3A_291 = arith.constant 0 : i32
        %dma_wait3A_292 = arith.constant 0 : i32
        %dma_wait3A_293 = tpu.memref_slice %arg8[%dma_wait3A_283, %dma_wait3A_291, %dma_wait3A_292] : memref<2x64x512xf32, #tpu.memory_space<vmem>> -> memref<1x64x512xf32, #tpu.memory_space<vmem>>
        %dma_wait3A_294 = tpu.memref_squeeze %dma_wait3A_293 : memref<1x64x512xf32, #tpu.memory_space<vmem>> -> memref<64x512xf32, #tpu.memory_space<vmem>>
        %dma_wait3A_295 = arith.constant 0 : i32
        %dma_wait3A_296 = arith.constant 0 : i32
        %dma_wait3A_297 = tpu.memref_slice %arg3[%dma_wait3A_295, %dma_wait3A_296] : memref<64x1000000xf32, #tpu.memory_space<hbm>> -> memref<64x512xf32, #tpu.memory_space<hbm>>
        tpu.wait_dma2 semaphore(%arg10 : memref<!tpu.dma_semaphore, #tpu.memory_space<semaphore_mem>>) src(%dma_wait3A_297 : memref<64x512xf32, #tpu.memory_space<hbm>>) dst(%dma_wait3A_294 : memref<64x512xf32, #tpu.memory_space<vmem>>)
      } else {
      }
      %add3A_224 = arith.constant 1 : i32
      %add3A_225 = arith.addi %mul3A_108, %add3A_224 : i32
      %mul3A_226 = arith.constant 512 : i32
      %mul3A_227 = arith.muli %add3A_225, %mul3A_226 : i32
      %add3A_228 = arith.addi %select_n3A, %mul3A_227 : i32
      %mul3A_229 = arith.constant 512 : i32
      %mul3A_230 = arith.muli %add3A_225, %mul3A_229 : i32
      %while3A_231 = arith.constant 0 : i32
      %while3A_232 = arith.constant 0 : i32
      %while3A_233 = arith.subi %select_n3A_57, %while3A_231 : i32
      %while3A_234 = arith.addi %while3A_231, %while3A_233 : i32
      %while3A_235 = arith.constant 1 : i32
      %while3A_236 = arith.divsi %while3A_233, %while3A_235 : i32
      %while3A_237 = arith.muli %while3A_236, %while3A_235 : i32
      %while3A_238 = arith.addi %while3A_231, %while3A_237 : i32
      %while3A_239 = arith.constant 1 : i32
      %while3A_240 = scf.for %while3A_283 = %while3A_231 to %while3A_238 step %while3A_239 iter_args(%while3A_284 = %while3A_232) -> (i32)  : i32 {
        %mul3A_285 = arith.constant 16 : i32
        %mul3A_286 = arith.muli %while3A_283, %mul3A_285 : i32
        %add3A_287 = vector.broadcast %mul3A_286 : i32 to vector<16xi32>
        %add3A_288 = arith.addi %add3A_287, %iota3A : vector<16xi32>
        %min3A = arith.constant 16383 : i32
        %min3A_289 = vector.broadcast %min3A : i32 to vector<16xi32>
        %min3A_290 = arith.minsi %add3A_288, %min3A_289 : vector<16xi32>
        %gather3A = tpu.vector_load_idx %arg7[%min3A_290] : memref<16384xi32, #tpu.memory_space<vmem>>[vector<16xi32>], vector<16xi32>,
        %jit3A_291 = arith.constant 16384 : i32
        %div3A_292 = vector.broadcast %jit3A_291 : i32 to vector<16xi32>
        %div3A_293 = arith.divsi %gather3A, %div3A_292 : vector<16xi32>
        %sign3A_294 = arith.constant 0 : i32
        %sign3A_295 = vector.broadcast %sign3A_294 : i32 to vector<16xi32>
        %sign3A_296 = arith.cmpi sgt, %gather3A, %sign3A_295 : vector<16xi32>
        %sign3A_297 = arith.extui %sign3A_296 : vector<16xi1> to vector<16xi32>
        %sign3A_298 = arith.constant 0 : i32
        %sign3A_299 = vector.broadcast %sign3A_298 : i32 to vector<16xi32>
        %sign3A_300 = arith.cmpi slt, %gather3A, %sign3A_299 : vector<16xi32>
        %sign3A_301 = arith.extui %sign3A_300 : vector<16xi1> to vector<16xi32>
        %sign3A_302 = arith.subi %sign3A_297, %sign3A_301 : vector<16xi32>
        %sign3A_303 = arith.constant 0 : i32
        %sign3A_304 = arith.cmpi sgt, %jit3A_291, %sign3A_303 : i32
        %sign3A_305 = arith.extui %sign3A_304 : i1 to i32
        %sign3A_306 = arith.constant 0 : i32
        %sign3A_307 = arith.cmpi slt, %jit3A_291, %sign3A_306 : i32
        %sign3A_308 = arith.extui %sign3A_307 : i1 to i32
        %sign3A_309 = arith.subi %sign3A_305, %sign3A_308 : i32
        %ne3A_310 = vector.broadcast %sign3A_309 : i32 to vector<16xi32>
        %ne3A_311 = arith.cmpi ne, %sign3A_302, %ne3A_310 : vector<16xi32>
        %rem3A_312 = vector.broadcast %jit3A_291 : i32 to vector<16xi32>
        %rem3A_313 = arith.remsi %gather3A, %rem3A_312 : vector<16xi32>
        %ne3A_314 = arith.constant 0 : i32
        %ne3A_315 = vector.broadcast %ne3A_314 : i32 to vector<16xi32>
        %ne3A_316 = arith.cmpi ne, %rem3A_313, %ne3A_315 : vector<16xi32>
        %and3A_317 = arith.andi %ne3A_311, %ne3A_316 : vector<16xi1>
        %sub3A_318 = arith.constant 1 : i32
        %sub3A_319 = vector.broadcast %sub3A_318 : i32 to vector<16xi32>
        %sub3A_320 = arith.subi %div3A_293, %sub3A_319 : vector<16xi32>
        %select_n3A_321 = arith.select %and3A_317, %sub3A_320, %div3A_293 : vector<16xi1>, vector<16xi32>
        %mul3A_322 = arith.constant 16384 : i32
        %mul3A_323 = vector.broadcast %mul3A_322 : i32 to vector<16xi32>
        %mul3A_324 = arith.muli %select_n3A_321, %mul3A_323 : vector<16xi32>
        %sub3A_325 = arith.subi %gather3A, %mul3A_324 : vector<16xi32>
        %lt3A_326 = vector.broadcast %scan3A_34 : i32 to vector<16xi32>
        %lt3A_327 = arith.cmpi slt, %add3A_288, %lt3A_326 : vector<16xi32>
        %ge3A_328 = vector.broadcast %mul3A_230 : i32 to vector<16xi32>
        %ge3A_329 = arith.cmpi sge, %select_n3A_321, %ge3A_328 : vector<16xi32>
        %and3A_330 = arith.andi %lt3A_327, %ge3A_329 : vector<16xi1>
        %add3A_331 = arith.constant 512 : i32
        %add3A_332 = arith.addi %mul3A_230, %add3A_331 : i32
        %lt3A_333 = vector.broadcast %add3A_332 : i32 to vector<16xi32>
        %lt3A_334 = arith.cmpi slt, %select_n3A_321, %lt3A_333 : vector<16xi32>
        %and3A_335 = arith.andi %and3A_330, %lt3A_334 : vector<16xi1>
        %lt3A_336 = arith.cmpi slt, %add3A_225, %select_n3A_8 : i32
        %and3A_337 = vector.broadcast %lt3A_336 : i1 to vector<16xi1>
        %and3A_338 = arith.andi %and3A_335, %and3A_337 : vector<16xi1>
        %convert_element_type3A_339 = arith.extui %and3A_338 : vector<16xi1> to vector<16xi32>
        %broadcast_in_dim3A = arith.constant true
        %broadcast_in_dim3A_340 = vector.broadcast %broadcast_in_dim3A : i1 to vector<16xi1>
        %masked_cumsum3A = tpu.scan <sum>, %convert_element_type3A_339 masked %broadcast_in_dim3A_340 : vector<16xi32>, vector<16xi1> -> vector<16xi32>
        %add3A_341 = vector.broadcast %while3A_284 : i32 to vector<16xi32>
        %add3A_342 = arith.addi %add3A_341, %masked_cumsum3A : vector<16xi32>
        %sub3A_343 = arith.constant 1 : i32
        %sub3A_344 = vector.broadcast %sub3A_343 : i32 to vector<16xi32>
        %sub3A_345 = arith.subi %add3A_342, %sub3A_344 : vector<16xi32>
        %max3A = arith.constant 0 : i32
        %max3A_346 = vector.broadcast %max3A : i32 to vector<16xi32>
        %max3A_347 = arith.maxsi %sub3A_345, %max3A_346 : vector<16xi32>
        %sub3A_348 = vector.broadcast %mul3A_230 : i32 to vector<16xi32>
        %sub3A_349 = arith.subi %select_n3A_321, %sub3A_348 : vector<16xi32>
        %mul3A_350 = arith.constant 16384 : i32
        %mul3A_351 = vector.broadcast %mul3A_350 : i32 to vector<16xi32>
        %mul3A_352 = arith.muli %sub3A_349, %mul3A_351 : vector<16xi32>
        %add3A_353 = arith.addi %mul3A_352, %sub3A_325 : vector<16xi32>
        tpu.vector_store_idx %arg12[%max3A_347], %add3A_353 masked %and3A_338 : memref<16384xi32, #tpu.memory_space<vmem>>[vector<16xi32>], vector<16xi32>, vector<16xi1>
        %reduce_sum3A = arith.constant true
        %reduce_sum3A_354 = vector.broadcast %reduce_sum3A : i1 to vector<16xi1>
        %reduce_sum3A_355 = tpu.scan <sum>, %convert_element_type3A_339 masked %reduce_sum3A_354 : vector<16xi32>, vector<16xi1> -> vector<16xi32>
        %reduce_sum3A_356 = vector.extract %reduce_sum3A_355[15] : i32 from vector<16xi32>
        %add3A_357 = arith.addi %while3A_284, %reduce_sum3A_356 : i32
        scf.yield %add3A_357 : i32
      }
      %while3A_241 = arith.constant 1 : i32
      %while3A_242 = scf.for %while3A_283 = %while3A_238 to %while3A_234 step %while3A_241 iter_args(%while3A_284 = %while3A_240) -> (i32)  : i32 {
        %mul3A_285 = arith.constant 16 : i32
        %mul3A_286 = arith.muli %while3A_283, %mul3A_285 : i32
        %add3A_287 = vector.broadcast %mul3A_286 : i32 to vector<16xi32>
        %add3A_288 = arith.addi %add3A_287, %iota3A : vector<16xi32>
        %min3A = arith.constant 16383 : i32
        %min3A_289 = vector.broadcast %min3A : i32 to vector<16xi32>
        %min3A_290 = arith.minsi %add3A_288, %min3A_289 : vector<16xi32>
        %gather3A = tpu.vector_load_idx %arg7[%min3A_290] : memref<16384xi32, #tpu.memory_space<vmem>>[vector<16xi32>], vector<16xi32>,
        %jit3A_291 = arith.constant 16384 : i32
        %div3A_292 = vector.broadcast %jit3A_291 : i32 to vector<16xi32>
        %div3A_293 = arith.divsi %gather3A, %div3A_292 : vector<16xi32>
        %sign3A_294 = arith.constant 0 : i32
        %sign3A_295 = vector.broadcast %sign3A_294 : i32 to vector<16xi32>
        %sign3A_296 = arith.cmpi sgt, %gather3A, %sign3A_295 : vector<16xi32>
        %sign3A_297 = arith.extui %sign3A_296 : vector<16xi1> to vector<16xi32>
        %sign3A_298 = arith.constant 0 : i32
        %sign3A_299 = vector.broadcast %sign3A_298 : i32 to vector<16xi32>
        %sign3A_300 = arith.cmpi slt, %gather3A, %sign3A_299 : vector<16xi32>
        %sign3A_301 = arith.extui %sign3A_300 : vector<16xi1> to vector<16xi32>
        %sign3A_302 = arith.subi %sign3A_297, %sign3A_301 : vector<16xi32>
        %sign3A_303 = arith.constant 0 : i32
        %sign3A_304 = arith.cmpi sgt, %jit3A_291, %sign3A_303 : i32
        %sign3A_305 = arith.extui %sign3A_304 : i1 to i32
        %sign3A_306 = arith.constant 0 : i32
        %sign3A_307 = arith.cmpi slt, %jit3A_291, %sign3A_306 : i32
        %sign3A_308 = arith.extui %sign3A_307 : i1 to i32
        %sign3A_309 = arith.subi %sign3A_305, %sign3A_308 : i32
        %ne3A_310 = vector.broadcast %sign3A_309 : i32 to vector<16xi32>
        %ne3A_311 = arith.cmpi ne, %sign3A_302, %ne3A_310 : vector<16xi32>
        %rem3A_312 = vector.broadcast %jit3A_291 : i32 to vector<16xi32>
        %rem3A_313 = arith.remsi %gather3A, %rem3A_312 : vector<16xi32>
        %ne3A_314 = arith.constant 0 : i32
        %ne3A_315 = vector.broadcast %ne3A_314 : i32 to vector<16xi32>
        %ne3A_316 = arith.cmpi ne, %rem3A_313, %ne3A_315 : vector<16xi32>
        %and3A_317 = arith.andi %ne3A_311, %ne3A_316 : vector<16xi1>
        %sub3A_318 = arith.constant 1 : i32
        %sub3A_319 = vector.broadcast %sub3A_318 : i32 to vector<16xi32>
        %sub3A_320 = arith.subi %div3A_293, %sub3A_319 : vector<16xi32>
        %select_n3A_321 = arith.select %and3A_317, %sub3A_320, %div3A_293 : vector<16xi1>, vector<16xi32>
        %mul3A_322 = arith.constant 16384 : i32
        %mul3A_323 = vector.broadcast %mul3A_322 : i32 to vector<16xi32>
        %mul3A_324 = arith.muli %select_n3A_321, %mul3A_323 : vector<16xi32>
        %sub3A_325 = arith.subi %gather3A, %mul3A_324 : vector<16xi32>
        %lt3A_326 = vector.broadcast %scan3A_34 : i32 to vector<16xi32>
        %lt3A_327 = arith.cmpi slt, %add3A_288, %lt3A_326 : vector<16xi32>
        %ge3A_328 = vector.broadcast %mul3A_230 : i32 to vector<16xi32>
        %ge3A_329 = arith.cmpi sge, %select_n3A_321, %ge3A_328 : vector<16xi32>
        %and3A_330 = arith.andi %lt3A_327, %ge3A_329 : vector<16xi1>
        %add3A_331 = arith.constant 512 : i32
        %add3A_332 = arith.addi %mul3A_230, %add3A_331 : i32
        %lt3A_333 = vector.broadcast %add3A_332 : i32 to vector<16xi32>
        %lt3A_334 = arith.cmpi slt, %select_n3A_321, %lt3A_333 : vector<16xi32>
        %and3A_335 = arith.andi %and3A_330, %lt3A_334 : vector<16xi1>
        %lt3A_336 = arith.cmpi slt, %add3A_225, %select_n3A_8 : i32
        %and3A_337 = vector.broadcast %lt3A_336 : i1 to vector<16xi1>
        %and3A_338 = arith.andi %and3A_335, %and3A_337 : vector<16xi1>
        %convert_element_type3A_339 = arith.extui %and3A_338 : vector<16xi1> to vector<16xi32>
        %broadcast_in_dim3A = arith.constant true
        %broadcast_in_dim3A_340 = vector.broadcast %broadcast_in_dim3A : i1 to vector<16xi1>
        %masked_cumsum3A = tpu.scan <sum>, %convert_element_type3A_339 masked %broadcast_in_dim3A_340 : vector<16xi32>, vector<16xi1> -> vector<16xi32>
        %add3A_341 = vector.broadcast %while3A_284 : i32 to vector<16xi32>
        %add3A_342 = arith.addi %add3A_341, %masked_cumsum3A : vector<16xi32>
        %sub3A_343 = arith.constant 1 : i32
        %sub3A_344 = vector.broadcast %sub3A_343 : i32 to vector<16xi32>
        %sub3A_345 = arith.subi %add3A_342, %sub3A_344 : vector<16xi32>
        %max3A = arith.constant 0 : i32
        %max3A_346 = vector.broadcast %max3A : i32 to vector<16xi32>
        %max3A_347 = arith.maxsi %sub3A_345, %max3A_346 : vector<16xi32>
        %sub3A_348 = vector.broadcast %mul3A_230 : i32 to vector<16xi32>
        %sub3A_349 = arith.subi %select_n3A_321, %sub3A_348 : vector<16xi32>
        %mul3A_350 = arith.constant 16384 : i32
        %mul3A_351 = vector.broadcast %mul3A_350 : i32 to vector<16xi32>
        %mul3A_352 = arith.muli %sub3A_349, %mul3A_351 : vector<16xi32>
        %add3A_353 = arith.addi %mul3A_352, %sub3A_325 : vector<16xi32>
        tpu.vector_store_idx %arg12[%max3A_347], %add3A_353 masked %and3A_338 : memref<16384xi32, #tpu.memory_space<vmem>>[vector<16xi32>], vector<16xi32>, vector<16xi1>
        %reduce_sum3A = arith.constant true
        %reduce_sum3A_354 = vector.broadcast %reduce_sum3A : i1 to vector<16xi1>
        %reduce_sum3A_355 = tpu.scan <sum>, %convert_element_type3A_339 masked %reduce_sum3A_354 : vector<16xi32>, vector<16xi1> -> vector<16xi32>
        %reduce_sum3A_356 = vector.extract %reduce_sum3A_355[15] : i32 from vector<16xi32>
        %add3A_357 = arith.addi %while3A_284, %reduce_sum3A_356 : i32
        scf.yield %add3A_357 : i32
      }
      %add3A_243 = arith.constant 16 : i32
      %add3A_244 = arith.addi %while3A_242, %add3A_243 : i32
      %sub3A_245 = arith.constant 1 : i32
      %sub3A_246 = arith.subi %add3A_244, %sub3A_245 : i32
      %jit3A_247 = arith.constant 16 : i32
      %div3A_248 = arith.divsi %sub3A_246, %jit3A_247 : i32
      %sign3A_249 = arith.constant 0 : i32
      %sign3A_250 = arith.cmpi sgt, %sub3A_246, %sign3A_249 : i32
      %sign3A_251 = arith.extui %sign3A_250 : i1 to i32
      %sign3A_252 = arith.constant 0 : i32
      %sign3A_253 = arith.cmpi slt, %sub3A_246, %sign3A_252 : i32
      %sign3A_254 = arith.extui %sign3A_253 : i1 to i32
      %sign3A_255 = arith.subi %sign3A_251, %sign3A_254 : i32
      %sign3A_256 = arith.constant 0 : i32
      %sign3A_257 = arith.cmpi sgt, %jit3A_247, %sign3A_256 : i32
      %sign3A_258 = arith.extui %sign3A_257 : i1 to i32
      %sign3A_259 = arith.constant 0 : i32
      %sign3A_260 = arith.cmpi slt, %jit3A_247, %sign3A_259 : i32
      %sign3A_261 = arith.extui %sign3A_260 : i1 to i32
      %sign3A_262 = arith.subi %sign3A_258, %sign3A_261 : i32
      %ne3A_263 = arith.cmpi ne, %sign3A_255, %sign3A_262 : i32
      %rem3A_264 = arith.remsi %sub3A_246, %jit3A_247 : i32
      %ne3A_265 = arith.constant 0 : i32
      %ne3A_266 = arith.cmpi ne, %rem3A_264, %ne3A_265 : i32
      %and3A_267 = arith.andi %ne3A_263, %ne3A_266 : i1
      %sub3A_268 = arith.constant 1 : i32
      %sub3A_269 = arith.subi %div3A_248, %sub3A_268 : i32
      %select_n3A_270 = arith.select %and3A_267, %sub3A_269, %div3A_248 : i32
      %while3A_271 = arith.constant 0 : i32
      %while3A_272 = arith.constant 0 : i32
      %while3A_273 = arith.subi %select_n3A_270, %while3A_271 : i32
      %while3A_274 = arith.addi %while3A_271, %while3A_273 : i32
      %while3A_275 = arith.constant 1 : i32
      %while3A_276 = arith.divsi %while3A_273, %while3A_275 : i32
      %while3A_277 = arith.muli %while3A_276, %while3A_275 : i32
      %while3A_278 = arith.addi %while3A_271, %while3A_277 : i32
      %while3A_279 = arith.constant 1 : i32
      %while3A_280 = scf.for %while3A_283 = %while3A_271 to %while3A_278 step %while3A_279 iter_args(%while3A_284 = %while3A_272) -> (i32)  : i32 {
        %mul3A_285 = arith.constant 16 : i32
        %mul3A_286 = arith.muli %while3A_283, %mul3A_285 : i32
        %add3A_287 = vector.broadcast %mul3A_286 : i32 to vector<16xi32>
        %add3A_288 = arith.addi %add3A_287, %iota3A : vector<16xi32>
        %sub3A_289 = arith.constant 1 : i32
        %sub3A_290 = arith.subi %while3A_242, %sub3A_289 : i32
        %max3A = arith.constant 0 : i32
        %max3A_291 = arith.maxsi %sub3A_290, %max3A : i32
        %min3A = vector.broadcast %max3A_291 : i32 to vector<16xi32>
        %min3A_292 = arith.minsi %add3A_288, %min3A : vector<16xi32>
        %gather3A = tpu.vector_load_idx %arg12[%min3A_292] : memref<16384xi32, #tpu.memory_space<vmem>>[vector<16xi32>], vector<16xi32>,
        %jit3A_293 = arith.constant 16384 : i32
        %div3A_294 = vector.broadcast %jit3A_293 : i32 to vector<16xi32>
        %div3A_295 = arith.divsi %gather3A, %div3A_294 : vector<16xi32>
        %sign3A_296 = arith.constant 0 : i32
        %sign3A_297 = vector.broadcast %sign3A_296 : i32 to vector<16xi32>
        %sign3A_298 = arith.cmpi sgt, %gather3A, %sign3A_297 : vector<16xi32>
        %sign3A_299 = arith.extui %sign3A_298 : vector<16xi1> to vector<16xi32>
        %sign3A_300 = arith.constant 0 : i32
        %sign3A_301 = vector.broadcast %sign3A_300 : i32 to vector<16xi32>
        %sign3A_302 = arith.cmpi slt, %gather3A, %sign3A_301 : vector<16xi32>
        %sign3A_303 = arith.extui %sign3A_302 : vector<16xi1> to vector<16xi32>
        %sign3A_304 = arith.subi %sign3A_299, %sign3A_303 : vector<16xi32>
        %sign3A_305 = arith.constant 0 : i32
        %sign3A_306 = arith.cmpi sgt, %jit3A_293, %sign3A_305 : i32
        %sign3A_307 = arith.extui %sign3A_306 : i1 to i32
        %sign3A_308 = arith.constant 0 : i32
        %sign3A_309 = arith.cmpi slt, %jit3A_293, %sign3A_308 : i32
        %sign3A_310 = arith.extui %sign3A_309 : i1 to i32
        %sign3A_311 = arith.subi %sign3A_307, %sign3A_310 : i32
        %ne3A_312 = vector.broadcast %sign3A_311 : i32 to vector<16xi32>
        %ne3A_313 = arith.cmpi ne, %sign3A_304, %ne3A_312 : vector<16xi32>
        %rem3A_314 = vector.broadcast %jit3A_293 : i32 to vector<16xi32>
        %rem3A_315 = arith.remsi %gather3A, %rem3A_314 : vector<16xi32>
        %ne3A_316 = arith.constant 0 : i32
        %ne3A_317 = vector.broadcast %ne3A_316 : i32 to vector<16xi32>
        %ne3A_318 = arith.cmpi ne, %rem3A_315, %ne3A_317 : vector<16xi32>
        %and3A_319 = arith.andi %ne3A_313, %ne3A_318 : vector<16xi1>
        %sub3A_320 = arith.constant 1 : i32
        %sub3A_321 = vector.broadcast %sub3A_320 : i32 to vector<16xi32>
        %sub3A_322 = arith.subi %div3A_295, %sub3A_321 : vector<16xi32>
        %select_n3A_323 = arith.select %and3A_319, %sub3A_322, %div3A_295 : vector<16xi1>, vector<16xi32>
        %mul3A_324 = arith.constant 16384 : i32
        %mul3A_325 = vector.broadcast %mul3A_324 : i32 to vector<16xi32>
        %mul3A_326 = arith.muli %select_n3A_323, %mul3A_325 : vector<16xi32>
        %sub3A_327 = arith.subi %gather3A, %mul3A_326 : vector<16xi32>
        %scan3A_328 = arith.constant 0 : i32
        %scan3A_329 = arith.constant 0 : i32
        %scan3A_330 = arith.constant 64 : i32
        %scan3A_331 = arith.addi %scan3A_329, %scan3A_330 : i32
        %scan3A_332 = arith.constant 1 : i32
        %scan3A_333 = scf.for %scan3A_336 = %scan3A_329 to %scan3A_331 step %scan3A_332 iter_args(%scan3A_337 = %scan3A_328) -> (i32)  : i32 {
          %broadcast_in_dim3A = vector.broadcast %scan3A_336 : i32 to vector<16xi32>
          %gather3A_338 = arith.constant 1 : i32
          %gather3A_339 = arith.constant 0 : i32
          %gather3A_340 = arith.constant 0 : i32
          %gather3A_341 = tpu.memref_slice %arg8[%gather3A_338, %gather3A_339, %gather3A_340] : memref<2x64x512xf32, #tpu.memory_space<vmem>> -> memref<1x64x512xf32, #tpu.memory_space<vmem>>
          %gather3A_342 = tpu.memref_squeeze %gather3A_341 : memref<1x64x512xf32, #tpu.memory_space<vmem>> -> memref<64x512xf32, #tpu.memory_space<vmem>>
          %gather3A_343 = tpu.vector_load_idx %gather3A_342[%broadcast_in_dim3A, %select_n3A_323] : memref<64x512xf32, #tpu.memory_space<vmem>>[vector<16xi32>, vector<16xi32>], vector<16xf32>,
          %broadcast_in_dim3A_344 = vector.broadcast %scan3A_336 : i32 to vector<16xi32>
          tpu.vector_store_idx %arg11[%iota3A, %broadcast_in_dim3A_344], %gather3A_343 : memref<16x128xf32, #tpu.memory_space<vmem>>[vector<16xi32>, vector<16xi32>], vector<16xf32>,
          %scan3A_345 = arith.constant 0 : i32
          scf.yield %scan3A_345 : i32
        }
        %scan3A_334 = arith.constant 64 : i32
        "tpu.region"() ({
          %run_scoped3A = tpu.sem_alloc : memref<!tpu.dma_semaphore, #tpu.memory_space<semaphore_mem>>
          %dma_start3A = arith.constant 0 : i32
          %dma_start3A_336 = arith.constant 0 : i32
          %dma_start3A_337 = tpu.memref_slice %arg5[%dma_start3A, %dma_start3A_336] : memref<16384x128xf32, #tpu.memory_space<hbm>> -> memref<16384x128xf32, #tpu.memory_space<hbm>>
          tpu.enqueue_indirect_dma source(%arg11 : memref<16x128xf32, #tpu.memory_space<vmem>>) target(%dma_start3A_337 : memref<16384x128xf32, #tpu.memory_space<hbm>>) offsets(%sub3A_327 : vector<16xi32>) semaphore(%run_scoped3A : memref<!tpu.dma_semaphore, #tpu.memory_space<semaphore_mem>>)
          %dma_wait3A_338 = arith.constant 0 : i32
          %dma_wait3A_339 = arith.constant 0 : i32
          %dma_wait3A_340 = tpu.memref_slice %arg5[%dma_wait3A_338, %dma_wait3A_339] : memref<16384x128xf32, #tpu.memory_space<hbm>> -> memref<16384x128xf32, #tpu.memory_space<hbm>>
          tpu.wait_indirect_dma semaphore(%run_scoped3A : memref<!tpu.dma_semaphore, #tpu.memory_space<semaphore_mem>>) src(%arg11 : memref<16x128xf32, #tpu.memory_space<vmem>>) dst(%dma_wait3A_340 : memref<16384x128xf32, #tpu.memory_space<hbm>>)
          tpu.yield
        }) : () -> ()
        %while3A_335 = arith.constant 0 : i32
        scf.yield %while3A_335 : i32
      }
      %while3A_281 = arith.constant 1 : i32
      %while3A_282 = scf.for %while3A_283 = %while3A_278 to %while3A_274 step %while3A_281 iter_args(%while3A_284 = %while3A_280) -> (i32)  : i32 {
        %mul3A_285 = arith.constant 16 : i32
        %mul3A_286 = arith.muli %while3A_283, %mul3A_285 : i32
        %add3A_287 = vector.broadcast %mul3A_286 : i32 to vector<16xi32>
        %add3A_288 = arith.addi %add3A_287, %iota3A : vector<16xi32>
        %sub3A_289 = arith.constant 1 : i32
        %sub3A_290 = arith.subi %while3A_242, %sub3A_289 : i32
        %max3A = arith.constant 0 : i32
        %max3A_291 = arith.maxsi %sub3A_290, %max3A : i32
        %min3A = vector.broadcast %max3A_291 : i32 to vector<16xi32>
        %min3A_292 = arith.minsi %add3A_288, %min3A : vector<16xi32>
        %gather3A = tpu.vector_load_idx %arg12[%min3A_292] : memref<16384xi32, #tpu.memory_space<vmem>>[vector<16xi32>], vector<16xi32>,
        %jit3A_293 = arith.constant 16384 : i32
        %div3A_294 = vector.broadcast %jit3A_293 : i32 to vector<16xi32>
        %div3A_295 = arith.divsi %gather3A, %div3A_294 : vector<16xi32>
        %sign3A_296 = arith.constant 0 : i32
        %sign3A_297 = vector.broadcast %sign3A_296 : i32 to vector<16xi32>
        %sign3A_298 = arith.cmpi sgt, %gather3A, %sign3A_297 : vector<16xi32>
        %sign3A_299 = arith.extui %sign3A_298 : vector<16xi1> to vector<16xi32>
        %sign3A_300 = arith.constant 0 : i32
        %sign3A_301 = vector.broadcast %sign3A_300 : i32 to vector<16xi32>
        %sign3A_302 = arith.cmpi slt, %gather3A, %sign3A_301 : vector<16xi32>
        %sign3A_303 = arith.extui %sign3A_302 : vector<16xi1> to vector<16xi32>
        %sign3A_304 = arith.subi %sign3A_299, %sign3A_303 : vector<16xi32>
        %sign3A_305 = arith.constant 0 : i32
        %sign3A_306 = arith.cmpi sgt, %jit3A_293, %sign3A_305 : i32
        %sign3A_307 = arith.extui %sign3A_306 : i1 to i32
        %sign3A_308 = arith.constant 0 : i32
        %sign3A_309 = arith.cmpi slt, %jit3A_293, %sign3A_308 : i32
        %sign3A_310 = arith.extui %sign3A_309 : i1 to i32
        %sign3A_311 = arith.subi %sign3A_307, %sign3A_310 : i32
        %ne3A_312 = vector.broadcast %sign3A_311 : i32 to vector<16xi32>
        %ne3A_313 = arith.cmpi ne, %sign3A_304, %ne3A_312 : vector<16xi32>
        %rem3A_314 = vector.broadcast %jit3A_293 : i32 to vector<16xi32>
        %rem3A_315 = arith.remsi %gather3A, %rem3A_314 : vector<16xi32>
        %ne3A_316 = arith.constant 0 : i32
        %ne3A_317 = vector.broadcast %ne3A_316 : i32 to vector<16xi32>
        %ne3A_318 = arith.cmpi ne, %rem3A_315, %ne3A_317 : vector<16xi32>
        %and3A_319 = arith.andi %ne3A_313, %ne3A_318 : vector<16xi1>
        %sub3A_320 = arith.constant 1 : i32
        %sub3A_321 = vector.broadcast %sub3A_320 : i32 to vector<16xi32>
        %sub3A_322 = arith.subi %div3A_295, %sub3A_321 : vector<16xi32>
        %select_n3A_323 = arith.select %and3A_319, %sub3A_322, %div3A_295 : vector<16xi1>, vector<16xi32>
        %mul3A_324 = arith.constant 16384 : i32
        %mul3A_325 = vector.broadcast %mul3A_324 : i32 to vector<16xi32>
        %mul3A_326 = arith.muli %select_n3A_323, %mul3A_325 : vector<16xi32>
        %sub3A_327 = arith.subi %gather3A, %mul3A_326 : vector<16xi32>
        %scan3A_328 = arith.constant 0 : i32
        %scan3A_329 = arith.constant 0 : i32
        %scan3A_330 = arith.constant 64 : i32
        %scan3A_331 = arith.addi %scan3A_329, %scan3A_330 : i32
        %scan3A_332 = arith.constant 1 : i32
        %scan3A_333 = scf.for %scan3A_336 = %scan3A_329 to %scan3A_331 step %scan3A_332 iter_args(%scan3A_337 = %scan3A_328) -> (i32)  : i32 {
          %broadcast_in_dim3A = vector.broadcast %scan3A_336 : i32 to vector<16xi32>
          %gather3A_338 = arith.constant 1 : i32
          %gather3A_339 = arith.constant 0 : i32
          %gather3A_340 = arith.constant 0 : i32
          %gather3A_341 = tpu.memref_slice %arg8[%gather3A_338, %gather3A_339, %gather3A_340] : memref<2x64x512xf32, #tpu.memory_space<vmem>> -> memref<1x64x512xf32, #tpu.memory_space<vmem>>
          %gather3A_342 = tpu.memref_squeeze %gather3A_341 : memref<1x64x512xf32, #tpu.memory_space<vmem>> -> memref<64x512xf32, #tpu.memory_space<vmem>>
          %gather3A_343 = tpu.vector_load_idx %gather3A_342[%broadcast_in_dim3A, %select_n3A_323] : memref<64x512xf32, #tpu.memory_space<vmem>>[vector<16xi32>, vector<16xi32>], vector<16xf32>,
          %broadcast_in_dim3A_344 = vector.broadcast %scan3A_336 : i32 to vector<16xi32>
          tpu.vector_store_idx %arg11[%iota3A, %broadcast_in_dim3A_344], %gather3A_343 : memref<16x128xf32, #tpu.memory_space<vmem>>[vector<16xi32>, vector<16xi32>], vector<16xf32>,
          %scan3A_345 = arith.constant 0 : i32
          scf.yield %scan3A_345 : i32
        }
        %scan3A_334 = arith.constant 64 : i32
        "tpu.region"() ({
          %run_scoped3A = tpu.sem_alloc : memref<!tpu.dma_semaphore, #tpu.memory_space<semaphore_mem>>
          %dma_start3A = arith.constant 0 : i32
          %dma_start3A_336 = arith.constant 0 : i32
          %dma_start3A_337 = tpu.memref_slice %arg5[%dma_start3A, %dma_start3A_336] : memref<16384x128xf32, #tpu.memory_space<hbm>> -> memref<16384x128xf32, #tpu.memory_space<hbm>>
          tpu.enqueue_indirect_dma source(%arg11 : memref<16x128xf32, #tpu.memory_space<vmem>>) target(%dma_start3A_337 : memref<16384x128xf32, #tpu.memory_space<hbm>>) offsets(%sub3A_327 : vector<16xi32>) semaphore(%run_scoped3A : memref<!tpu.dma_semaphore, #tpu.memory_space<semaphore_mem>>)
          %dma_wait3A_338 = arith.constant 0 : i32
          %dma_wait3A_339 = arith.constant 0 : i32
          %dma_wait3A_340 = tpu.memref_slice %arg5[%dma_wait3A_338, %dma_wait3A_339] : memref<16384x128xf32, #tpu.memory_space<hbm>> -> memref<16384x128xf32, #tpu.memory_space<hbm>>
          tpu.wait_indirect_dma semaphore(%run_scoped3A : memref<!tpu.dma_semaphore, #tpu.memory_space<semaphore_mem>>) src(%arg11 : memref<16x128xf32, #tpu.memory_space<vmem>>) dst(%dma_wait3A_340 : memref<16384x128xf32, #tpu.memory_space<hbm>>)
          tpu.yield
        }) : () -> ()
        %while3A_335 = arith.constant 0 : i32
        scf.yield %while3A_335 : i32
      }
    }
    %while3A_105 = arith.constant 1 : i32
    scf.for %while3A_106 = %while3A_103 to %while3A_99 step %while3A_105  : i32 {
      %mul3A_107 = arith.constant 2 : i32
      %mul3A_108 = arith.muli %mul3A_107, %while3A_106 : i32
      %add3A_109 = arith.constant 1 : i32
      %add3A_110 = arith.addi %mul3A_108, %add3A_109 : i32
      %mul3A_111 = arith.constant 512 : i32
      %mul3A_112 = arith.muli %add3A_110, %mul3A_111 : i32
      %add3A_113 = arith.addi %select_n3A, %mul3A_112 : i32
      %multiple_of3A_114 = tpu.assume_multiple %add3A_113, 128 : i32
      %lt3A = arith.cmpi slt, %add3A_110, %select_n3A_8 : i32
      %lt3A_115 = arith.constant 62 : i32
      %lt3A_116 = arith.cmpi slt, %add3A_110, %lt3A_115 : i32
      %and3A_117 = arith.andi %lt3A, %lt3A_116 : i1
      %convert_element_type3A_118 = arith.extui %and3A_117 : i1 to i32
      %cond3A_119 = arith.constant 0 : i32
      %cond3A_120 = arith.cmpi ne, %convert_element_type3A_118, %cond3A_119 : i32
      scf.if %cond3A_120 {
        %dma_start3A = arith.constant 1 : i32
        %dma_start3A_283 = arith.constant 0 : i32
        %dma_start3A_284 = arith.constant 0 : i32
        %dma_start3A_285 = tpu.memref_slice %arg8[%dma_start3A, %dma_start3A_283, %dma_start3A_284] : memref<2x64x512xf32, #tpu.memory_space<vmem>> -> memref<1x64x512xf32, #tpu.memory_space<vmem>>
        %dma_start3A_286 = tpu.memref_squeeze %dma_start3A_285 : memref<1x64x512xf32, #tpu.memory_space<vmem>> -> memref<64x512xf32, #tpu.memory_space<vmem>>
        %dma_start3A_287 = arith.constant 0 : i32
        %dma_start3A_288 = tpu.memref_slice %arg3[%dma_start3A_287, %multiple_of3A_114] : memref<64x1000000xf32, #tpu.memory_space<hbm>> -> memref<64x512xf32, #tpu.memory_space<hbm>>
        %dma_start3A_289 = arith.constant 0 : i32
        %dma_start3A_290 = arith.constant 0 : i32
        %dma_start3A_291 = tpu.memref_slice %arg8[%dma_start3A, %dma_start3A_289, %dma_start3A_290] : memref<2x64x512xf32, #tpu.memory_space<vmem>> -> memref<1x64x512xf32, #tpu.memory_space<vmem>>
        %dma_start3A_292 = tpu.memref_squeeze %dma_start3A_291 : memref<1x64x512xf32, #tpu.memory_space<vmem>> -> memref<64x512xf32, #tpu.memory_space<vmem>>
        %dma_start3A_293 = arith.constant 0 : i32
        %dma_start3A_294 = tpu.memref_slice %arg3[%dma_start3A_293, %multiple_of3A_114] : memref<64x1000000xf32, #tpu.memory_space<hbm>> -> memref<64x512xf32, #tpu.memory_space<hbm>>
        tpu.enqueue_dma source(%dma_start3A_294 : memref<64x512xf32, #tpu.memory_space<hbm>>) target(%dma_start3A_292 : memref<64x512xf32, #tpu.memory_space<vmem>>) target_semaphore(%arg10 : memref<!tpu.dma_semaphore, #tpu.memory_space<semaphore_mem>>)
      } else {
      }
      %lt3A_121 = arith.cmpi slt, %add3A_110, %select_n3A_8 : i32
      %ge3A = arith.constant 62 : i32
      %ge3A_122 = arith.cmpi sge, %add3A_110, %ge3A : i32
      %and3A_123 = arith.andi %lt3A_121, %ge3A_122 : i1
      %convert_element_type3A_124 = arith.extui %and3A_123 : i1 to i32
      %cond3A_125 = arith.constant 0 : i32
      %cond3A_126 = arith.cmpi ne, %convert_element_type3A_124, %cond3A_125 : i32
      scf.if %cond3A_126 {
        %dma_start3A = arith.constant 1 : i32
        %dma_start3A_283 = arith.constant 0 : i32
        %dma_start3A_284 = arith.constant 0 : i32
        %dma_start3A_285 = tpu.memref_slice %arg8[%dma_start3A, %dma_start3A_283, %dma_start3A_284] : memref<2x64x512xf32, #tpu.memory_space<vmem>> -> memref<1x64x512xf32, #tpu.memory_space<vmem>>
        %dma_start3A_286 = tpu.memref_squeeze %dma_start3A_285 : memref<1x64x512xf32, #tpu.memory_space<vmem>> -> memref<64x512xf32, #tpu.memory_space<vmem>>
        %dma_start3A_287 = arith.constant 0 : i32
        %dma_start3A_288 = arith.constant 0 : i32
        %dma_start3A_289 = tpu.memref_slice %arg8[%dma_start3A, %dma_start3A_287, %dma_start3A_288] : memref<2x64x512xf32, #tpu.memory_space<vmem>> -> memref<1x64x512xf32, #tpu.memory_space<vmem>>
        %dma_start3A_290 = tpu.memref_squeeze %dma_start3A_289 : memref<1x64x512xf32, #tpu.memory_space<vmem>> -> memref<64x512xf32, #tpu.memory_space<vmem>>
        tpu.enqueue_dma source(%arg4 : memref<64x512xf32, #tpu.memory_space<hbm>>) target(%dma_start3A_290 : memref<64x512xf32, #tpu.memory_space<vmem>>) target_semaphore(%arg10 : memref<!tpu.dma_semaphore, #tpu.memory_space<semaphore_mem>>)
      } else {
      }
      %dma_wait3A = arith.constant 0 : i32
      %dma_wait3A_127 = arith.constant 0 : i32
      %dma_wait3A_128 = arith.constant 0 : i32
      %dma_wait3A_129 = tpu.memref_slice %arg8[%dma_wait3A, %dma_wait3A_127, %dma_wait3A_128] : memref<2x64x512xf32, #tpu.memory_space<vmem>> -> memref<1x64x512xf32, #tpu.memory_space<vmem>>
      %dma_wait3A_130 = tpu.memref_squeeze %dma_wait3A_129 : memref<1x64x512xf32, #tpu.memory_space<vmem>> -> memref<64x512xf32, #tpu.memory_space<vmem>>
      %dma_wait3A_131 = arith.constant 0 : i32
      %dma_wait3A_132 = arith.constant 0 : i32
      %dma_wait3A_133 = tpu.memref_slice %arg3[%dma_wait3A_131, %dma_wait3A_132] : memref<64x1000000xf32, #tpu.memory_space<hbm>> -> memref<64x512xf32, #tpu.memory_space<hbm>>
      %dma_wait3A_134 = arith.constant 0 : i32
      %dma_wait3A_135 = arith.constant 0 : i32
      %dma_wait3A_136 = tpu.memref_slice %arg8[%dma_wait3A, %dma_wait3A_134, %dma_wait3A_135] : memref<2x64x512xf32, #tpu.memory_space<vmem>> -> memref<1x64x512xf32, #tpu.memory_space<vmem>>
      %dma_wait3A_137 = tpu.memref_squeeze %dma_wait3A_136 : memref<1x64x512xf32, #tpu.memory_space<vmem>> -> memref<64x512xf32, #tpu.memory_space<vmem>>
      %dma_wait3A_138 = arith.constant 0 : i32
      %dma_wait3A_139 = arith.constant 0 : i32
      %dma_wait3A_140 = tpu.memref_slice %arg3[%dma_wait3A_138, %dma_wait3A_139] : memref<64x1000000xf32, #tpu.memory_space<hbm>> -> memref<64x512xf32, #tpu.memory_space<hbm>>
      tpu.wait_dma2 semaphore(%arg9 : memref<!tpu.dma_semaphore, #tpu.memory_space<semaphore_mem>>) src(%dma_wait3A_140 : memref<64x512xf32, #tpu.memory_space<hbm>>) dst(%dma_wait3A_137 : memref<64x512xf32, #tpu.memory_space<vmem>>)
      %mul3A_141 = arith.constant 512 : i32
      %mul3A_142 = arith.muli %mul3A_108, %mul3A_141 : i32
      %add3A_143 = arith.addi %select_n3A, %mul3A_142 : i32
      %mul3A_144 = arith.constant 512 : i32
      %mul3A_145 = arith.muli %mul3A_108, %mul3A_144 : i32
      %while3A_146 = arith.constant 0 : i32
      %while3A_147 = arith.constant 0 : i32
      %while3A_148 = arith.subi %select_n3A_57, %while3A_146 : i32
      %while3A_149 = arith.addi %while3A_146, %while3A_148 : i32
      %while3A_150 = arith.constant 1 : i32
      %while3A_151 = arith.divsi %while3A_148, %while3A_150 : i32
      %while3A_152 = arith.muli %while3A_151, %while3A_150 : i32
      %while3A_153 = arith.addi %while3A_146, %while3A_152 : i32
      %while3A_154 = arith.constant 1 : i32
      %while3A_155 = scf.for %while3A_283 = %while3A_146 to %while3A_153 step %while3A_154 iter_args(%while3A_284 = %while3A_147) -> (i32)  : i32 {
        %mul3A_285 = arith.constant 16 : i32
        %mul3A_286 = arith.muli %while3A_283, %mul3A_285 : i32
        %add3A_287 = vector.broadcast %mul3A_286 : i32 to vector<16xi32>
        %add3A_288 = arith.addi %add3A_287, %iota3A : vector<16xi32>
        %min3A = arith.constant 16383 : i32
        %min3A_289 = vector.broadcast %min3A : i32 to vector<16xi32>
        %min3A_290 = arith.minsi %add3A_288, %min3A_289 : vector<16xi32>
        %gather3A = tpu.vector_load_idx %arg7[%min3A_290] : memref<16384xi32, #tpu.memory_space<vmem>>[vector<16xi32>], vector<16xi32>,
        %jit3A_291 = arith.constant 16384 : i32
        %div3A_292 = vector.broadcast %jit3A_291 : i32 to vector<16xi32>
        %div3A_293 = arith.divsi %gather3A, %div3A_292 : vector<16xi32>
        %sign3A_294 = arith.constant 0 : i32
        %sign3A_295 = vector.broadcast %sign3A_294 : i32 to vector<16xi32>
        %sign3A_296 = arith.cmpi sgt, %gather3A, %sign3A_295 : vector<16xi32>
        %sign3A_297 = arith.extui %sign3A_296 : vector<16xi1> to vector<16xi32>
        %sign3A_298 = arith.constant 0 : i32
        %sign3A_299 = vector.broadcast %sign3A_298 : i32 to vector<16xi32>
        %sign3A_300 = arith.cmpi slt, %gather3A, %sign3A_299 : vector<16xi32>
        %sign3A_301 = arith.extui %sign3A_300 : vector<16xi1> to vector<16xi32>
        %sign3A_302 = arith.subi %sign3A_297, %sign3A_301 : vector<16xi32>
        %sign3A_303 = arith.constant 0 : i32
        %sign3A_304 = arith.cmpi sgt, %jit3A_291, %sign3A_303 : i32
        %sign3A_305 = arith.extui %sign3A_304 : i1 to i32
        %sign3A_306 = arith.constant 0 : i32
        %sign3A_307 = arith.cmpi slt, %jit3A_291, %sign3A_306 : i32
        %sign3A_308 = arith.extui %sign3A_307 : i1 to i32
        %sign3A_309 = arith.subi %sign3A_305, %sign3A_308 : i32
        %ne3A_310 = vector.broadcast %sign3A_309 : i32 to vector<16xi32>
        %ne3A_311 = arith.cmpi ne, %sign3A_302, %ne3A_310 : vector<16xi32>
        %rem3A_312 = vector.broadcast %jit3A_291 : i32 to vector<16xi32>
        %rem3A_313 = arith.remsi %gather3A, %rem3A_312 : vector<16xi32>
        %ne3A_314 = arith.constant 0 : i32
        %ne3A_315 = vector.broadcast %ne3A_314 : i32 to vector<16xi32>
        %ne3A_316 = arith.cmpi ne, %rem3A_313, %ne3A_315 : vector<16xi32>
        %and3A_317 = arith.andi %ne3A_311, %ne3A_316 : vector<16xi1>
        %sub3A_318 = arith.constant 1 : i32
        %sub3A_319 = vector.broadcast %sub3A_318 : i32 to vector<16xi32>
        %sub3A_320 = arith.subi %div3A_293, %sub3A_319 : vector<16xi32>
        %select_n3A_321 = arith.select %and3A_317, %sub3A_320, %div3A_293 : vector<16xi1>, vector<16xi32>
        %mul3A_322 = arith.constant 16384 : i32
        %mul3A_323 = vector.broadcast %mul3A_322 : i32 to vector<16xi32>
        %mul3A_324 = arith.muli %select_n3A_321, %mul3A_323 : vector<16xi32>
        %sub3A_325 = arith.subi %gather3A, %mul3A_324 : vector<16xi32>
        %lt3A_326 = vector.broadcast %scan3A_34 : i32 to vector<16xi32>
        %lt3A_327 = arith.cmpi slt, %add3A_288, %lt3A_326 : vector<16xi32>
        %ge3A_328 = vector.broadcast %mul3A_145 : i32 to vector<16xi32>
        %ge3A_329 = arith.cmpi sge, %select_n3A_321, %ge3A_328 : vector<16xi32>
        %and3A_330 = arith.andi %lt3A_327, %ge3A_329 : vector<16xi1>
        %add3A_331 = arith.constant 512 : i32
        %add3A_332 = arith.addi %mul3A_145, %add3A_331 : i32
        %lt3A_333 = vector.broadcast %add3A_332 : i32 to vector<16xi32>
        %lt3A_334 = arith.cmpi slt, %select_n3A_321, %lt3A_333 : vector<16xi32>
        %and3A_335 = arith.andi %and3A_330, %lt3A_334 : vector<16xi1>
        %lt3A_336 = arith.cmpi slt, %mul3A_108, %select_n3A_8 : i32
        %and3A_337 = vector.broadcast %lt3A_336 : i1 to vector<16xi1>
        %and3A_338 = arith.andi %and3A_335, %and3A_337 : vector<16xi1>
        %convert_element_type3A_339 = arith.extui %and3A_338 : vector<16xi1> to vector<16xi32>
        %broadcast_in_dim3A = arith.constant true
        %broadcast_in_dim3A_340 = vector.broadcast %broadcast_in_dim3A : i1 to vector<16xi1>
        %masked_cumsum3A = tpu.scan <sum>, %convert_element_type3A_339 masked %broadcast_in_dim3A_340 : vector<16xi32>, vector<16xi1> -> vector<16xi32>
        %add3A_341 = vector.broadcast %while3A_284 : i32 to vector<16xi32>
        %add3A_342 = arith.addi %add3A_341, %masked_cumsum3A : vector<16xi32>
        %sub3A_343 = arith.constant 1 : i32
        %sub3A_344 = vector.broadcast %sub3A_343 : i32 to vector<16xi32>
        %sub3A_345 = arith.subi %add3A_342, %sub3A_344 : vector<16xi32>
        %max3A = arith.constant 0 : i32
        %max3A_346 = vector.broadcast %max3A : i32 to vector<16xi32>
        %max3A_347 = arith.maxsi %sub3A_345, %max3A_346 : vector<16xi32>
        %sub3A_348 = vector.broadcast %mul3A_145 : i32 to vector<16xi32>
        %sub3A_349 = arith.subi %select_n3A_321, %sub3A_348 : vector<16xi32>
        %mul3A_350 = arith.constant 16384 : i32
        %mul3A_351 = vector.broadcast %mul3A_350 : i32 to vector<16xi32>
        %mul3A_352 = arith.muli %sub3A_349, %mul3A_351 : vector<16xi32>
        %add3A_353 = arith.addi %mul3A_352, %sub3A_325 : vector<16xi32>
        tpu.vector_store_idx %arg12[%max3A_347], %add3A_353 masked %and3A_338 : memref<16384xi32, #tpu.memory_space<vmem>>[vector<16xi32>], vector<16xi32>, vector<16xi1>
        %reduce_sum3A = arith.constant true
        %reduce_sum3A_354 = vector.broadcast %reduce_sum3A : i1 to vector<16xi1>
        %reduce_sum3A_355 = tpu.scan <sum>, %convert_element_type3A_339 masked %reduce_sum3A_354 : vector<16xi32>, vector<16xi1> -> vector<16xi32>
        %reduce_sum3A_356 = vector.extract %reduce_sum3A_355[15] : i32 from vector<16xi32>
        %add3A_357 = arith.addi %while3A_284, %reduce_sum3A_356 : i32
        scf.yield %add3A_357 : i32
      }
      %while3A_156 = arith.constant 1 : i32
      %while3A_157 = scf.for %while3A_283 = %while3A_153 to %while3A_149 step %while3A_156 iter_args(%while3A_284 = %while3A_155) -> (i32)  : i32 {
        %mul3A_285 = arith.constant 16 : i32
        %mul3A_286 = arith.muli %while3A_283, %mul3A_285 : i32
        %add3A_287 = vector.broadcast %mul3A_286 : i32 to vector<16xi32>
        %add3A_288 = arith.addi %add3A_287, %iota3A : vector<16xi32>
        %min3A = arith.constant 16383 : i32
        %min3A_289 = vector.broadcast %min3A : i32 to vector<16xi32>
        %min3A_290 = arith.minsi %add3A_288, %min3A_289 : vector<16xi32>
        %gather3A = tpu.vector_load_idx %arg7[%min3A_290] : memref<16384xi32, #tpu.memory_space<vmem>>[vector<16xi32>], vector<16xi32>,
        %jit3A_291 = arith.constant 16384 : i32
        %div3A_292 = vector.broadcast %jit3A_291 : i32 to vector<16xi32>
        %div3A_293 = arith.divsi %gather3A, %div3A_292 : vector<16xi32>
        %sign3A_294 = arith.constant 0 : i32
        %sign3A_295 = vector.broadcast %sign3A_294 : i32 to vector<16xi32>
        %sign3A_296 = arith.cmpi sgt, %gather3A, %sign3A_295 : vector<16xi32>
        %sign3A_297 = arith.extui %sign3A_296 : vector<16xi1> to vector<16xi32>
        %sign3A_298 = arith.constant 0 : i32
        %sign3A_299 = vector.broadcast %sign3A_298 : i32 to vector<16xi32>
        %sign3A_300 = arith.cmpi slt, %gather3A, %sign3A_299 : vector<16xi32>
        %sign3A_301 = arith.extui %sign3A_300 : vector<16xi1> to vector<16xi32>
        %sign3A_302 = arith.subi %sign3A_297, %sign3A_301 : vector<16xi32>
        %sign3A_303 = arith.constant 0 : i32
        %sign3A_304 = arith.cmpi sgt, %jit3A_291, %sign3A_303 : i32
        %sign3A_305 = arith.extui %sign3A_304 : i1 to i32
        %sign3A_306 = arith.constant 0 : i32
        %sign3A_307 = arith.cmpi slt, %jit3A_291, %sign3A_306 : i32
        %sign3A_308 = arith.extui %sign3A_307 : i1 to i32
        %sign3A_309 = arith.subi %sign3A_305, %sign3A_308 : i32
        %ne3A_310 = vector.broadcast %sign3A_309 : i32 to vector<16xi32>
        %ne3A_311 = arith.cmpi ne, %sign3A_302, %ne3A_310 : vector<16xi32>
        %rem3A_312 = vector.broadcast %jit3A_291 : i32 to vector<16xi32>
        %rem3A_313 = arith.remsi %gather3A, %rem3A_312 : vector<16xi32>
        %ne3A_314 = arith.constant 0 : i32
        %ne3A_315 = vector.broadcast %ne3A_314 : i32 to vector<16xi32>
        %ne3A_316 = arith.cmpi ne, %rem3A_313, %ne3A_315 : vector<16xi32>
        %and3A_317 = arith.andi %ne3A_311, %ne3A_316 : vector<16xi1>
        %sub3A_318 = arith.constant 1 : i32
        %sub3A_319 = vector.broadcast %sub3A_318 : i32 to vector<16xi32>
        %sub3A_320 = arith.subi %div3A_293, %sub3A_319 : vector<16xi32>
        %select_n3A_321 = arith.select %and3A_317, %sub3A_320, %div3A_293 : vector<16xi1>, vector<16xi32>
        %mul3A_322 = arith.constant 16384 : i32
        %mul3A_323 = vector.broadcast %mul3A_322 : i32 to vector<16xi32>
        %mul3A_324 = arith.muli %select_n3A_321, %mul3A_323 : vector<16xi32>
        %sub3A_325 = arith.subi %gather3A, %mul3A_324 : vector<16xi32>
        %lt3A_326 = vector.broadcast %scan3A_34 : i32 to vector<16xi32>
        %lt3A_327 = arith.cmpi slt, %add3A_288, %lt3A_326 : vector<16xi32>
        %ge3A_328 = vector.broadcast %mul3A_145 : i32 to vector<16xi32>
        %ge3A_329 = arith.cmpi sge, %select_n3A_321, %ge3A_328 : vector<16xi32>
        %and3A_330 = arith.andi %lt3A_327, %ge3A_329 : vector<16xi1>
        %add3A_331 = arith.constant 512 : i32
        %add3A_332 = arith.addi %mul3A_145, %add3A_331 : i32
        %lt3A_333 = vector.broadcast %add3A_332 : i32 to vector<16xi32>
        %lt3A_334 = arith.cmpi slt, %select_n3A_321, %lt3A_333 : vector<16xi32>
        %and3A_335 = arith.andi %and3A_330, %lt3A_334 : vector<16xi1>
        %lt3A_336 = arith.cmpi slt, %mul3A_108, %select_n3A_8 : i32
        %and3A_337 = vector.broadcast %lt3A_336 : i1 to vector<16xi1>
        %and3A_338 = arith.andi %and3A_335, %and3A_337 : vector<16xi1>
        %convert_element_type3A_339 = arith.extui %and3A_338 : vector<16xi1> to vector<16xi32>
        %broadcast_in_dim3A = arith.constant true
        %broadcast_in_dim3A_340 = vector.broadcast %broadcast_in_dim3A : i1 to vector<16xi1>
        %masked_cumsum3A = tpu.scan <sum>, %convert_element_type3A_339 masked %broadcast_in_dim3A_340 : vector<16xi32>, vector<16xi1> -> vector<16xi32>
        %add3A_341 = vector.broadcast %while3A_284 : i32 to vector<16xi32>
        %add3A_342 = arith.addi %add3A_341, %masked_cumsum3A : vector<16xi32>
        %sub3A_343 = arith.constant 1 : i32
        %sub3A_344 = vector.broadcast %sub3A_343 : i32 to vector<16xi32>
        %sub3A_345 = arith.subi %add3A_342, %sub3A_344 : vector<16xi32>
        %max3A = arith.constant 0 : i32
        %max3A_346 = vector.broadcast %max3A : i32 to vector<16xi32>
        %max3A_347 = arith.maxsi %sub3A_345, %max3A_346 : vector<16xi32>
        %sub3A_348 = vector.broadcast %mul3A_145 : i32 to vector<16xi32>
        %sub3A_349 = arith.subi %select_n3A_321, %sub3A_348 : vector<16xi32>
        %mul3A_350 = arith.constant 16384 : i32
        %mul3A_351 = vector.broadcast %mul3A_350 : i32 to vector<16xi32>
        %mul3A_352 = arith.muli %sub3A_349, %mul3A_351 : vector<16xi32>
        %add3A_353 = arith.addi %mul3A_352, %sub3A_325 : vector<16xi32>
        tpu.vector_store_idx %arg12[%max3A_347], %add3A_353 masked %and3A_338 : memref<16384xi32, #tpu.memory_space<vmem>>[vector<16xi32>], vector<16xi32>, vector<16xi1>
        %reduce_sum3A = arith.constant true
        %reduce_sum3A_354 = vector.broadcast %reduce_sum3A : i1 to vector<16xi1>
        %reduce_sum3A_355 = tpu.scan <sum>, %convert_element_type3A_339 masked %reduce_sum3A_354 : vector<16xi32>, vector<16xi1> -> vector<16xi32>
        %reduce_sum3A_356 = vector.extract %reduce_sum3A_355[15] : i32 from vector<16xi32>
        %add3A_357 = arith.addi %while3A_284, %reduce_sum3A_356 : i32
        scf.yield %add3A_357 : i32
      }
      %add3A_158 = arith.constant 16 : i32
      %add3A_159 = arith.addi %while3A_157, %add3A_158 : i32
      %sub3A_160 = arith.constant 1 : i32
      %sub3A_161 = arith.subi %add3A_159, %sub3A_160 : i32
      %jit3A_162 = arith.constant 16 : i32
      %div3A_163 = arith.divsi %sub3A_161, %jit3A_162 : i32
      %sign3A_164 = arith.constant 0 : i32
      %sign3A_165 = arith.cmpi sgt, %sub3A_161, %sign3A_164 : i32
      %sign3A_166 = arith.extui %sign3A_165 : i1 to i32
      %sign3A_167 = arith.constant 0 : i32
      %sign3A_168 = arith.cmpi slt, %sub3A_161, %sign3A_167 : i32
      %sign3A_169 = arith.extui %sign3A_168 : i1 to i32
      %sign3A_170 = arith.subi %sign3A_166, %sign3A_169 : i32
      %sign3A_171 = arith.constant 0 : i32
      %sign3A_172 = arith.cmpi sgt, %jit3A_162, %sign3A_171 : i32
      %sign3A_173 = arith.extui %sign3A_172 : i1 to i32
      %sign3A_174 = arith.constant 0 : i32
      %sign3A_175 = arith.cmpi slt, %jit3A_162, %sign3A_174 : i32
      %sign3A_176 = arith.extui %sign3A_175 : i1 to i32
      %sign3A_177 = arith.subi %sign3A_173, %sign3A_176 : i32
      %ne3A_178 = arith.cmpi ne, %sign3A_170, %sign3A_177 : i32
      %rem3A_179 = arith.remsi %sub3A_161, %jit3A_162 : i32
      %ne3A_180 = arith.constant 0 : i32
      %ne3A_181 = arith.cmpi ne, %rem3A_179, %ne3A_180 : i32
      %and3A_182 = arith.andi %ne3A_178, %ne3A_181 : i1
      %sub3A_183 = arith.constant 1 : i32
      %sub3A_184 = arith.subi %div3A_163, %sub3A_183 : i32
      %select_n3A_185 = arith.select %and3A_182, %sub3A_184, %div3A_163 : i32
      %while3A_186 = arith.constant 0 : i32
      %while3A_187 = arith.constant 0 : i32
      %while3A_188 = arith.subi %select_n3A_185, %while3A_186 : i32
      %while3A_189 = arith.addi %while3A_186, %while3A_188 : i32
      %while3A_190 = arith.constant 1 : i32
      %while3A_191 = arith.divsi %while3A_188, %while3A_190 : i32
      %while3A_192 = arith.muli %while3A_191, %while3A_190 : i32
      %while3A_193 = arith.addi %while3A_186, %while3A_192 : i32
      %while3A_194 = arith.constant 1 : i32
      %while3A_195 = scf.for %while3A_283 = %while3A_186 to %while3A_193 step %while3A_194 iter_args(%while3A_284 = %while3A_187) -> (i32)  : i32 {
        %mul3A_285 = arith.constant 16 : i32
        %mul3A_286 = arith.muli %while3A_283, %mul3A_285 : i32
        %add3A_287 = vector.broadcast %mul3A_286 : i32 to vector<16xi32>
        %add3A_288 = arith.addi %add3A_287, %iota3A : vector<16xi32>
        %sub3A_289 = arith.constant 1 : i32
        %sub3A_290 = arith.subi %while3A_157, %sub3A_289 : i32
        %max3A = arith.constant 0 : i32
        %max3A_291 = arith.maxsi %sub3A_290, %max3A : i32
        %min3A = vector.broadcast %max3A_291 : i32 to vector<16xi32>
        %min3A_292 = arith.minsi %add3A_288, %min3A : vector<16xi32>
        %gather3A = tpu.vector_load_idx %arg12[%min3A_292] : memref<16384xi32, #tpu.memory_space<vmem>>[vector<16xi32>], vector<16xi32>,
        %jit3A_293 = arith.constant 16384 : i32
        %div3A_294 = vector.broadcast %jit3A_293 : i32 to vector<16xi32>
        %div3A_295 = arith.divsi %gather3A, %div3A_294 : vector<16xi32>
        %sign3A_296 = arith.constant 0 : i32
        %sign3A_297 = vector.broadcast %sign3A_296 : i32 to vector<16xi32>
        %sign3A_298 = arith.cmpi sgt, %gather3A, %sign3A_297 : vector<16xi32>
        %sign3A_299 = arith.extui %sign3A_298 : vector<16xi1> to vector<16xi32>
        %sign3A_300 = arith.constant 0 : i32
        %sign3A_301 = vector.broadcast %sign3A_300 : i32 to vector<16xi32>
        %sign3A_302 = arith.cmpi slt, %gather3A, %sign3A_301 : vector<16xi32>
        %sign3A_303 = arith.extui %sign3A_302 : vector<16xi1> to vector<16xi32>
        %sign3A_304 = arith.subi %sign3A_299, %sign3A_303 : vector<16xi32>
        %sign3A_305 = arith.constant 0 : i32
        %sign3A_306 = arith.cmpi sgt, %jit3A_293, %sign3A_305 : i32
        %sign3A_307 = arith.extui %sign3A_306 : i1 to i32
        %sign3A_308 = arith.constant 0 : i32
        %sign3A_309 = arith.cmpi slt, %jit3A_293, %sign3A_308 : i32
        %sign3A_310 = arith.extui %sign3A_309 : i1 to i32
        %sign3A_311 = arith.subi %sign3A_307, %sign3A_310 : i32
        %ne3A_312 = vector.broadcast %sign3A_311 : i32 to vector<16xi32>
        %ne3A_313 = arith.cmpi ne, %sign3A_304, %ne3A_312 : vector<16xi32>
        %rem3A_314 = vector.broadcast %jit3A_293 : i32 to vector<16xi32>
        %rem3A_315 = arith.remsi %gather3A, %rem3A_314 : vector<16xi32>
        %ne3A_316 = arith.constant 0 : i32
        %ne3A_317 = vector.broadcast %ne3A_316 : i32 to vector<16xi32>
        %ne3A_318 = arith.cmpi ne, %rem3A_315, %ne3A_317 : vector<16xi32>
        %and3A_319 = arith.andi %ne3A_313, %ne3A_318 : vector<16xi1>
        %sub3A_320 = arith.constant 1 : i32
        %sub3A_321 = vector.broadcast %sub3A_320 : i32 to vector<16xi32>
        %sub3A_322 = arith.subi %div3A_295, %sub3A_321 : vector<16xi32>
        %select_n3A_323 = arith.select %and3A_319, %sub3A_322, %div3A_295 : vector<16xi1>, vector<16xi32>
        %mul3A_324 = arith.constant 16384 : i32
        %mul3A_325 = vector.broadcast %mul3A_324 : i32 to vector<16xi32>
        %mul3A_326 = arith.muli %select_n3A_323, %mul3A_325 : vector<16xi32>
        %sub3A_327 = arith.subi %gather3A, %mul3A_326 : vector<16xi32>
        %scan3A_328 = arith.constant 0 : i32
        %scan3A_329 = arith.constant 0 : i32
        %scan3A_330 = arith.constant 64 : i32
        %scan3A_331 = arith.addi %scan3A_329, %scan3A_330 : i32
        %scan3A_332 = arith.constant 1 : i32
        %scan3A_333 = scf.for %scan3A_336 = %scan3A_329 to %scan3A_331 step %scan3A_332 iter_args(%scan3A_337 = %scan3A_328) -> (i32)  : i32 {
          %broadcast_in_dim3A = vector.broadcast %scan3A_336 : i32 to vector<16xi32>
          %gather3A_338 = arith.constant 0 : i32
          %gather3A_339 = arith.constant 0 : i32
          %gather3A_340 = arith.constant 0 : i32
          %gather3A_341 = tpu.memref_slice %arg8[%gather3A_338, %gather3A_339, %gather3A_340] : memref<2x64x512xf32, #tpu.memory_space<vmem>> -> memref<1x64x512xf32, #tpu.memory_space<vmem>>
          %gather3A_342 = tpu.memref_squeeze %gather3A_341 : memref<1x64x512xf32, #tpu.memory_space<vmem>> -> memref<64x512xf32, #tpu.memory_space<vmem>>
          %gather3A_343 = tpu.vector_load_idx %gather3A_342[%broadcast_in_dim3A, %select_n3A_323] : memref<64x512xf32, #tpu.memory_space<vmem>>[vector<16xi32>, vector<16xi32>], vector<16xf32>,
          %broadcast_in_dim3A_344 = vector.broadcast %scan3A_336 : i32 to vector<16xi32>
          tpu.vector_store_idx %arg11[%iota3A, %broadcast_in_dim3A_344], %gather3A_343 : memref<16x128xf32, #tpu.memory_space<vmem>>[vector<16xi32>, vector<16xi32>], vector<16xf32>,
          %scan3A_345 = arith.constant 0 : i32
          scf.yield %scan3A_345 : i32
        }
        %scan3A_334 = arith.constant 64 : i32
        "tpu.region"() ({
          %run_scoped3A = tpu.sem_alloc : memref<!tpu.dma_semaphore, #tpu.memory_space<semaphore_mem>>
          %dma_start3A = arith.constant 0 : i32
          %dma_start3A_336 = arith.constant 0 : i32
          %dma_start3A_337 = tpu.memref_slice %arg5[%dma_start3A, %dma_start3A_336] : memref<16384x128xf32, #tpu.memory_space<hbm>> -> memref<16384x128xf32, #tpu.memory_space<hbm>>
          tpu.enqueue_indirect_dma source(%arg11 : memref<16x128xf32, #tpu.memory_space<vmem>>) target(%dma_start3A_337 : memref<16384x128xf32, #tpu.memory_space<hbm>>) offsets(%sub3A_327 : vector<16xi32>) semaphore(%run_scoped3A : memref<!tpu.dma_semaphore, #tpu.memory_space<semaphore_mem>>)
          %dma_wait3A_338 = arith.constant 0 : i32
          %dma_wait3A_339 = arith.constant 0 : i32
          %dma_wait3A_340 = tpu.memref_slice %arg5[%dma_wait3A_338, %dma_wait3A_339] : memref<16384x128xf32, #tpu.memory_space<hbm>> -> memref<16384x128xf32, #tpu.memory_space<hbm>>
          tpu.wait_indirect_dma semaphore(%run_scoped3A : memref<!tpu.dma_semaphore, #tpu.memory_space<semaphore_mem>>) src(%arg11 : memref<16x128xf32, #tpu.memory_space<vmem>>) dst(%dma_wait3A_340 : memref<16384x128xf32, #tpu.memory_space<hbm>>)
          tpu.yield
        }) : () -> ()
        %while3A_335 = arith.constant 0 : i32
        scf.yield %while3A_335 : i32
      }
      %while3A_196 = arith.constant 1 : i32
      %while3A_197 = scf.for %while3A_283 = %while3A_193 to %while3A_189 step %while3A_196 iter_args(%while3A_284 = %while3A_195) -> (i32)  : i32 {
        %mul3A_285 = arith.constant 16 : i32
        %mul3A_286 = arith.muli %while3A_283, %mul3A_285 : i32
        %add3A_287 = vector.broadcast %mul3A_286 : i32 to vector<16xi32>
        %add3A_288 = arith.addi %add3A_287, %iota3A : vector<16xi32>
        %sub3A_289 = arith.constant 1 : i32
        %sub3A_290 = arith.subi %while3A_157, %sub3A_289 : i32
        %max3A = arith.constant 0 : i32
        %max3A_291 = arith.maxsi %sub3A_290, %max3A : i32
        %min3A = vector.broadcast %max3A_291 : i32 to vector<16xi32>
        %min3A_292 = arith.minsi %add3A_288, %min3A : vector<16xi32>
        %gather3A = tpu.vector_load_idx %arg12[%min3A_292] : memref<16384xi32, #tpu.memory_space<vmem>>[vector<16xi32>], vector<16xi32>,
        %jit3A_293 = arith.constant 16384 : i32
        %div3A_294 = vector.broadcast %jit3A_293 : i32 to vector<16xi32>
        %div3A_295 = arith.divsi %gather3A, %div3A_294 : vector<16xi32>
        %sign3A_296 = arith.constant 0 : i32
        %sign3A_297 = vector.broadcast %sign3A_296 : i32 to vector<16xi32>
        %sign3A_298 = arith.cmpi sgt, %gather3A, %sign3A_297 : vector<16xi32>
        %sign3A_299 = arith.extui %sign3A_298 : vector<16xi1> to vector<16xi32>
        %sign3A_300 = arith.constant 0 : i32
        %sign3A_301 = vector.broadcast %sign3A_300 : i32 to vector<16xi32>
        %sign3A_302 = arith.cmpi slt, %gather3A, %sign3A_301 : vector<16xi32>
        %sign3A_303 = arith.extui %sign3A_302 : vector<16xi1> to vector<16xi32>
        %sign3A_304 = arith.subi %sign3A_299, %sign3A_303 : vector<16xi32>
        %sign3A_305 = arith.constant 0 : i32
        %sign3A_306 = arith.cmpi sgt, %jit3A_293, %sign3A_305 : i32
        %sign3A_307 = arith.extui %sign3A_306 : i1 to i32
        %sign3A_308 = arith.constant 0 : i32
        %sign3A_309 = arith.cmpi slt, %jit3A_293, %sign3A_308 : i32
        %sign3A_310 = arith.extui %sign3A_309 : i1 to i32
        %sign3A_311 = arith.subi %sign3A_307, %sign3A_310 : i32
        %ne3A_312 = vector.broadcast %sign3A_311 : i32 to vector<16xi32>
        %ne3A_313 = arith.cmpi ne, %sign3A_304, %ne3A_312 : vector<16xi32>
        %rem3A_314 = vector.broadcast %jit3A_293 : i32 to vector<16xi32>
        %rem3A_315 = arith.remsi %gather3A, %rem3A_314 : vector<16xi32>
        %ne3A_316 = arith.constant 0 : i32
        %ne3A_317 = vector.broadcast %ne3A_316 : i32 to vector<16xi32>
        %ne3A_318 = arith.cmpi ne, %rem3A_315, %ne3A_317 : vector<16xi32>
        %and3A_319 = arith.andi %ne3A_313, %ne3A_318 : vector<16xi1>
        %sub3A_320 = arith.constant 1 : i32
        %sub3A_321 = vector.broadcast %sub3A_320 : i32 to vector<16xi32>
        %sub3A_322 = arith.subi %div3A_295, %sub3A_321 : vector<16xi32>
        %select_n3A_323 = arith.select %and3A_319, %sub3A_322, %div3A_295 : vector<16xi1>, vector<16xi32>
        %mul3A_324 = arith.constant 16384 : i32
        %mul3A_325 = vector.broadcast %mul3A_324 : i32 to vector<16xi32>
        %mul3A_326 = arith.muli %select_n3A_323, %mul3A_325 : vector<16xi32>
        %sub3A_327 = arith.subi %gather3A, %mul3A_326 : vector<16xi32>
        %scan3A_328 = arith.constant 0 : i32
        %scan3A_329 = arith.constant 0 : i32
        %scan3A_330 = arith.constant 64 : i32
        %scan3A_331 = arith.addi %scan3A_329, %scan3A_330 : i32
        %scan3A_332 = arith.constant 1 : i32
        %scan3A_333 = scf.for %scan3A_336 = %scan3A_329 to %scan3A_331 step %scan3A_332 iter_args(%scan3A_337 = %scan3A_328) -> (i32)  : i32 {
          %broadcast_in_dim3A = vector.broadcast %scan3A_336 : i32 to vector<16xi32>
          %gather3A_338 = arith.constant 0 : i32
          %gather3A_339 = arith.constant 0 : i32
          %gather3A_340 = arith.constant 0 : i32
          %gather3A_341 = tpu.memref_slice %arg8[%gather3A_338, %gather3A_339, %gather3A_340] : memref<2x64x512xf32, #tpu.memory_space<vmem>> -> memref<1x64x512xf32, #tpu.memory_space<vmem>>
          %gather3A_342 = tpu.memref_squeeze %gather3A_341 : memref<1x64x512xf32, #tpu.memory_space<vmem>> -> memref<64x512xf32, #tpu.memory_space<vmem>>
          %gather3A_343 = tpu.vector_load_idx %gather3A_342[%broadcast_in_dim3A, %select_n3A_323] : memref<64x512xf32, #tpu.memory_space<vmem>>[vector<16xi32>, vector<16xi32>], vector<16xf32>,
          %broadcast_in_dim3A_344 = vector.broadcast %scan3A_336 : i32 to vector<16xi32>
          tpu.vector_store_idx %arg11[%iota3A, %broadcast_in_dim3A_344], %gather3A_343 : memref<16x128xf32, #tpu.memory_space<vmem>>[vector<16xi32>, vector<16xi32>], vector<16xf32>,
          %scan3A_345 = arith.constant 0 : i32
          scf.yield %scan3A_345 : i32
        }
        %scan3A_334 = arith.constant 64 : i32
        "tpu.region"() ({
          %run_scoped3A = tpu.sem_alloc : memref<!tpu.dma_semaphore, #tpu.memory_space<semaphore_mem>>
          %dma_start3A = arith.constant 0 : i32
          %dma_start3A_336 = arith.constant 0 : i32
          %dma_start3A_337 = tpu.memref_slice %arg5[%dma_start3A, %dma_start3A_336] : memref<16384x128xf32, #tpu.memory_space<hbm>> -> memref<16384x128xf32, #tpu.memory_space<hbm>>
          tpu.enqueue_indirect_dma source(%arg11 : memref<16x128xf32, #tpu.memory_space<vmem>>) target(%dma_start3A_337 : memref<16384x128xf32, #tpu.memory_space<hbm>>) offsets(%sub3A_327 : vector<16xi32>) semaphore(%run_scoped3A : memref<!tpu.dma_semaphore, #tpu.memory_space<semaphore_mem>>)
          %dma_wait3A_338 = arith.constant 0 : i32
          %dma_wait3A_339 = arith.constant 0 : i32
          %dma_wait3A_340 = tpu.memref_slice %arg5[%dma_wait3A_338, %dma_wait3A_339] : memref<16384x128xf32, #tpu.memory_space<hbm>> -> memref<16384x128xf32, #tpu.memory_space<hbm>>
          tpu.wait_indirect_dma semaphore(%run_scoped3A : memref<!tpu.dma_semaphore, #tpu.memory_space<semaphore_mem>>) src(%arg11 : memref<16x128xf32, #tpu.memory_space<vmem>>) dst(%dma_wait3A_340 : memref<16384x128xf32, #tpu.memory_space<hbm>>)
          tpu.yield
        }) : () -> ()
        %while3A_335 = arith.constant 0 : i32
        scf.yield %while3A_335 : i32
      }
      %add3A_198 = arith.constant 2 : i32
      %add3A_199 = arith.addi %mul3A_108, %add3A_198 : i32
      %mul3A_200 = arith.constant 512 : i32
      %mul3A_201 = arith.muli %add3A_199, %mul3A_200 : i32
      %add3A_202 = arith.addi %select_n3A, %mul3A_201 : i32
      %multiple_of3A_203 = tpu.assume_multiple %add3A_202, 128 : i32
      %lt3A_204 = arith.cmpi slt, %add3A_199, %select_n3A_8 : i32
      %lt3A_205 = arith.constant 62 : i32
      %lt3A_206 = arith.cmpi slt, %add3A_199, %lt3A_205 : i32
      %and3A_207 = arith.andi %lt3A_204, %lt3A_206 : i1
      %convert_element_type3A_208 = arith.extui %and3A_207 : i1 to i32
      %cond3A_209 = arith.constant 0 : i32
      %cond3A_210 = arith.cmpi ne, %convert_element_type3A_208, %cond3A_209 : i32
      scf.if %cond3A_210 {
        %dma_start3A = arith.constant 0 : i32
        %dma_start3A_283 = arith.constant 0 : i32
        %dma_start3A_284 = arith.constant 0 : i32
        %dma_start3A_285 = tpu.memref_slice %arg8[%dma_start3A, %dma_start3A_283, %dma_start3A_284] : memref<2x64x512xf32, #tpu.memory_space<vmem>> -> memref<1x64x512xf32, #tpu.memory_space<vmem>>
        %dma_start3A_286 = tpu.memref_squeeze %dma_start3A_285 : memref<1x64x512xf32, #tpu.memory_space<vmem>> -> memref<64x512xf32, #tpu.memory_space<vmem>>
        %dma_start3A_287 = arith.constant 0 : i32
        %dma_start3A_288 = tpu.memref_slice %arg3[%dma_start3A_287, %multiple_of3A_203] : memref<64x1000000xf32, #tpu.memory_space<hbm>> -> memref<64x512xf32, #tpu.memory_space<hbm>>
        %dma_start3A_289 = arith.constant 0 : i32
        %dma_start3A_290 = arith.constant 0 : i32
        %dma_start3A_291 = tpu.memref_slice %arg8[%dma_start3A, %dma_start3A_289, %dma_start3A_290] : memref<2x64x512xf32, #tpu.memory_space<vmem>> -> memref<1x64x512xf32, #tpu.memory_space<vmem>>
        %dma_start3A_292 = tpu.memref_squeeze %dma_start3A_291 : memref<1x64x512xf32, #tpu.memory_space<vmem>> -> memref<64x512xf32, #tpu.memory_space<vmem>>
        %dma_start3A_293 = arith.constant 0 : i32
        %dma_start3A_294 = tpu.memref_slice %arg3[%dma_start3A_293, %multiple_of3A_203] : memref<64x1000000xf32, #tpu.memory_space<hbm>> -> memref<64x512xf32, #tpu.memory_space<hbm>>
        tpu.enqueue_dma source(%dma_start3A_294 : memref<64x512xf32, #tpu.memory_space<hbm>>) target(%dma_start3A_292 : memref<64x512xf32, #tpu.memory_space<vmem>>) target_semaphore(%arg9 : memref<!tpu.dma_semaphore, #tpu.memory_space<semaphore_mem>>)
      } else {
      }
      %lt3A_211 = arith.cmpi slt, %add3A_199, %select_n3A_8 : i32
      %ge3A_212 = arith.constant 62 : i32
      %ge3A_213 = arith.cmpi sge, %add3A_199, %ge3A_212 : i32
      %and3A_214 = arith.andi %lt3A_211, %ge3A_213 : i1
      %convert_element_type3A_215 = arith.extui %and3A_214 : i1 to i32
      %cond3A_216 = arith.constant 0 : i32
      %cond3A_217 = arith.cmpi ne, %convert_element_type3A_215, %cond3A_216 : i32
      scf.if %cond3A_217 {
        %dma_start3A = arith.constant 0 : i32
        %dma_start3A_283 = arith.constant 0 : i32
        %dma_start3A_284 = arith.constant 0 : i32
        %dma_start3A_285 = tpu.memref_slice %arg8[%dma_start3A, %dma_start3A_283, %dma_start3A_284] : memref<2x64x512xf32, #tpu.memory_space<vmem>> -> memref<1x64x512xf32, #tpu.memory_space<vmem>>
        %dma_start3A_286 = tpu.memref_squeeze %dma_start3A_285 : memref<1x64x512xf32, #tpu.memory_space<vmem>> -> memref<64x512xf32, #tpu.memory_space<vmem>>
        %dma_start3A_287 = arith.constant 0 : i32
        %dma_start3A_288 = arith.constant 0 : i32
        %dma_start3A_289 = tpu.memref_slice %arg8[%dma_start3A, %dma_start3A_287, %dma_start3A_288] : memref<2x64x512xf32, #tpu.memory_space<vmem>> -> memref<1x64x512xf32, #tpu.memory_space<vmem>>
        %dma_start3A_290 = tpu.memref_squeeze %dma_start3A_289 : memref<1x64x512xf32, #tpu.memory_space<vmem>> -> memref<64x512xf32, #tpu.memory_space<vmem>>
        tpu.enqueue_dma source(%arg4 : memref<64x512xf32, #tpu.memory_space<hbm>>) target(%dma_start3A_290 : memref<64x512xf32, #tpu.memory_space<vmem>>) target_semaphore(%arg9 : memref<!tpu.dma_semaphore, #tpu.memory_space<semaphore_mem>>)
      } else {
      }
      %add3A_218 = arith.constant 1 : i32
      %add3A_219 = arith.addi %mul3A_108, %add3A_218 : i32
      %lt3A_220 = arith.cmpi slt, %add3A_219, %select_n3A_8 : i32
      %convert_element_type3A_221 = arith.extui %lt3A_220 : i1 to i32
      %cond3A_222 = arith.constant 0 : i32
      %cond3A_223 = arith.cmpi ne, %convert_element_type3A_221, %cond3A_222 : i32
      scf.if %cond3A_223 {
        %dma_wait3A_283 = arith.constant 1 : i32
        %dma_wait3A_284 = arith.constant 0 : i32
        %dma_wait3A_285 = arith.constant 0 : i32
        %dma_wait3A_286 = tpu.memref_slice %arg8[%dma_wait3A_283, %dma_wait3A_284, %dma_wait3A_285] : memref<2x64x512xf32, #tpu.memory_space<vmem>> -> memref<1x64x512xf32, #tpu.memory_space<vmem>>
        %dma_wait3A_287 = tpu.memref_squeeze %dma_wait3A_286 : memref<1x64x512xf32, #tpu.memory_space<vmem>> -> memref<64x512xf32, #tpu.memory_space<vmem>>
        %dma_wait3A_288 = arith.constant 0 : i32
        %dma_wait3A_289 = arith.constant 0 : i32
        %dma_wait3A_290 = tpu.memref_slice %arg3[%dma_wait3A_288, %dma_wait3A_289] : memref<64x1000000xf32, #tpu.memory_space<hbm>> -> memref<64x512xf32, #tpu.memory_space<hbm>>
        %dma_wait3A_291 = arith.constant 0 : i32
        %dma_wait3A_292 = arith.constant 0 : i32
        %dma_wait3A_293 = tpu.memref_slice %arg8[%dma_wait3A_283, %dma_wait3A_291, %dma_wait3A_292] : memref<2x64x512xf32, #tpu.memory_space<vmem>> -> memref<1x64x512xf32, #tpu.memory_space<vmem>>
        %dma_wait3A_294 = tpu.memref_squeeze %dma_wait3A_293 : memref<1x64x512xf32, #tpu.memory_space<vmem>> -> memref<64x512xf32, #tpu.memory_space<vmem>>
        %dma_wait3A_295 = arith.constant 0 : i32
        %dma_wait3A_296 = arith.constant 0 : i32
        %dma_wait3A_297 = tpu.memref_slice %arg3[%dma_wait3A_295, %dma_wait3A_296] : memref<64x1000000xf32, #tpu.memory_space<hbm>> -> memref<64x512xf32, #tpu.memory_space<hbm>>
        tpu.wait_dma2 semaphore(%arg10 : memref<!tpu.dma_semaphore, #tpu.memory_space<semaphore_mem>>) src(%dma_wait3A_297 : memref<64x512xf32, #tpu.memory_space<hbm>>) dst(%dma_wait3A_294 : memref<64x512xf32, #tpu.memory_space<vmem>>)
      } else {
      }
      %add3A_224 = arith.constant 1 : i32
      %add3A_225 = arith.addi %mul3A_108, %add3A_224 : i32
      %mul3A_226 = arith.constant 512 : i32
      %mul3A_227 = arith.muli %add3A_225, %mul3A_226 : i32
      %add3A_228 = arith.addi %select_n3A, %mul3A_227 : i32
      %mul3A_229 = arith.constant 512 : i32
      %mul3A_230 = arith.muli %add3A_225, %mul3A_229 : i32
      %while3A_231 = arith.constant 0 : i32
      %while3A_232 = arith.constant 0 : i32
      %while3A_233 = arith.subi %select_n3A_57, %while3A_231 : i32
      %while3A_234 = arith.addi %while3A_231, %while3A_233 : i32
      %while3A_235 = arith.constant 1 : i32
      %while3A_236 = arith.divsi %while3A_233, %while3A_235 : i32
      %while3A_237 = arith.muli %while3A_236, %while3A_235 : i32
      %while3A_238 = arith.addi %while3A_231, %while3A_237 : i32
      %while3A_239 = arith.constant 1 : i32
      %while3A_240 = scf.for %while3A_283 = %while3A_231 to %while3A_238 step %while3A_239 iter_args(%while3A_284 = %while3A_232) -> (i32)  : i32 {
        %mul3A_285 = arith.constant 16 : i32
        %mul3A_286 = arith.muli %while3A_283, %mul3A_285 : i32
        %add3A_287 = vector.broadcast %mul3A_286 : i32 to vector<16xi32>
        %add3A_288 = arith.addi %add3A_287, %iota3A : vector<16xi32>
        %min3A = arith.constant 16383 : i32
        %min3A_289 = vector.broadcast %min3A : i32 to vector<16xi32>
        %min3A_290 = arith.minsi %add3A_288, %min3A_289 : vector<16xi32>
        %gather3A = tpu.vector_load_idx %arg7[%min3A_290] : memref<16384xi32, #tpu.memory_space<vmem>>[vector<16xi32>], vector<16xi32>,
        %jit3A_291 = arith.constant 16384 : i32
        %div3A_292 = vector.broadcast %jit3A_291 : i32 to vector<16xi32>
        %div3A_293 = arith.divsi %gather3A, %div3A_292 : vector<16xi32>
        %sign3A_294 = arith.constant 0 : i32
        %sign3A_295 = vector.broadcast %sign3A_294 : i32 to vector<16xi32>
        %sign3A_296 = arith.cmpi sgt, %gather3A, %sign3A_295 : vector<16xi32>
        %sign3A_297 = arith.extui %sign3A_296 : vector<16xi1> to vector<16xi32>
        %sign3A_298 = arith.constant 0 : i32
        %sign3A_299 = vector.broadcast %sign3A_298 : i32 to vector<16xi32>
        %sign3A_300 = arith.cmpi slt, %gather3A, %sign3A_299 : vector<16xi32>
        %sign3A_301 = arith.extui %sign3A_300 : vector<16xi1> to vector<16xi32>
        %sign3A_302 = arith.subi %sign3A_297, %sign3A_301 : vector<16xi32>
        %sign3A_303 = arith.constant 0 : i32
        %sign3A_304 = arith.cmpi sgt, %jit3A_291, %sign3A_303 : i32
        %sign3A_305 = arith.extui %sign3A_304 : i1 to i32
        %sign3A_306 = arith.constant 0 : i32
        %sign3A_307 = arith.cmpi slt, %jit3A_291, %sign3A_306 : i32
        %sign3A_308 = arith.extui %sign3A_307 : i1 to i32
        %sign3A_309 = arith.subi %sign3A_305, %sign3A_308 : i32
        %ne3A_310 = vector.broadcast %sign3A_309 : i32 to vector<16xi32>
        %ne3A_311 = arith.cmpi ne, %sign3A_302, %ne3A_310 : vector<16xi32>
        %rem3A_312 = vector.broadcast %jit3A_291 : i32 to vector<16xi32>
        %rem3A_313 = arith.remsi %gather3A, %rem3A_312 : vector<16xi32>
        %ne3A_314 = arith.constant 0 : i32
        %ne3A_315 = vector.broadcast %ne3A_314 : i32 to vector<16xi32>
        %ne3A_316 = arith.cmpi ne, %rem3A_313, %ne3A_315 : vector<16xi32>
        %and3A_317 = arith.andi %ne3A_311, %ne3A_316 : vector<16xi1>
        %sub3A_318 = arith.constant 1 : i32
        %sub3A_319 = vector.broadcast %sub3A_318 : i32 to vector<16xi32>
        %sub3A_320 = arith.subi %div3A_293, %sub3A_319 : vector<16xi32>
        %select_n3A_321 = arith.select %and3A_317, %sub3A_320, %div3A_293 : vector<16xi1>, vector<16xi32>
        %mul3A_322 = arith.constant 16384 : i32
        %mul3A_323 = vector.broadcast %mul3A_322 : i32 to vector<16xi32>
        %mul3A_324 = arith.muli %select_n3A_321, %mul3A_323 : vector<16xi32>
        %sub3A_325 = arith.subi %gather3A, %mul3A_324 : vector<16xi32>
        %lt3A_326 = vector.broadcast %scan3A_34 : i32 to vector<16xi32>
        %lt3A_327 = arith.cmpi slt, %add3A_288, %lt3A_326 : vector<16xi32>
        %ge3A_328 = vector.broadcast %mul3A_230 : i32 to vector<16xi32>
        %ge3A_329 = arith.cmpi sge, %select_n3A_321, %ge3A_328 : vector<16xi32>
        %and3A_330 = arith.andi %lt3A_327, %ge3A_329 : vector<16xi1>
        %add3A_331 = arith.constant 512 : i32
        %add3A_332 = arith.addi %mul3A_230, %add3A_331 : i32
        %lt3A_333 = vector.broadcast %add3A_332 : i32 to vector<16xi32>
        %lt3A_334 = arith.cmpi slt, %select_n3A_321, %lt3A_333 : vector<16xi32>
        %and3A_335 = arith.andi %and3A_330, %lt3A_334 : vector<16xi1>
        %lt3A_336 = arith.cmpi slt, %add3A_225, %select_n3A_8 : i32
        %and3A_337 = vector.broadcast %lt3A_336 : i1 to vector<16xi1>
        %and3A_338 = arith.andi %and3A_335, %and3A_337 : vector<16xi1>
        %convert_element_type3A_339 = arith.extui %and3A_338 : vector<16xi1> to vector<16xi32>
        %broadcast_in_dim3A = arith.constant true
        %broadcast_in_dim3A_340 = vector.broadcast %broadcast_in_dim3A : i1 to vector<16xi1>
        %masked_cumsum3A = tpu.scan <sum>, %convert_element_type3A_339 masked %broadcast_in_dim3A_340 : vector<16xi32>, vector<16xi1> -> vector<16xi32>
        %add3A_341 = vector.broadcast %while3A_284 : i32 to vector<16xi32>
        %add3A_342 = arith.addi %add3A_341, %masked_cumsum3A : vector<16xi32>
        %sub3A_343 = arith.constant 1 : i32
        %sub3A_344 = vector.broadcast %sub3A_343 : i32 to vector<16xi32>
        %sub3A_345 = arith.subi %add3A_342, %sub3A_344 : vector<16xi32>
        %max3A = arith.constant 0 : i32
        %max3A_346 = vector.broadcast %max3A : i32 to vector<16xi32>
        %max3A_347 = arith.maxsi %sub3A_345, %max3A_346 : vector<16xi32>
        %sub3A_348 = vector.broadcast %mul3A_230 : i32 to vector<16xi32>
        %sub3A_349 = arith.subi %select_n3A_321, %sub3A_348 : vector<16xi32>
        %mul3A_350 = arith.constant 16384 : i32
        %mul3A_351 = vector.broadcast %mul3A_350 : i32 to vector<16xi32>
        %mul3A_352 = arith.muli %sub3A_349, %mul3A_351 : vector<16xi32>
        %add3A_353 = arith.addi %mul3A_352, %sub3A_325 : vector<16xi32>
        tpu.vector_store_idx %arg12[%max3A_347], %add3A_353 masked %and3A_338 : memref<16384xi32, #tpu.memory_space<vmem>>[vector<16xi32>], vector<16xi32>, vector<16xi1>
        %reduce_sum3A = arith.constant true
        %reduce_sum3A_354 = vector.broadcast %reduce_sum3A : i1 to vector<16xi1>
        %reduce_sum3A_355 = tpu.scan <sum>, %convert_element_type3A_339 masked %reduce_sum3A_354 : vector<16xi32>, vector<16xi1> -> vector<16xi32>
        %reduce_sum3A_356 = vector.extract %reduce_sum3A_355[15] : i32 from vector<16xi32>
        %add3A_357 = arith.addi %while3A_284, %reduce_sum3A_356 : i32
        scf.yield %add3A_357 : i32
      }
      %while3A_241 = arith.constant 1 : i32
      %while3A_242 = scf.for %while3A_283 = %while3A_238 to %while3A_234 step %while3A_241 iter_args(%while3A_284 = %while3A_240) -> (i32)  : i32 {
        %mul3A_285 = arith.constant 16 : i32
        %mul3A_286 = arith.muli %while3A_283, %mul3A_285 : i32
        %add3A_287 = vector.broadcast %mul3A_286 : i32 to vector<16xi32>
        %add3A_288 = arith.addi %add3A_287, %iota3A : vector<16xi32>
        %min3A = arith.constant 16383 : i32
        %min3A_289 = vector.broadcast %min3A : i32 to vector<16xi32>
        %min3A_290 = arith.minsi %add3A_288, %min3A_289 : vector<16xi32>
        %gather3A = tpu.vector_load_idx %arg7[%min3A_290] : memref<16384xi32, #tpu.memory_space<vmem>>[vector<16xi32>], vector<16xi32>,
        %jit3A_291 = arith.constant 16384 : i32
        %div3A_292 = vector.broadcast %jit3A_291 : i32 to vector<16xi32>
        %div3A_293 = arith.divsi %gather3A, %div3A_292 : vector<16xi32>
        %sign3A_294 = arith.constant 0 : i32
        %sign3A_295 = vector.broadcast %sign3A_294 : i32 to vector<16xi32>
        %sign3A_296 = arith.cmpi sgt, %gather3A, %sign3A_295 : vector<16xi32>
        %sign3A_297 = arith.extui %sign3A_296 : vector<16xi1> to vector<16xi32>
        %sign3A_298 = arith.constant 0 : i32
        %sign3A_299 = vector.broadcast %sign3A_298 : i32 to vector<16xi32>
        %sign3A_300 = arith.cmpi slt, %gather3A, %sign3A_299 : vector<16xi32>
        %sign3A_301 = arith.extui %sign3A_300 : vector<16xi1> to vector<16xi32>
        %sign3A_302 = arith.subi %sign3A_297, %sign3A_301 : vector<16xi32>
        %sign3A_303 = arith.constant 0 : i32
        %sign3A_304 = arith.cmpi sgt, %jit3A_291, %sign3A_303 : i32
        %sign3A_305 = arith.extui %sign3A_304 : i1 to i32
        %sign3A_306 = arith.constant 0 : i32
        %sign3A_307 = arith.cmpi slt, %jit3A_291, %sign3A_306 : i32
        %sign3A_308 = arith.extui %sign3A_307 : i1 to i32
        %sign3A_309 = arith.subi %sign3A_305, %sign3A_308 : i32
        %ne3A_310 = vector.broadcast %sign3A_309 : i32 to vector<16xi32>
        %ne3A_311 = arith.cmpi ne, %sign3A_302, %ne3A_310 : vector<16xi32>
        %rem3A_312 = vector.broadcast %jit3A_291 : i32 to vector<16xi32>
        %rem3A_313 = arith.remsi %gather3A, %rem3A_312 : vector<16xi32>
        %ne3A_314 = arith.constant 0 : i32
        %ne3A_315 = vector.broadcast %ne3A_314 : i32 to vector<16xi32>
        %ne3A_316 = arith.cmpi ne, %rem3A_313, %ne3A_315 : vector<16xi32>
        %and3A_317 = arith.andi %ne3A_311, %ne3A_316 : vector<16xi1>
        %sub3A_318 = arith.constant 1 : i32
        %sub3A_319 = vector.broadcast %sub3A_318 : i32 to vector<16xi32>
        %sub3A_320 = arith.subi %div3A_293, %sub3A_319 : vector<16xi32>
        %select_n3A_321 = arith.select %and3A_317, %sub3A_320, %div3A_293 : vector<16xi1>, vector<16xi32>
        %mul3A_322 = arith.constant 16384 : i32
        %mul3A_323 = vector.broadcast %mul3A_322 : i32 to vector<16xi32>
        %mul3A_324 = arith.muli %select_n3A_321, %mul3A_323 : vector<16xi32>
        %sub3A_325 = arith.subi %gather3A, %mul3A_324 : vector<16xi32>
        %lt3A_326 = vector.broadcast %scan3A_34 : i32 to vector<16xi32>
        %lt3A_327 = arith.cmpi slt, %add3A_288, %lt3A_326 : vector<16xi32>
        %ge3A_328 = vector.broadcast %mul3A_230 : i32 to vector<16xi32>
        %ge3A_329 = arith.cmpi sge, %select_n3A_321, %ge3A_328 : vector<16xi32>
        %and3A_330 = arith.andi %lt3A_327, %ge3A_329 : vector<16xi1>
        %add3A_331 = arith.constant 512 : i32
        %add3A_332 = arith.addi %mul3A_230, %add3A_331 : i32
        %lt3A_333 = vector.broadcast %add3A_332 : i32 to vector<16xi32>
        %lt3A_334 = arith.cmpi slt, %select_n3A_321, %lt3A_333 : vector<16xi32>
        %and3A_335 = arith.andi %and3A_330, %lt3A_334 : vector<16xi1>
        %lt3A_336 = arith.cmpi slt, %add3A_225, %select_n3A_8 : i32
        %and3A_337 = vector.broadcast %lt3A_336 : i1 to vector<16xi1>
        %and3A_338 = arith.andi %and3A_335, %and3A_337 : vector<16xi1>
        %convert_element_type3A_339 = arith.extui %and3A_338 : vector<16xi1> to vector<16xi32>
        %broadcast_in_dim3A = arith.constant true
        %broadcast_in_dim3A_340 = vector.broadcast %broadcast_in_dim3A : i1 to vector<16xi1>
        %masked_cumsum3A = tpu.scan <sum>, %convert_element_type3A_339 masked %broadcast_in_dim3A_340 : vector<16xi32>, vector<16xi1> -> vector<16xi32>
        %add3A_341 = vector.broadcast %while3A_284 : i32 to vector<16xi32>
        %add3A_342 = arith.addi %add3A_341, %masked_cumsum3A : vector<16xi32>
        %sub3A_343 = arith.constant 1 : i32
        %sub3A_344 = vector.broadcast %sub3A_343 : i32 to vector<16xi32>
        %sub3A_345 = arith.subi %add3A_342, %sub3A_344 : vector<16xi32>
        %max3A = arith.constant 0 : i32
        %max3A_346 = vector.broadcast %max3A : i32 to vector<16xi32>
        %max3A_347 = arith.maxsi %sub3A_345, %max3A_346 : vector<16xi32>
        %sub3A_348 = vector.broadcast %mul3A_230 : i32 to vector<16xi32>
        %sub3A_349 = arith.subi %select_n3A_321, %sub3A_348 : vector<16xi32>
        %mul3A_350 = arith.constant 16384 : i32
        %mul3A_351 = vector.broadcast %mul3A_350 : i32 to vector<16xi32>
        %mul3A_352 = arith.muli %sub3A_349, %mul3A_351 : vector<16xi32>
        %add3A_353 = arith.addi %mul3A_352, %sub3A_325 : vector<16xi32>
        tpu.vector_store_idx %arg12[%max3A_347], %add3A_353 masked %and3A_338 : memref<16384xi32, #tpu.memory_space<vmem>>[vector<16xi32>], vector<16xi32>, vector<16xi1>
        %reduce_sum3A = arith.constant true
        %reduce_sum3A_354 = vector.broadcast %reduce_sum3A : i1 to vector<16xi1>
        %reduce_sum3A_355 = tpu.scan <sum>, %convert_element_type3A_339 masked %reduce_sum3A_354 : vector<16xi32>, vector<16xi1> -> vector<16xi32>
        %reduce_sum3A_356 = vector.extract %reduce_sum3A_355[15] : i32 from vector<16xi32>
        %add3A_357 = arith.addi %while3A_284, %reduce_sum3A_356 : i32
        scf.yield %add3A_357 : i32
      }
      %add3A_243 = arith.constant 16 : i32
      %add3A_244 = arith.addi %while3A_242, %add3A_243 : i32
      %sub3A_245 = arith.constant 1 : i32
      %sub3A_246 = arith.subi %add3A_244, %sub3A_245 : i32
      %jit3A_247 = arith.constant 16 : i32
      %div3A_248 = arith.divsi %sub3A_246, %jit3A_247 : i32
      %sign3A_249 = arith.constant 0 : i32
      %sign3A_250 = arith.cmpi sgt, %sub3A_246, %sign3A_249 : i32
      %sign3A_251 = arith.extui %sign3A_250 : i1 to i32
      %sign3A_252 = arith.constant 0 : i32
      %sign3A_253 = arith.cmpi slt, %sub3A_246, %sign3A_252 : i32
      %sign3A_254 = arith.extui %sign3A_253 : i1 to i32
      %sign3A_255 = arith.subi %sign3A_251, %sign3A_254 : i32
      %sign3A_256 = arith.constant 0 : i32
      %sign3A_257 = arith.cmpi sgt, %jit3A_247, %sign3A_256 : i32
      %sign3A_258 = arith.extui %sign3A_257 : i1 to i32
      %sign3A_259 = arith.constant 0 : i32
      %sign3A_260 = arith.cmpi slt, %jit3A_247, %sign3A_259 : i32
      %sign3A_261 = arith.extui %sign3A_260 : i1 to i32
      %sign3A_262 = arith.subi %sign3A_258, %sign3A_261 : i32
      %ne3A_263 = arith.cmpi ne, %sign3A_255, %sign3A_262 : i32
      %rem3A_264 = arith.remsi %sub3A_246, %jit3A_247 : i32
      %ne3A_265 = arith.constant 0 : i32
      %ne3A_266 = arith.cmpi ne, %rem3A_264, %ne3A_265 : i32
      %and3A_267 = arith.andi %ne3A_263, %ne3A_266 : i1
      %sub3A_268 = arith.constant 1 : i32
      %sub3A_269 = arith.subi %div3A_248, %sub3A_268 : i32
      %select_n3A_270 = arith.select %and3A_267, %sub3A_269, %div3A_248 : i32
      %while3A_271 = arith.constant 0 : i32
      %while3A_272 = arith.constant 0 : i32
      %while3A_273 = arith.subi %select_n3A_270, %while3A_271 : i32
      %while3A_274 = arith.addi %while3A_271, %while3A_273 : i32
      %while3A_275 = arith.constant 1 : i32
      %while3A_276 = arith.divsi %while3A_273, %while3A_275 : i32
      %while3A_277 = arith.muli %while3A_276, %while3A_275 : i32
      %while3A_278 = arith.addi %while3A_271, %while3A_277 : i32
      %while3A_279 = arith.constant 1 : i32
      %while3A_280 = scf.for %while3A_283 = %while3A_271 to %while3A_278 step %while3A_279 iter_args(%while3A_284 = %while3A_272) -> (i32)  : i32 {
        %mul3A_285 = arith.constant 16 : i32
        %mul3A_286 = arith.muli %while3A_283, %mul3A_285 : i32
        %add3A_287 = vector.broadcast %mul3A_286 : i32 to vector<16xi32>
        %add3A_288 = arith.addi %add3A_287, %iota3A : vector<16xi32>
        %sub3A_289 = arith.constant 1 : i32
        %sub3A_290 = arith.subi %while3A_242, %sub3A_289 : i32
        %max3A = arith.constant 0 : i32
        %max3A_291 = arith.maxsi %sub3A_290, %max3A : i32
        %min3A = vector.broadcast %max3A_291 : i32 to vector<16xi32>
        %min3A_292 = arith.minsi %add3A_288, %min3A : vector<16xi32>
        %gather3A = tpu.vector_load_idx %arg12[%min3A_292] : memref<16384xi32, #tpu.memory_space<vmem>>[vector<16xi32>], vector<16xi32>,
        %jit3A_293 = arith.constant 16384 : i32
        %div3A_294 = vector.broadcast %jit3A_293 : i32 to vector<16xi32>
        %div3A_295 = arith.divsi %gather3A, %div3A_294 : vector<16xi32>
        %sign3A_296 = arith.constant 0 : i32
        %sign3A_297 = vector.broadcast %sign3A_296 : i32 to vector<16xi32>
        %sign3A_298 = arith.cmpi sgt, %gather3A, %sign3A_297 : vector<16xi32>
        %sign3A_299 = arith.extui %sign3A_298 : vector<16xi1> to vector<16xi32>
        %sign3A_300 = arith.constant 0 : i32
        %sign3A_301 = vector.broadcast %sign3A_300 : i32 to vector<16xi32>
        %sign3A_302 = arith.cmpi slt, %gather3A, %sign3A_301 : vector<16xi32>
        %sign3A_303 = arith.extui %sign3A_302 : vector<16xi1> to vector<16xi32>
        %sign3A_304 = arith.subi %sign3A_299, %sign3A_303 : vector<16xi32>
        %sign3A_305 = arith.constant 0 : i32
        %sign3A_306 = arith.cmpi sgt, %jit3A_293, %sign3A_305 : i32
        %sign3A_307 = arith.extui %sign3A_306 : i1 to i32
        %sign3A_308 = arith.constant 0 : i32
        %sign3A_309 = arith.cmpi slt, %jit3A_293, %sign3A_308 : i32
        %sign3A_310 = arith.extui %sign3A_309 : i1 to i32
        %sign3A_311 = arith.subi %sign3A_307, %sign3A_310 : i32
        %ne3A_312 = vector.broadcast %sign3A_311 : i32 to vector<16xi32>
        %ne3A_313 = arith.cmpi ne, %sign3A_304, %ne3A_312 : vector<16xi32>
        %rem3A_314 = vector.broadcast %jit3A_293 : i32 to vector<16xi32>
        %rem3A_315 = arith.remsi %gather3A, %rem3A_314 : vector<16xi32>
        %ne3A_316 = arith.constant 0 : i32
        %ne3A_317 = vector.broadcast %ne3A_316 : i32 to vector<16xi32>
        %ne3A_318 = arith.cmpi ne, %rem3A_315, %ne3A_317 : vector<16xi32>
        %and3A_319 = arith.andi %ne3A_313, %ne3A_318 : vector<16xi1>
        %sub3A_320 = arith.constant 1 : i32
        %sub3A_321 = vector.broadcast %sub3A_320 : i32 to vector<16xi32>
        %sub3A_322 = arith.subi %div3A_295, %sub3A_321 : vector<16xi32>
        %select_n3A_323 = arith.select %and3A_319, %sub3A_322, %div3A_295 : vector<16xi1>, vector<16xi32>
        %mul3A_324 = arith.constant 16384 : i32
        %mul3A_325 = vector.broadcast %mul3A_324 : i32 to vector<16xi32>
        %mul3A_326 = arith.muli %select_n3A_323, %mul3A_325 : vector<16xi32>
        %sub3A_327 = arith.subi %gather3A, %mul3A_326 : vector<16xi32>
        %scan3A_328 = arith.constant 0 : i32
        %scan3A_329 = arith.constant 0 : i32
        %scan3A_330 = arith.constant 64 : i32
        %scan3A_331 = arith.addi %scan3A_329, %scan3A_330 : i32
        %scan3A_332 = arith.constant 1 : i32
        %scan3A_333 = scf.for %scan3A_336 = %scan3A_329 to %scan3A_331 step %scan3A_332 iter_args(%scan3A_337 = %scan3A_328) -> (i32)  : i32 {
          %broadcast_in_dim3A = vector.broadcast %scan3A_336 : i32 to vector<16xi32>
          %gather3A_338 = arith.constant 1 : i32
          %gather3A_339 = arith.constant 0 : i32
          %gather3A_340 = arith.constant 0 : i32
          %gather3A_341 = tpu.memref_slice %arg8[%gather3A_338, %gather3A_339, %gather3A_340] : memref<2x64x512xf32, #tpu.memory_space<vmem>> -> memref<1x64x512xf32, #tpu.memory_space<vmem>>
          %gather3A_342 = tpu.memref_squeeze %gather3A_341 : memref<1x64x512xf32, #tpu.memory_space<vmem>> -> memref<64x512xf32, #tpu.memory_space<vmem>>
          %gather3A_343 = tpu.vector_load_idx %gather3A_342[%broadcast_in_dim3A, %select_n3A_323] : memref<64x512xf32, #tpu.memory_space<vmem>>[vector<16xi32>, vector<16xi32>], vector<16xf32>,
          %broadcast_in_dim3A_344 = vector.broadcast %scan3A_336 : i32 to vector<16xi32>
          tpu.vector_store_idx %arg11[%iota3A, %broadcast_in_dim3A_344], %gather3A_343 : memref<16x128xf32, #tpu.memory_space<vmem>>[vector<16xi32>, vector<16xi32>], vector<16xf32>,
          %scan3A_345 = arith.constant 0 : i32
          scf.yield %scan3A_345 : i32
        }
        %scan3A_334 = arith.constant 64 : i32
        "tpu.region"() ({
          %run_scoped3A = tpu.sem_alloc : memref<!tpu.dma_semaphore, #tpu.memory_space<semaphore_mem>>
          %dma_start3A = arith.constant 0 : i32
          %dma_start3A_336 = arith.constant 0 : i32
          %dma_start3A_337 = tpu.memref_slice %arg5[%dma_start3A, %dma_start3A_336] : memref<16384x128xf32, #tpu.memory_space<hbm>> -> memref<16384x128xf32, #tpu.memory_space<hbm>>
          tpu.enqueue_indirect_dma source(%arg11 : memref<16x128xf32, #tpu.memory_space<vmem>>) target(%dma_start3A_337 : memref<16384x128xf32, #tpu.memory_space<hbm>>) offsets(%sub3A_327 : vector<16xi32>) semaphore(%run_scoped3A : memref<!tpu.dma_semaphore, #tpu.memory_space<semaphore_mem>>)
          %dma_wait3A_338 = arith.constant 0 : i32
          %dma_wait3A_339 = arith.constant 0 : i32
          %dma_wait3A_340 = tpu.memref_slice %arg5[%dma_wait3A_338, %dma_wait3A_339] : memref<16384x128xf32, #tpu.memory_space<hbm>> -> memref<16384x128xf32, #tpu.memory_space<hbm>>
          tpu.wait_indirect_dma semaphore(%run_scoped3A : memref<!tpu.dma_semaphore, #tpu.memory_space<semaphore_mem>>) src(%arg11 : memref<16x128xf32, #tpu.memory_space<vmem>>) dst(%dma_wait3A_340 : memref<16384x128xf32, #tpu.memory_space<hbm>>)
          tpu.yield
        }) : () -> ()
        %while3A_335 = arith.constant 0 : i32
        scf.yield %while3A_335 : i32
      }
      %while3A_281 = arith.constant 1 : i32
      %while3A_282 = scf.for %while3A_283 = %while3A_278 to %while3A_274 step %while3A_281 iter_args(%while3A_284 = %while3A_280) -> (i32)  : i32 {
        %mul3A_285 = arith.constant 16 : i32
        %mul3A_286 = arith.muli %while3A_283, %mul3A_285 : i32
        %add3A_287 = vector.broadcast %mul3A_286 : i32 to vector<16xi32>
        %add3A_288 = arith.addi %add3A_287, %iota3A : vector<16xi32>
        %sub3A_289 = arith.constant 1 : i32
        %sub3A_290 = arith.subi %while3A_242, %sub3A_289 : i32
        %max3A = arith.constant 0 : i32
        %max3A_291 = arith.maxsi %sub3A_290, %max3A : i32
        %min3A = vector.broadcast %max3A_291 : i32 to vector<16xi32>
        %min3A_292 = arith.minsi %add3A_288, %min3A : vector<16xi32>
        %gather3A = tpu.vector_load_idx %arg12[%min3A_292] : memref<16384xi32, #tpu.memory_space<vmem>>[vector<16xi32>], vector<16xi32>,
        %jit3A_293 = arith.constant 16384 : i32
        %div3A_294 = vector.broadcast %jit3A_293 : i32 to vector<16xi32>
        %div3A_295 = arith.divsi %gather3A, %div3A_294 : vector<16xi32>
        %sign3A_296 = arith.constant 0 : i32
        %sign3A_297 = vector.broadcast %sign3A_296 : i32 to vector<16xi32>
        %sign3A_298 = arith.cmpi sgt, %gather3A, %sign3A_297 : vector<16xi32>
        %sign3A_299 = arith.extui %sign3A_298 : vector<16xi1> to vector<16xi32>
        %sign3A_300 = arith.constant 0 : i32
        %sign3A_301 = vector.broadcast %sign3A_300 : i32 to vector<16xi32>
        %sign3A_302 = arith.cmpi slt, %gather3A, %sign3A_301 : vector<16xi32>
        %sign3A_303 = arith.extui %sign3A_302 : vector<16xi1> to vector<16xi32>
        %sign3A_304 = arith.subi %sign3A_299, %sign3A_303 : vector<16xi32>
        %sign3A_305 = arith.constant 0 : i32
        %sign3A_306 = arith.cmpi sgt, %jit3A_293, %sign3A_305 : i32
        %sign3A_307 = arith.extui %sign3A_306 : i1 to i32
        %sign3A_308 = arith.constant 0 : i32
        %sign3A_309 = arith.cmpi slt, %jit3A_293, %sign3A_308 : i32
        %sign3A_310 = arith.extui %sign3A_309 : i1 to i32
        %sign3A_311 = arith.subi %sign3A_307, %sign3A_310 : i32
        %ne3A_312 = vector.broadcast %sign3A_311 : i32 to vector<16xi32>
        %ne3A_313 = arith.cmpi ne, %sign3A_304, %ne3A_312 : vector<16xi32>
        %rem3A_314 = vector.broadcast %jit3A_293 : i32 to vector<16xi32>
        %rem3A_315 = arith.remsi %gather3A, %rem3A_314 : vector<16xi32>
        %ne3A_316 = arith.constant 0 : i32
        %ne3A_317 = vector.broadcast %ne3A_316 : i32 to vector<16xi32>
        %ne3A_318 = arith.cmpi ne, %rem3A_315, %ne3A_317 : vector<16xi32>
        %and3A_319 = arith.andi %ne3A_313, %ne3A_318 : vector<16xi1>
        %sub3A_320 = arith.constant 1 : i32
        %sub3A_321 = vector.broadcast %sub3A_320 : i32 to vector<16xi32>
        %sub3A_322 = arith.subi %div3A_295, %sub3A_321 : vector<16xi32>
        %select_n3A_323 = arith.select %and3A_319, %sub3A_322, %div3A_295 : vector<16xi1>, vector<16xi32>
        %mul3A_324 = arith.constant 16384 : i32
        %mul3A_325 = vector.broadcast %mul3A_324 : i32 to vector<16xi32>
        %mul3A_326 = arith.muli %select_n3A_323, %mul3A_325 : vector<16xi32>
        %sub3A_327 = arith.subi %gather3A, %mul3A_326 : vector<16xi32>
        %scan3A_328 = arith.constant 0 : i32
        %scan3A_329 = arith.constant 0 : i32
        %scan3A_330 = arith.constant 64 : i32
        %scan3A_331 = arith.addi %scan3A_329, %scan3A_330 : i32
        %scan3A_332 = arith.constant 1 : i32
        %scan3A_333 = scf.for %scan3A_336 = %scan3A_329 to %scan3A_331 step %scan3A_332 iter_args(%scan3A_337 = %scan3A_328) -> (i32)  : i32 {
          %broadcast_in_dim3A = vector.broadcast %scan3A_336 : i32 to vector<16xi32>
          %gather3A_338 = arith.constant 1 : i32
          %gather3A_339 = arith.constant 0 : i32
          %gather3A_340 = arith.constant 0 : i32
          %gather3A_341 = tpu.memref_slice %arg8[%gather3A_338, %gather3A_339, %gather3A_340] : memref<2x64x512xf32, #tpu.memory_space<vmem>> -> memref<1x64x512xf32, #tpu.memory_space<vmem>>
          %gather3A_342 = tpu.memref_squeeze %gather3A_341 : memref<1x64x512xf32, #tpu.memory_space<vmem>> -> memref<64x512xf32, #tpu.memory_space<vmem>>
          %gather3A_343 = tpu.vector_load_idx %gather3A_342[%broadcast_in_dim3A, %select_n3A_323] : memref<64x512xf32, #tpu.memory_space<vmem>>[vector<16xi32>, vector<16xi32>], vector<16xf32>,
          %broadcast_in_dim3A_344 = vector.broadcast %scan3A_336 : i32 to vector<16xi32>
          tpu.vector_store_idx %arg11[%iota3A, %broadcast_in_dim3A_344], %gather3A_343 : memref<16x128xf32, #tpu.memory_space<vmem>>[vector<16xi32>, vector<16xi32>], vector<16xf32>,
          %scan3A_345 = arith.constant 0 : i32
          scf.yield %scan3A_345 : i32
        }
        %scan3A_334 = arith.constant 64 : i32
        "tpu.region"() ({
          %run_scoped3A = tpu.sem_alloc : memref<!tpu.dma_semaphore, #tpu.memory_space<semaphore_mem>>
          %dma_start3A = arith.constant 0 : i32
          %dma_start3A_336 = arith.constant 0 : i32
          %dma_start3A_337 = tpu.memref_slice %arg5[%dma_start3A, %dma_start3A_336] : memref<16384x128xf32, #tpu.memory_space<hbm>> -> memref<16384x128xf32, #tpu.memory_space<hbm>>
          tpu.enqueue_indirect_dma source(%arg11 : memref<16x128xf32, #tpu.memory_space<vmem>>) target(%dma_start3A_337 : memref<16384x128xf32, #tpu.memory_space<hbm>>) offsets(%sub3A_327 : vector<16xi32>) semaphore(%run_scoped3A : memref<!tpu.dma_semaphore, #tpu.memory_space<semaphore_mem>>)
          %dma_wait3A_338 = arith.constant 0 : i32
          %dma_wait3A_339 = arith.constant 0 : i32
          %dma_wait3A_340 = tpu.memref_slice %arg5[%dma_wait3A_338, %dma_wait3A_339] : memref<16384x128xf32, #tpu.memory_space<hbm>> -> memref<16384x128xf32, #tpu.memory_space<hbm>>
          tpu.wait_indirect_dma semaphore(%run_scoped3A : memref<!tpu.dma_semaphore, #tpu.memory_space<semaphore_mem>>) src(%arg11 : memref<16x128xf32, #tpu.memory_space<vmem>>) dst(%dma_wait3A_340 : memref<16384x128xf32, #tpu.memory_space<hbm>>)
          tpu.yield
        }) : () -> ()
        %while3A_335 = arith.constant 0 : i32
        scf.yield %while3A_335 : i32
      }
    }
    return
  }
}

</mosaic_0001>

<sc_bundles>
// kernel: _scan_lookup.3.cloned.1.call-start
scs
__scs_entry_jumppad:
0x0: {  	(pc) =	sbr.rel $0x88, $3  }
0x1: {  	(tag) =	ssettag $0x0;
	lr =	simm.s32 $0x1  }
0x2: {  	[smem:$0x3F9E] =	sst lr;
	_ =	strace $0xD0000000  }
0x3: {  	_ = 	snop  }
0x4: {  	_ = 	snop  }
0x5: {  	_ = 	snop  }
0x6: {  	_ = 	snop  }
0x7: {  	_ = 	snop  }
__scs_overlays_trampoline_lowered:
0x8: {  	[smem:$0x3FAD] =	sst s0  }
0x9: {  	[smem:$0x3FAE] =	sst s1  }
0xa: {  	[smem:$0x3FAF] =	sst s2  }
0xb: {  	[smem:$0x3FB0] =	sst s3  }
0xc: {  	[smem:$0x3FB1] =	sst s4  }
0xd: {  	[smem:$0x3FB2] =	sst s5  }
0xe: {  	[smem:$0x3FB3] =	sst s6  }
0xf: {  	[smem:$0x3FB4] =	sst s7  }
0x10: {  	[smem:$0x3FB5] =	sst s8  }
0x11: {  	[smem:$0x3FB6] =	sst s9;
	s0 =	simm.s32 @!p0 $0x0  }
0x12: {  	s1 =	sld [smem:$0x3F9C];
	s0 =	simm.s32 @p0 $0x1  }
0x13: {  	[smem:$0x3FB7] =	sst s0;
	s0 =	simm.s32 @!p1 $0x0  }
0x14: {  	s2 =	sld [smem:$0x3F9B];
	s0 =	simm.s32 @p1 $0x1  }
0x15: {  	[smem:$0x3FB8] =	sst s0;
	s0 =	simm.s32 @!p2 $0x0  }
0x16: {  	s3 =	sld [smem:$0x3FDB];
	s0 =	simm.s32 @p2 $0x1  }
0x17: {  	s4 =	simm.s32 $0x1BF5;
	[smem:$0x3FBA] =	sst s0  }
0x18: {  	s0 =	sld [smem:$0x3F9D];
	_ =	swait.ge [sflag:s4], $0x0  }
0x19: {  	s7 =	sld [smem:$0x3F9E]  }
0x1a: {  	s8 =	sadd.s32 $0xFFFFE003, lr  }
0x1b: {  	s9 =	sadd.s32 $0xFFFFFEF7, lr;
	s5 =	simm.s32 $0xFFFFFFFF;
	p2 =	slt.u32 s8, $0xFFFFF086  }
0x1c: {  	p1 =	slt.u32 s9, $0xF7A;
	s5 =	simm.s32 @!p2 $0x0  }
0x1d: {  	s5 =	simm.s32 @p1 $0x1;
	p0 =	seq.s32 s7, s2  }
0x1e: {  	s7 =	smul.u32 @!p0 $0xF7A, s2;
	p2 =	seq.s32 @!p0 s5, $0x0  }
0x1f: {  	s9 =	smul.u32 $0xF7A, s1;
	s8 =	simm.s32 @!p0 $0x1BF5;
	p2 =	por !p2, p0  }
0x20: {  	[sflag:s8] =	ssyncset.s32 @!p0 $0xFFFFF086;
	s6 =	sadd.s32 @!p0 s3, s7;
	s7 =	simm.s32 @!p0 $0x108  }
0x21: {  	s3 =	sadd.s32 s3, s9;
	s6 =	sadd.s32 @!p0 $0x88, s6;
	s7 =	simm.s32 @p2 $0x1082  }
0x22: {  	[simem:s7], [sflag:s8] =	dma.local @!p0 [hbm:s6], $0xF7A  }
0x23: {  	s9 =	sor.u32 $0xD0000000, s2;
	s6 =	simm.s32 $0x108;
	_ =	swait.ge @!p0 [sflag:s8], $0x0  }
0x24: {  	s3 =	sadd.s32 $0x88, s3;
	s6 =	simm.s32 @!p1 $0x1082;
	[sflag:s4] =	ssyncset.s32 $0xFFFFF086  }
0x25: {  	[simem:s6], [sflag:s4] =	dma.local [hbm:s3], $0xF7A  }
0x26: {  	[smem:$0x3F9E] =	sst s1;
	(tag) =	ssettag s2;
	_ =	strace s9  }
0x27: {  	s1 =	sld [smem:$0x3FAE]  }
0x28: {  	s2 =	sld [smem:$0x3FAF]  }
0x29: {  	s4 =	sld [smem:$0x3FB1]  }
0x2a: {  	p0 =	seq.s32 s5, $0x0;
	s5 =	sld [smem:$0x3FB2]  }
0x2b: {  	s6 =	sld [smem:$0x3FB3]  }
0x2c: {  	s7 =	sld [smem:$0x3FB4]  }
0x2d: {  	s3 =	simm.s32 $0x108;
	s8 =	sld [smem:$0x3FB5]  }
0x2e: {  	s3 =	simm.s32 @!p0 $0x1082;
	s9 =	sld [smem:$0x3FB6]  }
0x2f: {  	lr =	sadd.s32 s0, s3;
	s0 =	sld [smem:$0x3FAD]  }
0x30: {  	s3 =	sld [smem:$0x3FB0]  }
0x31: {  	[smem:$0x3FB9] =	sst s10  }
0x32: {  	s10 =	sld [smem:$0x3FB7];
	_ =	sdelay $0x3  }
0x33: {  	p0 =	seq.s32 s10, $0x1;
	s10 =	sld [smem:$0x3FB9];
	_ =	sdelay $0x3  }
0x34: {  	[smem:$0x3FB9] =	sst s10  }
0x35: {  	s10 =	sld [smem:$0x3FB8];
	_ =	sdelay $0x3  }
0x36: {  	p1 =	seq.s32 s10, $0x1;
	s10 =	sld [smem:$0x3FB9];
	_ =	sdelay $0x3  }
0x37: {  	[smem:$0x3FB9] =	sst s10  }
0x38: {  	s10 =	sld [smem:$0x3FBA]  }
0x39: {  	_ = 	snop;
	(pc) =	sbr.ind lr, $3  }
0x3a: {  	_ = 	snop  }
0x3b: {  	_ = 	snop  }
0x3c: {  	p2 =	seq.s32 s10, $0x1;
	s10 =	sld [smem:$0x3FB9]  }
0x3d: {  	_ =	shalt  }
0x3e: {  	_ =	shalt  }
0x3f: {  	_ =	shalt  }
0x40: {  	_ =	shalt  }
0x41: {  	_ =	shalt  }
0x42: {  	_ =	shalt  }
0x43: {  	_ =	shalt  }
0x44: {  	_ =	shalt  }
0x45: {  	_ =	shalt  }
0x46: {  	_ =	shalt  }
0x47: {  	_ =	shalt  }
0x48: {  	_ =	shalt  }
0x49: {  	_ =	shalt  }
0x4a: {  	_ =	shalt  }
0x4b: {  	_ =	shalt  }
0x4c: {  	_ =	shalt  }
0x4d: {  	_ =	shalt  }
0x4e: {  	_ =	shalt  }
0x4f: {  	_ =	shalt  }
0x50: {  	_ =	shalt  }
0x51: {  	_ =	shalt  }
0x52: {  	_ =	shalt  }
0x53: {  	_ =	shalt  }
0x54: {  	_ =	shalt  }
0x55: {  	_ =	shalt  }
0x56: {  	_ =	shalt  }
0x57: {  	_ =	shalt  }
0x58: {  	_ =	shalt  }
0x59: {  	_ =	shalt  }
0x5a: {  	_ =	shalt  }
0x5b: {  	_ =	shalt  }
0x5c: {  	_ =	shalt  }
0x5d: {  	_ =	shalt  }
0x5e: {  	_ =	shalt  }
0x5f: {  	_ =	shalt  }
0x60: {  	_ =	shalt  }
0x61: {  	_ =	shalt  }
0x62: {  	_ =	shalt  }
0x63: {  	_ =	shalt  }
0x64: {  	_ =	shalt  }
0x65: {  	_ =	shalt  }
0x66: {  	_ =	shalt  }
0x67: {  	_ =	shalt  }
0x68: {  	_ =	shalt  }
0x69: {  	_ =	shalt  }
0x6a: {  	_ =	shalt  }
0x6b: {  	_ =	shalt  }
0x6c: {  	_ =	shalt  }
0x6d: {  	_ =	shalt  }
0x6e: {  	_ =	shalt  }
0x6f: {  	_ =	shalt  }
0x70: {  	_ =	shalt  }
0x71: {  	_ =	shalt  }
0x72: {  	_ =	shalt  }
0x73: {  	_ =	shalt  }
0x74: {  	_ =	shalt  }
0x75: {  	_ =	shalt  }
0x76: {  	_ =	shalt  }
0x77: {  	_ =	shalt  }
0x78: {  	_ =	shalt  }
0x79: {  	_ =	shalt  }
0x7a: {  	_ =	shalt  }
0x7b: {  	_ =	shalt  }
0x7c: {  	_ =	shalt  }
0x7d: {  	_ =	shalt  }
0x7e: {  	_ =	shalt  }
0x7f: {  	_ =	shalt  }
0x80: {  	_ =	shalt  }
0x81: {  	_ =	shalt  }
0x82: {  	_ =	shalt  }
0x83: {  	_ =	shalt  }
0x84: {  	_ =	shalt  }
0x85: {  	_ =	shalt  }
0x86: {  	_ =	shalt  }
0x87: {  	_ =	shalt  }
.Lfunc_end0:
.L_simem_size_0:
called_computation_lowered:
.L_overlay_start_0:
0x88: {  	s2 =	sld [smem:$0x3FD9]  }
0x89: {  	s3 =	sld [smem:$0x3FFE];
	_ =	sdelay $0x1  }
0x8a: {  	s1 =	srdreg.scid  }
0x8b: {  	s0 =	sand.u32 $0x1, s1  }
0x8c: {  	s18 =	sshll.u32 s0, $0xA;
	s2 =	sadd.s32 s3, s2  }
0x8d: {  	s2 =	sadd.s32 s2, s18  }
0x8e: {  	[smem:$0x3FC5] =	sst s2  }
0x8f: {  	_ = 	snop  }
0x90: {  	s2 =	sld [smem:$0x3FC9]  }
0x91: {  	s19 =	sld [smem:$0x3FC8]  }
0x92: {  	s4 =	sld [smem:$0x3FC7]  }
0x93: {  	s5 =	sld [smem:$0x3FD0];
	(tm) =	ssettm $0x1  }
0x94: {  	s6 =	sld [smem:$0x3FFB];
	_ =	sdelay $0x3  }
0x95: {  	_ =	strace s6  }
0x96: {  	s6 =	sld [smem:$0x3FFC];
	_ =	sdelay $0x3  }
0x97: {  	_ =	strace s6  }
0x98: {  	s6 =	sld [smem:$0x3FFD];
	_ =	sdelay $0x3  }
0x99: {  	_ =	strace s6  }
0x9a: {  	_ =	strace $0x8FFFFFFF  }
0x9b: {  	s20 =	sld [smem:$0x3FDB];
	_ =	sdelay $0x1  }
0x9c: {  	s7 =	simm.s32 $_scs_section_size  }
0x9d: {  	s8 =	simm.s32 $_size__tile_overlayer_lowered;
	s9 =	simm.s32 $_tile_overlayer_lowered  }
0x9e: {  	s23 =	simm.s32 $0x1BFF;
	s22 =	sshll.u32 s9, $0x1;
	s6 =	sadd.s32 s7, s20  }
0x9f: {  	s10 =	simm.s32 $0x0;
	s21 =	sshll.u32 s8, $0x1;
	s8 =	sadd.s32 s22, s6  }
0xa0: {  	[timem:s10], [sflag:s23] =	dma.local [hbm:s8], s21  }
0xa1: {  	_ =	swait.ge [sflag:s23], s21  }
0xa2: {  	s7 =	ssub.s32 $0x0, s21;
	[sflag:s23] =	ssyncset.done $0x0  }
0xa3: {  	[sflag:s23] =	ssyncadd.s32 s7;
	_ =	sdelay $0x1  }
0xa4: {  	s24 =	simm.s32 $0x1B8B  }
0xa5: {  	_ =	swait.ge [sflag:s24], $0x1  }
0xa6: {  	[sflag:s24] =	ssyncset.done $0x0  }
0xa7: {  	s25 =	simm.s32 $0x1B8E;
	[sflag:s24] =	ssyncadd.s32 $0xFFFFFFFF  }
0xa8: {  	s26 =	simm.s32 $execute0_lowered;
	[smem:$0x3FD2] =	sst s25  }
0xa9: {  	s7 =	sshll.u32 s26, $0x1;
	_ =	strace $0x80000046;
	[dreg:$0x1] =	wrdreg $0xFFFFFFFF  }
0xaa: {  	s28 =	simm.s32 $_size_execute0_lowered;
	s6 =	sadd.s32 s6, s7;
	[dreg:$0x0] =	wrdreg $0x0  }
0xab: {  	s7 =	sshll.u32 s28, $0x1;
	[dreg:$0x2] =	wrdreg s6  }
0xac: {  	[dreg:$0x3] =	wrdreg s7  }
0xad: {  	[dreg:$0x4] =	wrdreg $0xC0  }
0xae: {  	_ =	task [dreg:s10], $0x5FFFF  }
0xaf: {  	[dreg:$0x1] =	wrdreg $0xFFFFFFFF  }
0xb0: {  	[dreg:$0x0] =	wrdreg $0x60  }
0xb1: {  	[dreg:$0x2] =	wrdreg s2  }
0xb2: {  	[dreg:$0x3] =	wrdreg s19  }
0xb3: {  	[dreg:$0x4] =	wrdreg s4  }
0xb4: {  	[dreg:$0x5] =	wrdreg s5  }
0xb5: {  	[dreg:$0x6] =	wrdreg $0x9  }
0xb6: {  	_ =	task.clear_ibuf [dreg:s10], $0x7FFFF;
	_ =	strace $0x90000046  }
0xb7: {  	s29 =	simm.s32 $0x9;
	_ =	strace $0x80000048  }
0xb8: {  	_ =	swait.ge [sflag:s29], $0x1  }
0xb9: {  	[sflag:s29] =	ssyncadd.s32 $0xFFFFFFFF  }
0xba: {  	_ =	strace $0x90000048  }
0xbb: {  	_ =	sfence  }
0xbc: {  	s30 =	sld [smem:$0x0];
	_ =	sdelay $0x2  }
0xbd: {  	s31 =	sshll.u32 s1, $0xD;
	s1 =	sshrl.u32 s1, $0x2  }
0xbe: {  	s3 =	sand.u32 $0x4000, s31;
	s1 =	sadd.s32 s1, s30  }
0xbf: {  	s0 =	sor.u32 s3, s0;
	s1 =	sshll.u32 s1, $0x11  }
0xc0: {  	s0 =	sor.u32 s1, s0  }
0xc1: {  	s0 =	sadd.s32 $0x8F2B, s0  }
0xc2: {  	[sflag:s0] =	ssyncadd.remote.s32 $0x1  }
0xc3: {  	_ =	sfence.sel $0xFFFF  }
0xc4: {  	[dreg:$0x0] =	wrdreg $0xFFFFFFFF;
	(pc) =	sbr.abs _section_cstart, $3  }
0xc5: {  	[dreg:$0x1] =	wrdreg $0xFFFFFFFF  }
0xc6: {  	_ =	task.clear_ibuf [dreg:s10], $0x2FFFF;
	_ =	strace $0x9FFFFFFF  }
0xc7: {  	(tm) =	ssettm $0x7FFFFFFF  }
tec
execute0_lowered:
.L_overlay_start_1:
0x0: {  	(tag) =	ssettag $0x1  }
0x1: {  	s0 =	srdreg.scid  }
0x2: {  	s1 =	stileid.u32;
	s4 =	rddreg [dreg:$0x0]  }
0x3: {  	s5 =	rddreg [dreg:$0x1];
	s7 =	simm.s32 $0x3F;
	s15 =	simm.s32 $0x0  }
0x4: {  	s13 =	simm.s32 $0x3;
	s16 =	simm.s32 $0x1000;
	s19 =	simm.s32 $0x5000  }
0x5: {  	s20 =	simm.s32 $0xD000;
	s0 =	sand.u32 $0x1, s0;
	s1 =	sshll.u32 s1, $0x1  }
0x6: {  	v1 =	vimm.s32 $0xECA86420;
	[smem:$0x7FF] =	sst s15;
	s28 =	sadd.s32 $0x200, s4;
	s29 =	sadd.s32 $0x400, s4  }
0x7: {  	v2 =	vlaneseq.u32;
	vm0 =	vcmask $0xB08;
	vm1 =	vcmask $0x1310;
	s30 =	sadd.s32 $0x600, s4;
	_ =	strace $0x80000047;
	[smem:$0x7F6] =	sst s28  }
0x8: {  	vm2 =	vcmask $0x1B18;
	vm4 =	vcmask $0x300;
	vm5 =	vcmask $0x2320;
	s1 =	sor.u32 s0, s1;
	s0 =	ssub.s32 $0x2, s0;
	[smem:$0x7F7] =	sst s29  }
0x9: {  	vm6 =	vcmask $0x2B28;
	vm7 =	vcmask $0x3330;
	vm11 =	vcmask $0x3B38;
	[smem:$0x7F8] =	sst s30;
	p0 =	seq.s32 s1, $0x1F;
	s2 =	smul.u32 $0x7A00, s1  }
0xa: {  	vm8 =	vmmov $0xff;
	vm10 =	vcmask $0x704;
	vm13 =	vcmask $0xF0C;
	s26 =	sshrl.u32 s0, $0x1;
	s12 =	smul.u32 $0x3D000, s1;
	s7 =	simm.s32 @!p0 $0x3D  }
.Ltmp0:
0xb: {  	vm14 =	vcmask $0x1F1C;
	vm15 =	vcmask $0x2724;
	vm3 =	vcmask $0x2F2C;
	s0 =	ssub.s32 s0, s26;
	[smem:$0x7FA] =	sst s7;
	(pc) =	sbr.rel .LBB2_1-.Ltmp0, $4  }
0xc: {  	vm12 =	vcmask $0x3734;
	v5 =	vimm.s32 $0x0;
	vm9 =	vmmov $0xffff;
	s3 =	sshll.u32 s7, $0x9;
	s0 =	smax.u32 s0, $0x1;
	[smem:$0x7FD] =	sst s12  }
0xd: {  	v7 =	vimm.s32 $0x0;
	v3 =	vunpack.c.l.s4.s8 v1;
	v4 =	vmul.u32 $0x2, v2;
	s10 =	sadd.s32 s5, s2;
	s31 =	sadd.s32 $0x1, s7;
	[smem:$0x7F9] =	sst s0  }
0xe: {  	v6 =	vmul.u32 $0x80, v2;
	v7 =	vsel vm9, $0xFFFFFFFF, v7;
	vm9 =	vcmask $0x1714;
	s3 =	sadd.s32 s2, s3;
	s11 =	sshrl.u32 s31, $0x1;
	[smem:$0x7FB] =	sst s10  }
0xf: {  	s22 =	simm.s32 $0x15000;
	[tilespmem:$0x1FFF0] =	vst v7;
	v3 =	vunpack.c.0.s8.s32 v3;
	s1 =	simm.s32 $0x0;
	v0 =	vmov s2;
	v1 =	vmov s3;
	[smem:$0x7FC] =	sst s11  }
.LBB2_41:
0x10: {  	s1 =	sld [smem:$0x7F1]  }
0x11: {  	s0 =	sld [smem:$0x7F9];
	_ =	sdelay $0x1  }
0x12: {  	s1 =	sadd.s32 $0x1, s1  }
0x13: {  	p0 =	sne.s32 s1, s0  }
.Ltmp1:
0x14: {  	_ = 	snop;
	(pc) =	sbr.rel @!p0 .LBB2_42-.Ltmp1, $3  }
0x15: {  	_ =	sdelay $0x1  }
0x16: {  	vm13 =	vmmov vm12;
	vm9 =	vmmov vm7;
	vm7 =	vcmask $0x3330  }
0x17: {  	vm11 =	vcmask $0x3B38;
	vm12 =	vcmask $0x3734;
	vm10 =	vcmask $0x704  }
.LBB2_1:
0x18: {  	[smem:$0x7F1] =	sst s1  }
0x19: {  	v7 =	vor.u32 s15, v2;
	s0 =	rddreg [dreg:$0x0]  }
0x1a: {  	[tilespmem:s15], [sflag:$0x3] =	stream.linear.gather [hbm4b:s0+s15], $0x1000, $0x38;
	[tilespmem:$0x19800] =	vst v63  }
0x1b: {  	_ =	swait.ge [sflag:s13], $0x1000  }
0x1c: {  	[sflag:s13] =	ssyncset.done $0x0  }
0x1d: {  	[sflag:s13] =	ssyncadd.s32 $0xFFFFF000  }
0x1e: {  	v8 =	vld.idx.msk [tilespmem:v7+s15+$0x0], $0xffff;
	_ =	sdelay $0x4  }
0x1f: {  	(v2sf) =	vpush v8, $0xE  }
0x20: {  	(v2sf) =	vpush v8, $0xD;
	_ =	sdelay $0x1  }
0x21: {  	(v2sf) =	vpush v8, $0xC  }
0x22: {  	(v2sf) =	vpush v8, $0x1;
	_ =	sdelay $0x1  }
0x23: {  	(v2sf) =	vpush v8, $0x8  }
0x24: {  	(v2sf) =	vpush v8, $0x9  }
0x25: {  	(v2sf) =	vpush v8, $0xA  }
0x26: {  	(v2sf) =	vpush v8, $0xB;
	_ =	sdelay $0x3  }
0x27: {  	(v2sf) =	vpush v8, $0x0;
	_ =	sdelay $0x1  }
0x28: {  	(v2sf) =	vpush v8, $0x2;
	s13 =	spop (v2sf)  }
0x29: {  	s18 =	spop (v2sf);
	s17 =	smulhi.u32 $0x431BDE83, s13  }
0x2a: {  	(v2sf) =	vpush v8, $0x7;
	s0 =	sshra.s32 s13, $0x1F;
	s21 =	smulhi.u32 $0x431BDE83, s18  }
0x2b: {  	s1 =	sshra.s32 s18, $0x1F;
	s12 =	spop (v2sf);
	s7 =	smul.u32 $0x431BDE83, s0  }
0x2c: {  	s2 =	smul.u32 $0x431BDE83, s1;
	s3 =	spop (v2sf)  }
0x2d: {  	(v2sf) =	vpush v8, $0xF;
	s8 =	sshra.s32 s12, $0x1F;
	s4 =	smulhi.u32 $0x431BDE83, s3  }
0x2e: {  	s10 =	spop (v2sf);
	s31 =	smul.u32 $0x431BDE83, s8  }
0x2f: {  	s3 =	sshra.s32 s3, $0x1F;
	s14 =	spop (v2sf);
	s5 =	smulhi.u32 $0x431BDE83, s10  }
0x30: {  	s3 =	smul.u32 $0x431BDE83, s3;
	s6 =	spop (v2sf)  }
0x31: {  	s18 =	spop (v2sf);
	s9 =	smulhi.u32 $0x431BDE83, s6  }
0x32: {  	(v2sf) =	vpush v8, $0x3;
	s11 =	sshra.s32 s6, $0x1F;
	s23 =	smulhi.u32 $0x431BDE83, s18  }
0x33: {  	(v2sf) =	vpush v8, $0x5;
	s25 =	smul.u32 $0x431BDE83, s11;
	s18 =	sshra.s32 s18, $0x1F  }
0x34: {  	(v2sf) =	vpush v8, $0x4;
	s4 =	sadd.s32 s3, s4;
	s3 =	smul.u32 $0x431BDE83, s18  }
0x35: {  	s13 =	sadd.s32 s2, s21;
	s24 =	spop (v2sf);
	s18 =	smulhi.u32 $0x431BDE83, s14  }
0x36: {  	s11 =	sshra.s32 s14, $0x1F;
	s2 =	sshra.s32 s24, $0x1F;
	s24 =	smulhi.u32 $0x431BDE83, s24  }
0x37: {  	(v2sf) =	vpush v8, $0x6;
	s26 =	spop (v2sf);
	s11 =	smul.u32 $0x431BDE83, s11  }
0x38: {  	[smem:$0x7F2] =	sst s5;
	s29 =	smulhi.u32 $0x431BDE83, s26  }
0x39: {  	s17 =	sadd.s32 s7, s17;
	s5 =	spop (v2sf);
	s2 =	smul.u32 $0x431BDE83, s2  }
0x3a: {  	s28 =	sshra.s32 s10, $0x1F;
	s26 =	sshra.s32 s26, $0x1F;
	s30 =	smulhi.u32 $0x431BDE83, s5  }
0x3b: {  	[smem:$0x7F3] =	sst s31;
	s10 =	sshra.s32 s5, $0x1F;
	s1 =	smul.u32 $0x431BDE83, s26  }
0x3c: {  	s31 =	spop (v2sf);
	s14 =	sadd.s32 s3, s23;
	s3 =	smulhi.u32 $0x431BDE83, s12  }
0x3d: {  	s26 =	sadd.s32 s25, s9;
	s8 =	smulhi.u32 $0x431BDE83, s31;
	s31 =	sshra.s32 s31, $0x1F  }
0x3e: {  	s23 =	sshra.s32 s4, $0x12;
	s12 =	sshra.s32 s4, $0x1F;
	s25 =	smul.u32 $0x431BDE83, s31  }
0x3f: {  	s9 =	sadd.s32 s1, s29;
	s1 =	smul.u32 $0x431BDE83, s28;
	s28 =	sld [smem:$0x7F2]  }
0x40: {  	s4 =	sshrl.u32 s4, $0x1F;
	s10 =	smul.u32 $0x431BDE83, s10;
	s2 =	sadd.s32 s2, s24  }
0x41: {  	s24 =	sshra.s32 s26, $0x12;
	s5 =	spop (v2sf);
	s29 =	sadd.s32 s25, s8  }
0x42: {  	s0 =	spop (v2sf);
	s25 =	sadd.s32 s1, s28;
	s1 =	sld [smem:$0x7F3]  }
0x43: {  	s10 =	sadd.s32 s10, s30;
	s21 =	smulhi.u32 $0x431BDE83, s0;
	s6 =	spop (v2sf)  }
0x44: {  	s28 =	sshra.s32 s17, $0x12;
	s0 =	sshra.s32 s0, $0x1F;
	s7 =	smulhi.u32 $0x431BDE83, s6  }
0x45: {  	[smem:$0x7F4] =	sst s0;
	s31 =	sshra.s32 s6, $0x1F;
	s0 =	sshra.s32 s10, $0x1F  }
0x46: {  	[smem:$0x7F5] =	sst s31;
	s31 =	spop (v2sf);
	s8 =	sadd.s32 s1, s3  }
0x47: {  	s3 =	sshra.s32 s5, $0x1F;
	s5 =	smulhi.u32 $0x431BDE83, s5;
	s1 =	sshra.s32 s13, $0x12  }
0x48: {  	v10 =	vmov s0;
	s0 =	sadd.s32 s11, s18;
	s18 =	sshra.s32 s2, $0x12;
	s11 =	sshrl.u32 s2, $0x1F  }
0x49: {  	s30 =	sshrl.u32 s8, $0x1F;
	s8 =	sshra.s32 s8, $0x12;
	v10 =	vsel vm4, s18, v10;
	s18 =	sld [smem:$0x7F4]  }
0x4a: {  	s2 =	sshra.s32 s2, $0x1F;
	s13 =	sshrl.u32 s13, $0x1F;
	s3 =	smul.u32 $0x431BDE83, s3;
	v9 =	vmov s8  }
0x4b: {  	s6 =	sshra.s32 s31, $0x1F;
	v12 =	vmov s11;
	s8 =	sshra.s32 s25, $0x12;
	v10 =	vsel vm10, s2, v10;
	s2 =	sshrl.u32 s17, $0x1F;
	v9 =	vsel vm0, s1, v9  }
0x4c: {  	v13 =	vmov s30;
	v12 =	vnsel vm4, $0x0, v12;
	s1 =	sadd.s32 s3, s5;
	s5 =	smul.u32 $0x431BDE83, s18;
	v9 =	vsel vm1, s28, v9;
	s28 =	sld [smem:$0x7F5]  }
0x4d: {  	s30 =	sshra.s32 s0, $0x12;
	s17 =	sshrl.u32 s25, $0x1F;
	s0 =	sshrl.u32 s0, $0x1F;
	v11 =	vmov s8;
	v10 =	vsel vm0, s23, v10;
	v13 =	vsel vm0, s13, v13  }
0x4e: {  	v12 =	vsel vm0, s4, v12;
	v14 =	vmov s17;
	s13 =	smulhi.u32 $0x431BDE83, s31;
	v10 =	vsel vm13, s12, v10;
	s3 =	sadd.s32 s5, s21;
	s21 =	sshra.s32 s9, $0x12  }
0x4f: {  	s18 =	sshra.s32 s14, $0x12;
	v11 =	vsel vm0, s30, v11;
	v13 =	vsel vm1, s2, v13;
	s8 =	smul.u32 $0x431BDE83, s28;
	v10 =	vsel vm1, s21, v10;
	s28 =	sshra.s32 s9, $0x1F  }
0x50: {  	s25 =	sshra.s32 s1, $0x12;
	s30 =	sshra.s32 s1, $0x1F;
	v14 =	vsel vm0, s0, v14;
	vm13 =	vmmov vm12;
	s9 =	sshrl.u32 s9, $0x1F;
	v10 =	vsel vm9, s28, v10  }
0x51: {  	s12 =	smul.u32 $0x431BDE83, s6;
	s1 =	sshrl.u32 s1, $0x1F;
	v11 =	vsel vm1, s24, v11;
	v12 =	vsel vm1, s9, v12;
	s23 =	sadd.s32 s8, s7;
	v10 =	vsel vm2, s25, v10  }
0x52: {  	v11 =	vsel vm2, s18, v11;
	s7 =	sshrl.u32 s26, $0x1F;
	s8 =	sshrl.u32 s29, $0x1F;
	v12 =	vsel vm2, s1, v12;
	v10 =	vsel vm14, s30, v10;
	s17 =	sshra.s32 s23, $0x12  }
0x53: {  	s26 =	sshra.s32 s29, $0x12;
	v14 =	vsel vm1, s7, v14;
	s21 =	sshrl.u32 s23, $0x1F;
	s4 =	sshra.s32 s23, $0x1F;
	v13 =	vsel vm2, s8, v13;
	v10 =	vsel vm5, s17, v10  }
0x54: {  	s18 =	sshrl.u32 s14, $0x1F;
	s24 =	sshra.s32 s3, $0x12;
	v9 =	vsel vm2, s26, v9;
	v12 =	vsel vm5, s21, v12;
	v10 =	vsel vm15, s4, v10  }
0x55: {  	s25 =	sshrl.u32 s3, $0x1F;
	s3 =	sshra.s32 s3, $0x1F;
	s23 =	sadd.s32 s12, s13;
	v14 =	vsel vm2, s18, v14;
	v15 =	vcombine.low v11, v9;
	v10 =	vsel vm6, s24, v10  }
0x56: {  	s28 =	sshrl.u32 s23, $0x1F;
	s30 =	sshra.s32 s23, $0x12;
	v12 =	vsel vm6, s25, v12;
	v13 =	vcombine.low v14, v13;
	v10 =	vsel vm3, s3, v10  }
0x57: {  	s29 =	sshrl.u32 s10, $0x1F;
	s0 =	sshra.s32 s23, $0x1F;
	v14 =	vmov s15;
	v12 =	vsel vm7, s28, v12;
	v10 =	vsel vm7, s30, v10  }
0x58: {  	s31 =	sshra.s32 s10, $0x12;
	v12 =	vsel vm11, s29, v12;
	v11 =	vperm.xlane v13, v3;
	v9 =	vsel vm12, s0, v10  }
0x59: {  	v10 =	vperm.xlane v12, v4;
	v12 =	vperm.xlane v15, v3;
	v13 =	vsel vm11, s31, v9  }
0x5a: {  	s25 =	simm.s32 $0x0;
	s24 =	simm.s32 $0x10;
	vm12 =	vmmov vm10;
	v9 =	vadd.s32 $0xFFFFFFFF, v14;
	v13 =	vperm.xlane v13, v4  }
.LBB2_2:
0x5b: {  	_ = 	snop  }
0x5c: {  	v10 =	vsel vm8, v10, v11;
	v11 =	vsel vm8, v13, v12  }
0x5d: {  	v10 =	vadd.s32 v10, v11  }
0x5e: {  	v10 =	vmul.u32 $0xF4240, v10;
	_ =	sdelay $0x1  }
0x5f: {  	v8 =	vsub.s32 v8, v10  }
0x60: {  	vm9 =	vge.s32 v8, v0;
	vm10 =	vlt.s32 v8, v1  }
0x61: {  	vm9 =	vmand vm9, vm10  }
0x62: {  	v10 =	vsel vm9, $0x1, v5  }
0x63: {  	(xrf0) =	vadd.scan.msk.s32 $0xffff, v10;
	_ =	sdelay $0x4  }
0x64: {  	v9 =	vbroadcast v9, $0x0  }
0x65: {  	v10, _, _ =	vpop (xrf0)  }
0x66: {  	v9 =	vadd.s32 v10, v9  }
0x67: {  	v8 =	vsub.s32 v8, v0;
	vm10 =	vgt.s32 v9, $0x0  }
0x68: {  	s0 =	smov.u32 s24;
	v8 =	vshll.u32 v8, $0xE;
	(v2sf) =	vpush v10, $0xF;
	v9 =	vnsel vm10, $0x0, v9  }
0x69: {  	v8 =	vadd.s32 v7, v8;
	v7 =	vor.u32 s0, v2;
	_ =	sdelay $0x3  }
0x6a: {  	[tilespmem:v9+s16+$0x0] =	vst.idx.msk vm9, v8  }
0x6b: {  	v8 =	vld.idx.msk [tilespmem:v7+s15+$0x0], $0xffff;
	_ =	sdelay $0x4  }
0x6c: {  	(v2sf) =	vpush v8, $0xE  }
0x6d: {  	(v2sf) =	vpush v8, $0xD;
	_ =	sdelay $0x2  }
0x6e: {  	s17 =	spop (v2sf);
	(v2sf) =	vpush v8, $0xC  }
0x6f: {  	(v2sf) =	vpush v8, $0x1;
	_ =	sdelay $0x1  }
0x70: {  	(v2sf) =	vpush v8, $0x8;
	_ =	sdelay $0x1  }
0x71: {  	(v2sf) =	vpush v8, $0x9  }
0x72: {  	(v2sf) =	vpush v8, $0xA;
	_ =	sdelay $0x1  }
0x73: {  	(v2sf) =	vpush v8, $0xB  }
0x74: {  	(v2sf) =	vpush v8, $0x0  }
0x75: {  	(v2sf) =	vpush v8, $0x2  }
0x76: {  	s18 =	spop (v2sf)  }
0x77: {  	(v2sf) =	vpush v8, $0x7;
	s1 =	spop (v2sf);
	s11 =	smulhi.u32 $0x431BDE83, s18  }
0x78: {  	(v2sf) =	vpush v8, $0xF;
	s8 =	sshra.s32 s18, $0x1F;
	s4 =	smulhi.u32 $0x431BDE83, s1  }
0x79: {  	(v2sf) =	vpush v8, $0x3;
	s1 =	sshra.s32 s1, $0x1F;
	s8 =	smul.u32 $0x431BDE83, s8  }
0x7a: {  	(v2sf) =	vpush v8, $0x5;
	s26 =	spop (v2sf);
	s1 =	smul.u32 $0x431BDE83, s1  }
0x7b: {  	s3 =	sshra.s32 s26, $0x1F;
	s5 =	spop (v2sf);
	s26 =	smulhi.u32 $0x431BDE83, s26  }
0x7c: {  	(v2sf) =	vpush v8, $0x4;
	s9 =	smulhi.u32 $0x431BDE83, s5  }
0x7d: {  	s10 =	spop (v2sf);
	s21 =	smul.u32 $0x431BDE83, s3  }
0x7e: {  	s23 =	sshra.s32 s5, $0x1F;
	s2 =	sshra.s32 s10, $0x1F;
	s13 =	smulhi.u32 $0x431BDE83, s10  }
0x7f: {  	s14 =	spop (v2sf);
	s0 =	sadd.s32 s1, s4;
	s1 =	smul.u32 $0x431BDE83, s23  }
0x80: {  	(v2sf) =	vpush v8, $0x6;
	s18 =	spop (v2sf);
	s2 =	smul.u32 $0x431BDE83, s2  }
0x81: {  	[smem:$0x7ED] =	sst s21;
	s3 =	sshra.s32 s14, $0x1F;
	s29 =	smulhi.u32 $0x431BDE83, s18  }
0x82: {  	s30 =	sadd.s32 s25, s17;
	s28 =	spop (v2sf);
	s3 =	smul.u32 $0x431BDE83, s3  }
0x83: {  	s25 =	sshra.s32 s18, $0x1F;
	s10 =	spop (v2sf);
	s6 =	smulhi.u32 $0x431BDE83, s28  }
0x84: {  	s12 =	sadd.s32 s8, s11;
	s4 =	smul.u32 $0x431BDE83, s25;
	s21 =	spop (v2sf)  }
0x85: {  	s5 =	sshra.s32 s28, $0x1F;
	s15 =	sshra.s32 s10, $0x1F;
	s28 =	smulhi.u32 $0x431BDE83, s21  }
0x86: {  	s17 =	sadd.s32 s1, s9;
	s23 =	spop (v2sf);
	s15 =	smul.u32 $0x431BDE83, s15  }
0x87: {  	s7 =	smulhi.u32 $0x431BDE83, s23;
	s9 =	sshra.s32 s23, $0x1F;
	s25 =	spop (v2sf)  }
0x88: {  	s8 =	sshra.s32 s21, $0x1F;
	s21 =	smul.u32 $0x431BDE83, s9;
	s18 =	spop (v2sf)  }
0x89: {  	s1 =	sadd.s32 s4, s29;
	s16 =	smulhi.u32 $0x431BDE83, s25;
	s29 =	spop (v2sf)  }
0x8a: {  	s11 =	smulhi.u32 $0x431BDE83, s29  }
0x8b: {  	s4 =	sshra.s32 s29, $0x1F;
	s23 =	spop (v2sf);
	s29 =	smul.u32 $0x431BDE83, s5  }
0x8c: {  	s2 =	sadd.s32 s2, s13;
	s31 =	sshra.s32 s25, $0x1F;
	s25 =	smulhi.u32 $0x431BDE83, s23  }
0x8d: {  	[smem:$0x7EE] =	sst s4;
	s9 =	sshra.s32 s23, $0x1F;
	s23 =	smulhi.u32 $0x431BDE83, s14  }
0x8e: {  	s5 =	sshra.s32 s17, $0x12;
	[smem:$0x7EF] =	sst s11;
	s11 =	smul.u32 $0x431BDE83, s8  }
0x8f: {  	s4 =	spop (v2sf);
	s14 =	sadd.s32 s29, s6;
	s6 =	smulhi.u32 $0x431BDE83, s10  }
0x90: {  	s8 =	sshra.s32 s4, $0x1F;
	[smem:$0x7F0] =	sst s25;
	s25 =	smul.u32 $0x431BDE83, s31  }
0x91: {  	s29 =	sshra.s32 s18, $0x1F;
	s31 =	sshra.s32 s17, $0x1F;
	s3 =	sadd.s32 s3, s23  }
0x92: {  	v9 =	vmov s30;
	s10 =	sadd.s32 s25, s16;
	s25 =	smov.u32 s30;
	s30 =	sld [smem:$0x7ED]  }
0x93: {  	s8 =	smul.u32 $0x431BDE83, s8;
	s28 =	sadd.s32 s11, s28;
	s11 =	sshra.s32 s12, $0x12  }
0x94: {  	s12 =	sshrl.u32 s12, $0x1F;
	s6 =	sadd.s32 s15, s6;
	s15 =	sshra.s32 s0, $0x12  }
0x95: {  	s0 =	sshrl.u32 s0, $0x1F;
	s16 =	sshrl.u32 s17, $0x1F;
	s13 =	sadd.s32 s30, s26  }
0x96: {  	s26 =	sadd.s32 s21, s7;
	s7 =	sshrl.u32 s13, $0x1F;
	s13 =	sshra.s32 s13, $0x12  }
0x97: {  	s17 =	sshra.s32 s1, $0x12;
	s23 =	sshrl.u32 s6, $0x1F;
	s21 =	sshra.s32 s26, $0x1F;
	v10 =	vmov s13  }
0x98: {  	s1 =	sshrl.u32 s1, $0x1F;
	v11 =	vmov s21;
	v10 =	vsel vm0, s15, v10;
	s15 =	smulhi.u32 $0x431BDE83, s18;
	s18 =	sshra.s32 s6, $0x12  }
0x99: {  	vm9 =	vcmask $0xF0C;
	v13 =	vmov s23;
	s30 =	smul.u32 $0x431BDE83, s29;
	s29 =	sshrl.u32 s2, $0x1F;
	s6 =	sshra.s32 s6, $0x1F;
	v11 =	vsel vm4, s18, v11  }
0x9a: {  	s23 =	sld [smem:$0x7F0];
	v13 =	vnsel vm4, $0x0, v13;
	v15 =	vmov s29;
	s29 =	sshra.s32 s28, $0x1F;
	s13 =	sshra.s32 s2, $0x12;
	v11 =	vsel vm12, s6, v11  }
0x9b: {  	v13 =	vsel vm0, s16, v13;
	v14 =	vmov s7;
	s7 =	smul.u32 $0x431BDE83, s9;
	s21 =	sshra.s32 s3, $0x12;
	s3 =	sshrl.u32 s3, $0x1F;
	v11 =	vsel vm0, s5, v11  }
0x9c: {  	v12 =	vmov s13;
	v14 =	vsel vm0, s0, v14;
	s2 =	sadd.s32 s30, s15;
	s30 =	sld [smem:$0x7EE];
	s6 =	sshra.s32 s28, $0x12;
	v11 =	vsel vm9, s31, v11  }
0x9d: {  	s0 =	sshra.s32 s14, $0x12;
	v15 =	vsel vm0, s3, v15;
	s18 =	sld [smem:$0x7EF];
	s3 =	sadd.s32 s7, s23;
	vm9 =	vcmask $0x1714;
	v11 =	vsel vm1, s6, v11  }
0x9e: {  	v10 =	vsel vm1, s11, v10;
	v15 =	vsel vm1, s1, v15;
	s1 =	sshrl.u32 s28, $0x1F;
	s13 =	sshra.s32 s2, $0x12;
	s5 =	smulhi.u32 $0x431BDE83, s4;
	v11 =	vsel vm9, s29, v11  }
0x9f: {  	v12 =	vsel vm0, s21, v12;
	v14 =	vsel vm1, s12, v14;
	s12 =	sshra.s32 s3, $0x12;
	s21 =	sshra.s32 s2, $0x1F;
	s9 =	smul.u32 $0x431BDE83, s30;
	v11 =	vsel vm2, s13, v11  }
0xa0: {  	v12 =	vsel vm1, s17, v12;
	v13 =	vsel vm1, s1, v13;
	s7 =	sshrl.u32 s2, $0x1F;
	s30 =	sshrl.u32 s10, $0x1F;
	s10 =	sshra.s32 s10, $0x12;
	v11 =	vsel vm14, s21, v11  }
0xa1: {  	v12 =	vsel vm2, s0, v12;
	s31 =	sshrl.u32 s14, $0x1F;
	s14 =	sshra.s32 s3, $0x1F;
	v10 =	vsel vm2, s10, v10;
	s9 =	sadd.s32 s9, s18;
	v11 =	vsel vm5, s12, v11  }
0xa2: {  	p0 =	sne.s32 s24, $0xFF0;
	v13 =	vsel vm2, s7, v13;
	s13 =	sshrl.u32 s3, $0x1F;
	v12 =	vcombine.low v12, v10;
	s17 =	sshra.s32 s9, $0x12;
	v10 =	vsel vm15, s14, v11  }
0xa3: {  	s1 =	sadd.s32 s8, s5;
	v13 =	vsel vm5, s13, v13;
	s18 =	sshrl.u32 s9, $0x1F;
	s21 =	sshra.s32 s9, $0x1F;
	v10 =	vsel vm6, s17, v10  }
.Ltmp2:
0xa4: {  	v14 =	vsel vm2, s30, v14;
	s23 =	sshrl.u32 s1, $0x1F;
	s30 =	sshra.s32 s1, $0x12;
	v11 =	vsel vm6, s18, v13;
	v10 =	vsel vm3, s21, v10;
	(pc) =	sbr.rel @p0 .LBB2_2-.Ltmp2, $4  }
0xa5: {  	s28 =	sshrl.u32 s26, $0x1F;
	v15 =	vsel vm2, s31, v15;
	s31 =	sshra.s32 s1, $0x1F;
	v11 =	vsel vm7, s23, v11;
	v13 =	vsel vm7, s30, v10  }
0xa6: {  	s29 =	sshra.s32 s26, $0x12;
	v14 =	vcombine.low v15, v14;
	v11 =	vsel vm11, s28, v11;
	v13 =	vsel vm13, s31, v13  }
0xa7: {  	v12 =	vperm.xlane v12, v3;
	v10 =	vperm.xlane v11, v4;
	v13 =	vsel vm11, s29, v13  }
0xa8: {  	s24 =	sadd.s32 $0x10, s24;
	v9 =	vadd.s32 $0xFFFFFFFF, v9;
	s16 =	simm.s32 $0x1000;
	s15 =	simm.s32 $0x0;
	v11 =	vperm.xlane v14, v3;
	v13 =	vperm.xlane v13, v4  }
0xa9: {  	_ = 	snop  }
0xaa: {  	v10 =	vsel vm8, v10, v11;
	v11 =	vsel vm8, v13, v12  }
0xab: {  	v10 =	vadd.s32 v10, v11  }
0xac: {  	v10 =	vmul.u32 $0xF4240, v10;
	_ =	sdelay $0x1  }
0xad: {  	v8 =	vsub.s32 v8, v10  }
0xae: {  	vm9 =	vge.s32 v8, v0;
	vm10 =	vlt.s32 v8, v1  }
0xaf: {  	vm9 =	vmand vm9, vm10  }
0xb0: {  	v10 =	vsel vm9, $0x1, v5  }
0xb1: {  	(xrf0) =	vadd.scan.msk.s32 $0xffff, v10;
	_ =	sdelay $0x5  }
0xb2: {  	v10, _, _ =	vpop (xrf0)  }
0xb3: {  	(v2sf) =	vpush v10, $0xF;
	_ =	sdelay $0x3  }
0xb4: {  	v9 =	vbroadcast v9, $0x0;
	_ =	sdelay $0x1  }
0xb5: {  	v9 =	vadd.s32 v10, v9  }
0xb6: {  	vm10 =	vgt.s32 v9, $0x0  }
0xb7: {  	v9 =	vnsel vm10, $0x0, v9;
	_ =	sdelay $0x1  }
0xb8: {  	v8 =	vsub.s32 v8, v0  }
0xb9: {  	s0 =	sld [smem:$0x7F6];
	v8 =	vshll.u32 v8, $0xE  }
0xba: {  	v7 =	vadd.s32 v7, v8  }
0xbb: {  	s31 =	simm.s32 $0x0;
	[tilespmem:v9+s16+$0x0] =	vst.idx.msk vm9, v7  }
0xbc: {  	v7 =	vor.u32 s31, v2;
	[tilespmem:s31], [sflag:$0x3] =	stream.linear.gather [hbm4b:s0+s31], $0x1000, $0x38;
	[tilespmem:$0x19800] =	vst v63  }
0xbd: {  	s29 =	simm.s32 $0x3;
	s26 =	spop (v2sf)  }
0xbe: {  	_ =	swait.ge [sflag:s29], $0x1000  }
0xbf: {  	[sflag:s29] =	ssyncset.done $0x0  }
0xc0: {  	[sflag:s29] =	ssyncadd.s32 $0xFFFFF000  }
0xc1: {  	v8 =	vld.idx.msk [tilespmem:v7+s15+$0x0], $0xffff;
	_ =	sdelay $0x4  }
0xc2: {  	(v2sf) =	vpush v8, $0x0  }
0xc3: {  	(v2sf) =	vpush v8, $0xB  }
0xc4: {  	(v2sf) =	vpush v8, $0x1  }
0xc5: {  	(v2sf) =	vpush v8, $0x2;
	_ =	sdelay $0x1  }
0xc6: {  	(v2sf) =	vpush v8, $0x7;
	_ =	sdelay $0x2  }
0xc7: {  	(v2sf) =	vpush v8, $0x3  }
0xc8: {  	(v2sf) =	vpush v8, $0x4  }
0xc9: {  	(v2sf) =	vpush v8, $0x5;
	_ =	sdelay $0x2  }
0xca: {  	(v2sf) =	vpush v8, $0xC;
	_ =	sdelay $0x1  }
0xcb: {  	(v2sf) =	vpush v8, $0xD;
	s30 =	spop (v2sf)  }
0xcc: {  	s28 =	spop (v2sf)  }
0xcd: {  	(v2sf) =	vpush v8, $0xE;
	s3 =	smulhi.u32 $0x431BDE83, s30;
	s1 =	spop (v2sf)  }
0xce: {  	(v2sf) =	vpush v8, $0x6;
	s4 =	smulhi.u32 $0x431BDE83, s1;
	s2 =	spop (v2sf)  }
0xcf: {  	(v2sf) =	vpush v8, $0x8;
	s1 =	sshra.s32 s1, $0x1F;
	s5 =	smulhi.u32 $0x431BDE83, s2  }
0xd0: {  	(v2sf) =	vpush v8, $0x9;
	s6 =	spop (v2sf);
	s9 =	smul.u32 $0x431BDE83, s1  }
0xd1: {  	s2 =	sshra.s32 s2, $0x1F;
	s7 =	smulhi.u32 $0x431BDE83, s6  }
0xd2: {  	s6 =	sshra.s32 s6, $0x1F;
	s12 =	smul.u32 $0x431BDE83, s2  }
0xd3: {  	s8 =	spop (v2sf);
	s6 =	smul.u32 $0x431BDE83, s6  }
0xd4: {  	s11 =	spop (v2sf);
	s14 =	smulhi.u32 $0x431BDE83, s8;
	s8 =	sshra.s32 s8, $0x1F  }
0xd5: {  	s10 =	spop (v2sf);
	s8 =	smul.u32 $0x431BDE83, s8  }
0xd6: {  	(v2sf) =	vpush v8, $0xF;
	s24 =	sshra.s32 s11, $0x1F;
	s1 =	smulhi.u32 $0x431BDE83, s10  }
0xd7: {  	(v2sf) =	vpush v8, $0xA;
	s23 =	sshra.s32 s10, $0x1F;
	s17 =	smul.u32 $0x431BDE83, s24  }
0xd8: {  	s13 =	spop (v2sf);
	s2 =	smul.u32 $0x431BDE83, s23  }
0xd9: {  	s24 =	sshra.s32 s30, $0x1F;
	s30 =	smulhi.u32 $0x431BDE83, s13  }
0xda: {  	s29 =	spop (v2sf);
	s14 =	sadd.s32 s8, s14;
	s8 =	smulhi.u32 $0x431BDE83, s11  }
0xdb: {  	s23 =	sshra.s32 s13, $0x1F;
	s18 =	smulhi.u32 $0x431BDE83, s29  }
0xdc: {  	s16 =	spop (v2sf);
	s15 =	sshra.s32 s29, $0x1F;
	s23 =	smul.u32 $0x431BDE83, s23  }
0xdd: {  	s5 =	sadd.s32 s12, s5;
	s21 =	spop (v2sf);
	s0 =	smul.u32 $0x431BDE83, s15  }
0xde: {  	s15 =	sadd.s32 s9, s4;
	s13 =	smulhi.u32 $0x431BDE83, s16;
	s9 =	spop (v2sf)  }
0xdf: {  	s11 =	sshra.s32 s28, $0x1F;
	s10 =	smulhi.u32 $0x431BDE83, s21;
	s29 =	spop (v2sf)  }
0xe0: {  	s16 =	sshra.s32 s16, $0x1F;
	s4 =	sadd.s32 s23, s30;
	s23 =	smulhi.u32 $0x431BDE83, s29  }
0xe1: {  	s12 =	sshra.s32 s29, $0x1F;
	s29 =	sadd.s32 s6, s7;
	s7 =	smul.u32 $0x431BDE83, s24  }
0xe2: {  	s1 =	sadd.s32 s2, s1;
	s24 =	sshra.s32 s9, $0x1F;
	s9 =	smulhi.u32 $0x431BDE83, s9  }
0xe3: {  	s30 =	sshrl.u32 s15, $0x1F;
	s0 =	sadd.s32 s0, s18;
	s12 =	smul.u32 $0x431BDE83, s12  }
0xe4: {  	s18 =	sshra.s32 s15, $0x12;
	s6 =	sadd.s32 s7, s3;
	s7 =	smul.u32 $0x431BDE83, s16  }
0xe5: {  	s24 =	smul.u32 $0x431BDE83, s24;
	s16 =	sadd.s32 s17, s8;
	s17 =	spop (v2sf)  }
0xe6: {  	s3 =	sadd.s32 s12, s23;
	s8 =	sadd.s32 s7, s13;
	s13 =	spop (v2sf)  }
0xe7: {  	s23 =	sshra.s32 s17, $0x1F;
	s17 =	smulhi.u32 $0x431BDE83, s17;
	s12 =	sshra.s32 s13, $0x1F  }
0xe8: {  	s7 =	smulhi.u32 $0x431BDE83, s13;
	s13 =	sadd.s32 s24, s9;
	s24 =	sshra.s32 s29, $0x1F  }
0xe9: {  	s15 =	sshra.s32 s15, $0x1F;
	s9 =	smul.u32 $0x431BDE83, s12;
	v7 =	vmov s24;
	s24 =	sshra.s32 s6, $0x12  }
0xea: {  	s12 =	sshra.s32 s21, $0x1F;
	s21 =	sshrl.u32 s14, $0x1F;
	v7 =	vsel vm4, s24, v7;
	s24 =	sshra.s32 s14, $0x12  }
0xeb: {  	s9 =	sadd.s32 s9, s7;
	s7 =	sshrl.u32 s6, $0x1F;
	s6 =	sshra.s32 s6, $0x1F  }
0xec: {  	vm9 =	vcmask $0xF0C;
	s12 =	smul.u32 $0x431BDE83, s12;
	v9 =	vmov s7;
	v7 =	vsel vm12, s6, v7;
	s6 =	sshra.s32 s14, $0x1F;
	s14 =	sshrl.u32 s4, $0x1F  }
0xed: {  	s7 =	smul.u32 $0x431BDE83, s23;
	s23 =	sshrl.u32 s5, $0x1F;
	s4 =	sshra.s32 s4, $0x12;
	v7 =	vsel vm0, s18, v7;
	v9 =	vnsel vm4, $0x0, v9;
	v10 =	vmov s14  }
0xee: {  	s18 =	sshrl.u32 s0, $0x1F;
	v62 =	vmov s4;
	s0 =	sshra.s32 s0, $0x12;
	s14 =	sshra.s32 s8, $0x12;
	v9 =	vsel vm0, s30, v9;
	v7 =	vsel vm9, s15, v7  }
0xef: {  	s30 =	sshra.s32 s5, $0x12;
	vm9 =	vcmask $0x1714;
	s2 =	sadd.s32 s7, s17;
	v10 =	vsel vm0, s18, v10;
	s17 =	sshrl.u32 s8, $0x1F;
	v12 =	vsel vm0, s0, v62  }
0xf0: {  	s15 =	sshra.s32 s16, $0x1F;
	s18 =	sshrl.u32 s1, $0x1F;
	v9 =	vsel vm1, s23, v9;
	v7 =	vsel vm1, s30, v7;
	s23 =	sshra.s32 s5, $0x1F;
	v10 =	vsel vm1, s17, v10  }
0xf1: {  	s30 =	sshra.s32 s16, $0x12;
	s16 =	sshrl.u32 s16, $0x1F;
	v12 =	vsel vm1, s14, v12;
	v9 =	vsel vm2, s21, v9;
	v7 =	vsel vm9, s23, v7;
	s23 =	sshrl.u32 s13, $0x1F  }
0xf2: {  	s5 =	sadd.s32 s12, s10;
	s21 =	smulhi.u32 $0x431BDE83, s28;
	s28 =	sshrl.u32 s3, $0x1F;
	v9 =	vsel vm5, s16, v9;
	v7 =	vsel vm2, s24, v7;
	v11 =	vmov s23  }
0xf3: {  	s11 =	smul.u32 $0x431BDE83, s11;
	s24 =	sshrl.u32 s5, $0x1F;
	s23 =	sshrl.u32 s2, $0x1F;
	v9 =	vsel vm6, s18, v9;
	v7 =	vsel vm14, s6, v7;
	v11 =	vsel vm0, s28, v11  }
0xf4: {  	s3 =	sshra.s32 s3, $0x12;
	s18 =	sshra.s32 s2, $0x12;
	v10 =	vsel vm2, s23, v10;
	v9 =	vsel vm7, s24, v9;
	v7 =	vsel vm5, s30, v7;
	s30 =	sshra.s32 s13, $0x12  }
0xf5: {  	s12 =	sadd.s32 s11, s21;
	s13 =	sshra.s32 s1, $0x12;
	v12 =	vsel vm2, s18, v12;
	v63 =	vmov s30;
	v7 =	vsel vm15, s15, v7;
	s15 =	sshrl.u32 s9, $0x1F  }
0xf6: {  	s17 =	sshra.s32 s9, $0x12;
	s1 =	sshra.s32 s1, $0x1F;
	s28 =	sshrl.u32 s12, $0x1F;
	v7 =	vsel vm6, s13, v7;
	v13 =	vsel vm0, s3, v63;
	v11 =	vsel vm1, s15, v11  }
0xf7: {  	s16 =	sshra.s32 s5, $0x12;
	s24 =	sshra.s32 s12, $0x12;
	v7 =	vsel vm3, s1, v7;
	v13 =	vsel vm1, s17, v13;
	v11 =	vsel vm2, s28, v11  }
0xf8: {  	s10 =	sshrl.u32 s29, $0x1F;
	s21 =	sshra.s32 s5, $0x1F;
	v7 =	vsel vm7, s16, v7;
	v13 =	vsel vm2, s24, v13;
	v10 =	vcombine.low v11, v10  }
0xf9: {  	v9 =	vsel vm11, s10, v9;
	s30 =	sshra.s32 s29, $0x12;
	v7 =	vsel vm13, s21, v7;
	v12 =	vcombine.low v13, v12  }
0xfa: {  	v9 =	vperm.xlane v9, v4;
	v7 =	vsel vm11, s30, v7;
	v10 =	vperm.xlane v10, v3  }
0xfb: {  	v7 =	vperm.xlane v7, v4;
	v11 =	vperm.xlane v12, v3;
	_ =	sdelay $0x1  }
0xfc: {  	v9 =	vsel vm8, v9, v10;
	v7 =	vsel vm8, v7, v11  }
0xfd: {  	v7 =	vadd.s32 v9, v7  }
0xfe: {  	s25 =	sadd.s32 s25, s26;
	v9 =	vmul.u32 $0xF4240, v7  }
0xff: {  	v7 =	vmov s25  }
0x100: {  	v7 =	vadd.s32 $0xFFFFFFFF, v7;
	v8 =	vsub.s32 v8, v9  }
0x101: {  	s1 =	simm.s32 $0x10;
	vm9 =	vge.s32 v8, v0;
	vm10 =	vlt.s32 v8, v1;
	v8 =	vsub.s32 v8, v0  }
.LBB2_4:
0x102: {  	vm9 =	vmand vm9, vm10  }
0x103: {  	v9 =	vsel vm9, $0x1, v5  }
0x104: {  	(xrf0) =	vadd.scan.msk.s32 $0xffff, v9;
	_ =	sdelay $0x5  }
0x105: {  	v7 =	vbroadcast v7, $0x0;
	v9, _, _ =	vpop (xrf0)  }
0x106: {  	(v2sf) =	vpush v9, $0xF  }
0x107: {  	v7 =	vadd.s32 v9, v7  }
0x108: {  	vm10 =	vgt.s32 v7, $0x0  }
0x109: {  	s0 =	smov.u32 s1;
	v7 =	vnsel vm10, $0x0, v7  }
0x10a: {  	v9 =	vor.u32 s0, v2  }
0x10b: {  	v8 =	vshll.u32 v8, $0xE;
	s14 =	sadd.s32 $0x1000, s31  }
0x10c: {  	v8 =	vadd.s32 s14, v8  }
0x10d: {  	s15 =	simm.s32 $0x1000;
	v8 =	vadd.s32 v2, v8  }
0x10e: {  	s16 =	simm.s32 $0x0;
	[tilespmem:v7+s15+$0x0] =	vst.idx.msk vm9, v8  }
0x10f: {  	v8 =	vld.idx.msk [tilespmem:v9+s16+$0x0], $0xffff;
	_ =	sdelay $0x4  }
0x110: {  	(v2sf) =	vpush v8, $0x0  }
0x111: {  	s17 =	spop (v2sf);
	(v2sf) =	vpush v8, $0xB  }
0x112: {  	(v2sf) =	vpush v8, $0x1  }
0x113: {  	(v2sf) =	vpush v8, $0x2;
	_ =	sdelay $0x1  }
0x114: {  	(v2sf) =	vpush v8, $0x7;
	_ =	sdelay $0x2  }
0x115: {  	(v2sf) =	vpush v8, $0x3;
	_ =	sdelay $0x1  }
0x116: {  	(v2sf) =	vpush v8, $0x4  }
0x117: {  	(v2sf) =	vpush v8, $0x5;
	_ =	sdelay $0x1  }
0x118: {  	s13 =	sadd.s32 $0x10, s1;
	(v2sf) =	vpush v8, $0xC  }
0x119: {  	[dreg:$0x8] =	wrdreg s13;
	s2 =	smov.u32 s0  }
0x11a: {  	[dreg:$0xb] =	wrdreg s2;
	s25 =	sadd.s32 s25, s17;
	(v2sf) =	vpush v8, $0xD;
	s18 =	spop (v2sf)  }
0x11b: {  	[dreg:$0x5] =	wrdreg s25;
	s8 =	spop (v2sf)  }
0x11c: {  	s21 =	smulhi.u32 $0x431BDE83, s18;
	s23 =	spop (v2sf)  }
0x11d: {  	v7 =	vmov s25;
	(v2sf) =	vpush v8, $0xE;
	s0 =	sshra.s32 s18, $0x1F;
	s24 =	smulhi.u32 $0x431BDE83, s23;
	s25 =	spop (v2sf)  }
0x11e: {  	(v2sf) =	vpush v8, $0x6;
	[smem:$0x7EB] =	sst s0;
	s0 =	sshra.s32 s23, $0x1F;
	s4 =	smulhi.u32 $0x431BDE83, s25  }
0x11f: {  	p0 =	sne.s32 s1, $0xFF0;
	s5 =	spop (v2sf);
	s0 =	smul.u32 $0x431BDE83, s0  }
0x120: {  	[dreg:$0x11] =	wrdreg s8;
	s2 =	sshra.s32 s25, $0x1F;
	s3 =	smulhi.u32 $0x431BDE83, s5  }
0x121: {  	(v2sf) =	vpush v8, $0x8;
	[dreg:$0x1a] =	wrdreg s21;
	s5 =	sshra.s32 s5, $0x1F;
	s11 =	smul.u32 $0x431BDE83, s2  }
0x122: {  	(v2sf) =	vpush v8, $0x9;
	s8 =	sshra.s32 s8, $0x1F;
	s6 =	spop (v2sf);
	s14 =	smul.u32 $0x431BDE83, s5  }
0x123: {  	(v2sf) =	vpush v8, $0xF;
	[dreg:$0xe] =	wrdreg s8;
	s7 =	sshra.s32 s6, $0x1F;
	s6 =	smulhi.u32 $0x431BDE83, s6  }
0x124: {  	s15 =	spop (v2sf);
	s5 =	sadd.s32 s0, s24;
	s7 =	smul.u32 $0x431BDE83, s7  }
0x125: {  	s9 =	sshra.s32 s15, $0x1F;
	s10 =	spop (v2sf);
	s15 =	smulhi.u32 $0x431BDE83, s15  }
0x126: {  	s29 =	sshra.s32 s5, $0x12;
	s12 =	sadd.s32 s11, s4;
	s26 =	smulhi.u32 $0x431BDE83, s10  }
0x127: {  	s13 =	spop (v2sf);
	s28 =	sshra.s32 s10, $0x1F;
	s25 =	smul.u32 $0x431BDE83, s9  }
0x128: {  	(v2sf) =	vpush v8, $0xA;
	[smem:$0x7EC] =	sst s29;
	s10 =	sshrl.u32 s5, $0x1F;
	s30 =	smul.u32 $0x431BDE83, s28  }
0x129: {  	s5 =	sshra.s32 s5, $0x1F;
	s16 =	spop (v2sf);
	s23 =	smulhi.u32 $0x431BDE83, s13  }
0x12a: {  	s17 =	sshra.s32 s13, $0x1F;
	s6 =	sadd.s32 s7, s6;
	s1 =	smulhi.u32 $0x431BDE83, s16  }
0x12b: {  	[dreg:$0x14] =	wrdreg s26;
	s18 =	sshra.s32 s16, $0x1F;
	s17 =	smul.u32 $0x431BDE83, s17  }
0x12c: {  	s21 =	spop (v2sf);
	s7 =	sshrl.u32 s6, $0x1F;
	s18 =	smul.u32 $0x431BDE83, s18  }
0x12d: {  	s9 =	spop (v2sf);
	s24 =	sshra.s32 s21, $0x1F;
	s21 =	smulhi.u32 $0x431BDE83, s21  }
0x12e: {  	s15 =	sadd.s32 s25, s15;
	s25 =	sshrl.u32 s12, $0x1F;
	s11 =	smulhi.u32 $0x431BDE83, s9  }
0x12f: {  	[dreg:$0x17] =	wrdreg s30;
	s16 =	sshra.s32 s9, $0x1F;
	s24 =	smul.u32 $0x431BDE83, s24  }
0x130: {  	s23 =	sadd.s32 s17, s23;
	[dreg:$0x1b] =	wrdreg s11;
	s11 =	spop (v2sf)  }
0x131: {  	s2 =	sshra.s32 s11, $0x1F;
	s30 =	spop (v2sf);
	s11 =	smulhi.u32 $0x431BDE83, s11  }
0x132: {  	s26 =	sshra.s32 s30, $0x1F;
	s31 =	spop (v2sf);
	s8 =	smulhi.u32 $0x431BDE83, s30  }
0x133: {  	s30 =	sadd.s32 s14, s3;
	s14 =	sld [smem:$0x7EB];
	s2 =	smul.u32 $0x431BDE83, s2  }
0x134: {  	s9 =	sshra.s32 s6, $0x12;
	s13 =	sshra.s32 s31, $0x1F;
	s31 =	smulhi.u32 $0x431BDE83, s31  }
0x135: {  	s4 =	sadd.s32 s18, s1;
	s18 =	sshrl.u32 s23, $0x1F;
	s26 =	smul.u32 $0x431BDE83, s26  }
0x136: {  	s1 =	rddreg [dreg:$0x1a];
	s17 =	sshra.s32 s4, $0x12;
	s0 =	smul.u32 $0x431BDE83, s14  }
0x137: {  	s4 =	sshrl.u32 s4, $0x1F;
	s28 =	spop (v2sf);
	s13 =	smul.u32 $0x431BDE83, s13  }
0x138: {  	s29 =	sshra.s32 s28, $0x1F;
	s28 =	smulhi.u32 $0x431BDE83, s28;
	s3 =	sadd.s32 s0, s1  }
0x139: {  	s2 =	sadd.s32 s2, s11;
	s14 =	sshra.s32 s30, $0x1F;
	s0 =	sshrl.u32 s3, $0x1F  }
0x13a: {  	v11 =	vmov s18;
	s8 =	sadd.s32 s26, s8;
	s29 =	smul.u32 $0x431BDE83, s29;
	v10 =	vmov s14;
	s14 =	sshra.s32 s15, $0x12;
	v9 =	vmov s0  }
0x13b: {  	v11 =	vsel vm0, s4, v11;
	s4 =	sshrl.u32 s8, $0x1F;
	s1 =	sshra.s32 s12, $0x1F;
	s0 =	sshra.s32 s3, $0x12;
	v9 =	vnsel vm4, $0x0, v9  }
0x13c: {  	v10 =	vsel vm4, s0, v10;
	s0 =	sshra.s32 s3, $0x1F;
	v9 =	vsel vm0, s10, v9;
	s10 =	sadd.s32 s24, s21;
	s21 =	sld [smem:$0x7EC]  }
0x13d: {  	s12 =	sshra.s32 s12, $0x12;
	v10 =	vsel vm12, s0, v10;
	s0 =	sadd.s32 s29, s28;
	s28 =	rddreg [dreg:$0x14]  }
0x13e: {  	s3 =	sshra.s32 s15, $0x1F;
	s15 =	sshrl.u32 s15, $0x1F;
	s29 =	rddreg [dreg:$0x17];
	v9 =	vsel vm1, s25, v9  }
0x13f: {  	vm9 =	vcmask $0xF0C;
	s24 =	smul.u32 $0x431BDE83, s16;
	s26 =	sshrl.u32 s10, $0x1F;
	s11 =	sadd.s32 s29, s28;
	v9 =	vsel vm2, s7, v9;
	v10 =	vsel vm0, s21, v10  }
0x140: {  	s16 =	rddreg [dreg:$0x1b];
	s7 =	sshra.s32 s8, $0x12;
	v11 =	vsel vm1, s26, v11;
	s18 =	sshrl.u32 s11, $0x1F;
	v9 =	vsel vm5, s15, v9;
	v10 =	vsel vm9, s5, v10  }
0x141: {  	s8 =	sadd.s32 s24, s16;
	s21 =	sshra.s32 s23, $0x12;
	s23 =	sshrl.u32 s2, $0x1F;
	vm9 =	vcmask $0x1714;
	v9 =	vsel vm6, s18, v9;
	v10 =	vsel vm1, s12, v10  }
0x142: {  	s29 =	rddreg [dreg:$0xe];
	s24 =	sshrl.u32 s8, $0x1F;
	s2 =	sshra.s32 s2, $0x12;
	v12 =	vmov s23;
	v13 =	vmov s21;
	v10 =	vsel vm9, s1, v10  }
0x143: {  	s6 =	sshra.s32 s6, $0x1F;
	s26 =	rddreg [dreg:$0x11];
	v14 =	vmov s2;
	v9 =	vsel vm7, s24, v9;
	v10 =	vsel vm2, s9, v10;
	s9 =	smul.u32 $0x431BDE83, s29  }
0x144: {  	s28 =	sshrl.u32 s30, $0x1F;
	s16 =	sshra.s32 s10, $0x12;
	v12 =	vsel vm0, s4, v12;
	v13 =	vsel vm0, s17, v13;
	v10 =	vsel vm14, s6, v10;
	s6 =	smulhi.u32 $0x431BDE83, s26  }
0x145: {  	s12 =	sshra.s32 s0, $0x12;
	s0 =	sshrl.u32 s0, $0x1F;
	v14 =	vsel vm0, s7, v14;
	s1 =	sadd.s32 s13, s31;
	v9 =	vsel vm11, s28, v9;
	v10 =	vsel vm5, s14, v10  }
0x146: {  	v12 =	vsel vm1, s0, v12;
	v13 =	vsel vm1, s16, v13;
	s24 =	sshra.s32 s1, $0x12;
	s14 =	sshra.s32 s11, $0x12;
	v10 =	vsel vm15, s3, v10;
	s21 =	sadd.s32 s9, s6  }
0x147: {  	s18 =	sshra.s32 s11, $0x1F;
	v14 =	vsel vm1, s12, v14;
	s15 =	sshrl.u32 s1, $0x1F;
	v13 =	vsel vm2, s24, v13;
	v10 =	vsel vm6, s14, v10;
	s26 =	sshra.s32 s21, $0x12  }
0x148: {  	s23 =	sshra.s32 s8, $0x12;
	s29 =	sshra.s32 s30, $0x12;
	v11 =	vsel vm2, s15, v11;
	s30 =	sshrl.u32 s21, $0x1F;
	v10 =	vsel vm3, s18, v10;
	v14 =	vsel vm2, s26, v14  }
0x149: {  	s28 =	sshra.s32 s8, $0x1F;
	v12 =	vsel vm2, s30, v12;
	v10 =	vsel vm7, s23, v10;
	v13 =	vcombine.low v14, v13  }
0x14a: {  	v11 =	vcombine.low v12, v11;
	v10 =	vsel vm13, s28, v10  }
0x14b: {  	v9 =	vperm.xlane v9, v4;
	v10 =	vsel vm11, s29, v10;
	v63 =	vperm.xlane v13, v3  }
0x14c: {  	v11 =	vperm.xlane v11, v3;
	v10 =	vperm.xlane v10, v4;
	_ =	sdelay $0x1  }
0x14d: {  	v9 =	vsel vm8, v9, v11;
	v10 =	vsel vm8, v10, v63  }
.Ltmp3:
0x14e: {  	v9 =	vadd.s32 v9, v10;
	(pc) =	sbr.rel @p0 .LBB2_4-.Ltmp3, $4  }
0x14f: {  	v9 =	vmul.u32 $0xF4240, v9  }
0x150: {  	s25 =	rddreg [dreg:$0x5]  }
0x151: {  	v7 =	vadd.s32 $0xFFFFFFFF, v7;
	s31 =	rddreg [dreg:$0xb];
	v8 =	vsub.s32 v8, v9  }
0x152: {  	s1 =	rddreg [dreg:$0x8];
	vm9 =	vge.s32 v8, v0;
	vm10 =	vlt.s32 v8, v1;
	v8 =	vsub.s32 v8, v0  }
0x153: {  	vm9 =	vmand vm9, vm10  }
0x154: {  	v9 =	vsel vm9, $0x1, v5  }
0x155: {  	(xrf0) =	vadd.scan.msk.s32 $0xffff, v9;
	_ =	sdelay $0x5  }
0x156: {  	v9, _, _ =	vpop (xrf0)  }
0x157: {  	(v2sf) =	vpush v9, $0xF;
	_ =	sdelay $0x3  }
0x158: {  	v7 =	vbroadcast v7, $0x0;
	_ =	sdelay $0x1  }
0x159: {  	v7 =	vadd.s32 v9, v7  }
0x15a: {  	vm10 =	vgt.s32 v7, $0x0  }
0x15b: {  	v7 =	vnsel vm10, $0x0, v7;
	_ =	sdelay $0x1  }
0x15c: {  	v8 =	vshll.u32 v8, $0xE;
	s0 =	sadd.s32 $0x1000, s31  }
0x15d: {  	s24 =	sld [smem:$0x7F7];
	v8 =	vadd.s32 s0, v8  }
0x15e: {  	s23 =	simm.s32 $0x1000;
	v8 =	vadd.s32 v2, v8  }
0x15f: {  	s31 =	simm.s32 $0x0;
	[tilespmem:v7+s23+$0x0] =	vst.idx.msk vm9, v8  }
0x160: {  	v7 =	vor.u32 s31, v2;
	[tilespmem:s31], [sflag:$0x3] =	stream.linear.gather [hbm4b:s24+s31], $0x1000, $0x38;
	[tilespmem:$0x19800] =	vst v63  }
0x161: {  	s28 =	simm.s32 $0x3;
	s26 =	spop (v2sf)  }
0x162: {  	_ =	swait.ge [sflag:s28], $0x1000  }
0x163: {  	[sflag:s28] =	ssyncset.done $0x0  }
0x164: {  	s29 =	simm.s32 $0x0;
	[sflag:s28] =	ssyncadd.s32 $0xFFFFF000  }
0x165: {  	v8 =	vld.idx.msk [tilespmem:v7+s29+$0x0], $0xffff;
	_ =	sdelay $0x4  }
0x166: {  	(v2sf) =	vpush v8, $0x0  }
0x167: {  	(v2sf) =	vpush v8, $0xB  }
0x168: {  	(v2sf) =	vpush v8, $0x1  }
0x169: {  	(v2sf) =	vpush v8, $0x2;
	_ =	sdelay $0x1  }
0x16a: {  	(v2sf) =	vpush v8, $0x7;
	_ =	sdelay $0x2  }
0x16b: {  	(v2sf) =	vpush v8, $0x3  }
0x16c: {  	(v2sf) =	vpush v8, $0x4  }
0x16d: {  	(v2sf) =	vpush v8, $0x5;
	_ =	sdelay $0x2  }
0x16e: {  	(v2sf) =	vpush v8, $0xC;
	_ =	sdelay $0x1  }
0x16f: {  	(v2sf) =	vpush v8, $0xD;
	s30 =	spop (v2sf)  }
0x170: {  	s28 =	spop (v2sf)  }
0x171: {  	(v2sf) =	vpush v8, $0xE;
	s3 =	smulhi.u32 $0x431BDE83, s30;
	s1 =	spop (v2sf)  }
0x172: {  	(v2sf) =	vpush v8, $0x6;
	s4 =	smulhi.u32 $0x431BDE83, s1;
	s2 =	spop (v2sf)  }
0x173: {  	(v2sf) =	vpush v8, $0x8;
	s1 =	sshra.s32 s1, $0x1F;
	s5 =	smulhi.u32 $0x431BDE83, s2  }
0x174: {  	(v2sf) =	vpush v8, $0x9;
	s6 =	spop (v2sf);
	s9 =	smul.u32 $0x431BDE83, s1  }
0x175: {  	s2 =	sshra.s32 s2, $0x1F;
	s7 =	smulhi.u32 $0x431BDE83, s6  }
0x176: {  	s6 =	sshra.s32 s6, $0x1F;
	s12 =	smul.u32 $0x431BDE83, s2  }
0x177: {  	s8 =	spop (v2sf);
	s6 =	smul.u32 $0x431BDE83, s6  }
0x178: {  	s11 =	spop (v2sf);
	s14 =	smulhi.u32 $0x431BDE83, s8;
	s8 =	sshra.s32 s8, $0x1F  }
0x179: {  	s10 =	spop (v2sf);
	s8 =	smul.u32 $0x431BDE83, s8  }
0x17a: {  	(v2sf) =	vpush v8, $0xF;
	s29 =	sshra.s32 s11, $0x1F;
	s1 =	smulhi.u32 $0x431BDE83, s10  }
0x17b: {  	(v2sf) =	vpush v8, $0xA;
	s24 =	sshra.s32 s10, $0x1F;
	s17 =	smul.u32 $0x431BDE83, s29  }
0x17c: {  	s13 =	spop (v2sf);
	s2 =	smul.u32 $0x431BDE83, s24  }
0x17d: {  	s24 =	sshra.s32 s30, $0x1F;
	s30 =	smulhi.u32 $0x431BDE83, s13  }
0x17e: {  	s15 =	spop (v2sf);
	s14 =	sadd.s32 s8, s14;
	s8 =	smulhi.u32 $0x431BDE83, s11  }
0x17f: {  	s23 =	sshra.s32 s13, $0x1F;
	s18 =	smulhi.u32 $0x431BDE83, s15  }
0x180: {  	s16 =	spop (v2sf);
	s15 =	sshra.s32 s15, $0x1F;
	s23 =	smul.u32 $0x431BDE83, s23  }
0x181: {  	s5 =	sadd.s32 s12, s5;
	s21 =	spop (v2sf);
	s0 =	smul.u32 $0x431BDE83, s15  }
0x182: {  	s15 =	sadd.s32 s9, s4;
	s13 =	smulhi.u32 $0x431BDE83, s16;
	s9 =	spop (v2sf)  }
0x183: {  	s11 =	sshra.s32 s28, $0x1F;
	s10 =	smulhi.u32 $0x431BDE83, s21;
	s29 =	spop (v2sf)  }
0x184: {  	s16 =	sshra.s32 s16, $0x1F;
	s4 =	sadd.s32 s23, s30;
	s23 =	smulhi.u32 $0x431BDE83, s29  }
0x185: {  	s12 =	sshra.s32 s29, $0x1F;
	s29 =	sadd.s32 s6, s7;
	s7 =	smul.u32 $0x431BDE83, s24  }
0x186: {  	s1 =	sadd.s32 s2, s1;
	s24 =	sshra.s32 s9, $0x1F;
	s9 =	smulhi.u32 $0x431BDE83, s9  }
0x187: {  	s30 =	sshrl.u32 s15, $0x1F;
	s0 =	sadd.s32 s0, s18;
	s12 =	smul.u32 $0x431BDE83, s12  }
0x188: {  	s18 =	sshra.s32 s15, $0x12;
	s6 =	sadd.s32 s7, s3;
	s7 =	smul.u32 $0x431BDE83, s16  }
0x189: {  	s24 =	smul.u32 $0x431BDE83, s24;
	s16 =	sadd.s32 s17, s8;
	s17 =	spop (v2sf)  }
0x18a: {  	s3 =	sadd.s32 s12, s23;
	s8 =	sadd.s32 s7, s13;
	s13 =	spop (v2sf)  }
0x18b: {  	s23 =	sshra.s32 s17, $0x1F;
	s17 =	smulhi.u32 $0x431BDE83, s17;
	s12 =	sshra.s32 s13, $0x1F  }
0x18c: {  	s7 =	smulhi.u32 $0x431BDE83, s13;
	s13 =	sadd.s32 s24, s9;
	s24 =	sshra.s32 s29, $0x1F  }
0x18d: {  	s15 =	sshra.s32 s15, $0x1F;
	s9 =	smul.u32 $0x431BDE83, s12;
	v7 =	vmov s24;
	s24 =	sshra.s32 s6, $0x12  }
0x18e: {  	s12 =	sshra.s32 s21, $0x1F;
	s21 =	sshrl.u32 s14, $0x1F;
	v7 =	vsel vm4, s24, v7;
	s24 =	sshra.s32 s14, $0x12  }
0x18f: {  	s9 =	sadd.s32 s9, s7;
	s7 =	sshrl.u32 s6, $0x1F;
	s6 =	sshra.s32 s6, $0x1F  }
0x190: {  	vm9 =	vcmask $0xF0C;
	s12 =	smul.u32 $0x431BDE83, s12;
	v9 =	vmov s7;
	v7 =	vsel vm12, s6, v7;
	s6 =	sshra.s32 s14, $0x1F;
	s14 =	sshrl.u32 s4, $0x1F  }
0x191: {  	s7 =	smul.u32 $0x431BDE83, s23;
	s23 =	sshrl.u32 s5, $0x1F;
	s4 =	sshra.s32 s4, $0x12;
	v7 =	vsel vm0, s18, v7;
	v9 =	vnsel vm4, $0x0, v9;
	v10 =	vmov s14  }
0x192: {  	s18 =	sshrl.u32 s0, $0x1F;
	v12 =	vmov s4;
	s0 =	sshra.s32 s0, $0x12;
	s14 =	sshra.s32 s8, $0x12;
	v9 =	vsel vm0, s30, v9;
	v7 =	vsel vm9, s15, v7  }
0x193: {  	s30 =	sshra.s32 s5, $0x12;
	vm9 =	vcmask $0x1714;
	s2 =	sadd.s32 s7, s17;
	v10 =	vsel vm0, s18, v10;
	s17 =	sshrl.u32 s8, $0x1F;
	v12 =	vsel vm0, s0, v12  }
0x194: {  	s15 =	sshra.s32 s16, $0x1F;
	s18 =	sshrl.u32 s1, $0x1F;
	v9 =	vsel vm1, s23, v9;
	v7 =	vsel vm1, s30, v7;
	s23 =	sshra.s32 s5, $0x1F;
	v10 =	vsel vm1, s17, v10  }
0x195: {  	s30 =	sshra.s32 s16, $0x12;
	s16 =	sshrl.u32 s16, $0x1F;
	v12 =	vsel vm1, s14, v12;
	v9 =	vsel vm2, s21, v9;
	v7 =	vsel vm9, s23, v7;
	s23 =	sshrl.u32 s13, $0x1F  }
0x196: {  	s5 =	sadd.s32 s12, s10;
	s21 =	smulhi.u32 $0x431BDE83, s28;
	s28 =	sshrl.u32 s3, $0x1F;
	v9 =	vsel vm5, s16, v9;
	v7 =	vsel vm2, s24, v7;
	v11 =	vmov s23  }
0x197: {  	s11 =	smul.u32 $0x431BDE83, s11;
	s24 =	sshrl.u32 s5, $0x1F;
	s23 =	sshrl.u32 s2, $0x1F;
	v9 =	vsel vm6, s18, v9;
	v7 =	vsel vm14, s6, v7;
	v11 =	vsel vm0, s28, v11  }
0x198: {  	s3 =	sshra.s32 s3, $0x12;
	s18 =	sshra.s32 s2, $0x12;
	v10 =	vsel vm2, s23, v10;
	v9 =	vsel vm7, s24, v9;
	v7 =	vsel vm5, s30, v7;
	s30 =	sshra.s32 s13, $0x12  }
0x199: {  	s12 =	sadd.s32 s11, s21;
	s13 =	sshra.s32 s1, $0x12;
	v12 =	vsel vm2, s18, v12;
	v13 =	vmov s30;
	v7 =	vsel vm15, s15, v7;
	s15 =	sshrl.u32 s9, $0x1F  }
0x19a: {  	s17 =	sshra.s32 s9, $0x12;
	s1 =	sshra.s32 s1, $0x1F;
	s28 =	sshrl.u32 s12, $0x1F;
	v7 =	vsel vm6, s13, v7;
	v13 =	vsel vm0, s3, v13;
	v11 =	vsel vm1, s15, v11  }
0x19b: {  	s16 =	sshra.s32 s5, $0x12;
	s24 =	sshra.s32 s12, $0x12;
	v7 =	vsel vm3, s1, v7;
	v13 =	vsel vm1, s17, v13;
	v11 =	vsel vm2, s28, v11  }
0x19c: {  	s10 =	sshrl.u32 s29, $0x1F;
	s21 =	sshra.s32 s5, $0x1F;
	v7 =	vsel vm7, s16, v7;
	v13 =	vsel vm2, s24, v13;
	v10 =	vcombine.low v11, v10  }
0x19d: {  	v9 =	vsel vm11, s10, v9;
	s30 =	sshra.s32 s29, $0x12;
	v7 =	vsel vm13, s21, v7;
	v12 =	vcombine.low v13, v12  }
0x19e: {  	v9 =	vperm.xlane v9, v4;
	v7 =	vsel vm11, s30, v7;
	v10 =	vperm.xlane v10, v3  }
0x19f: {  	v7 =	vperm.xlane v7, v4;
	v11 =	vperm.xlane v12, v3;
	_ =	sdelay $0x1  }
0x1a0: {  	v9 =	vsel vm8, v9, v10;
	v7 =	vsel vm8, v7, v11  }
0x1a1: {  	v7 =	vadd.s32 v9, v7  }
0x1a2: {  	s25 =	sadd.s32 s25, s26;
	v9 =	vmul.u32 $0xF4240, v7  }
0x1a3: {  	v7 =	vmov s25  }
0x1a4: {  	v7 =	vadd.s32 $0xFFFFFFFF, v7;
	v8 =	vsub.s32 v8, v9  }
0x1a5: {  	s1 =	simm.s32 $0x10;
	vm9 =	vge.s32 v8, v0;
	vm10 =	vlt.s32 v8, v1;
	v8 =	vsub.s32 v8, v0  }
.LBB2_6:
0x1a6: {  	vm9 =	vmand vm9, vm10  }
0x1a7: {  	v9 =	vsel vm9, $0x1, v5  }
0x1a8: {  	(xrf0) =	vadd.scan.msk.s32 $0xffff, v9;
	_ =	sdelay $0x5  }
0x1a9: {  	v7 =	vbroadcast v7, $0x0;
	v9, _, _ =	vpop (xrf0)  }
0x1aa: {  	(v2sf) =	vpush v9, $0xF  }
0x1ab: {  	v7 =	vadd.s32 v9, v7  }
0x1ac: {  	vm10 =	vgt.s32 v7, $0x0  }
0x1ad: {  	s0 =	smov.u32 s1;
	v7 =	vnsel vm10, $0x0, v7  }
0x1ae: {  	v9 =	vor.u32 s0, v2  }
0x1af: {  	v8 =	vshll.u32 v8, $0xE;
	s14 =	sadd.s32 $0x2000, s31  }
0x1b0: {  	v8 =	vadd.s32 s14, v8  }
0x1b1: {  	s15 =	simm.s32 $0x1000;
	v8 =	vadd.s32 v2, v8  }
0x1b2: {  	s16 =	simm.s32 $0x0;
	[tilespmem:v7+s15+$0x0] =	vst.idx.msk vm9, v8  }
0x1b3: {  	v8 =	vld.idx.msk [tilespmem:v9+s16+$0x0], $0xffff;
	_ =	sdelay $0x4  }
0x1b4: {  	(v2sf) =	vpush v8, $0x0  }
0x1b5: {  	s17 =	spop (v2sf);
	(v2sf) =	vpush v8, $0xB  }
0x1b6: {  	(v2sf) =	vpush v8, $0x1  }
0x1b7: {  	(v2sf) =	vpush v8, $0x2;
	_ =	sdelay $0x1  }
0x1b8: {  	(v2sf) =	vpush v8, $0x7;
	_ =	sdelay $0x2  }
0x1b9: {  	(v2sf) =	vpush v8, $0x3;
	_ =	sdelay $0x1  }
0x1ba: {  	(v2sf) =	vpush v8, $0x4  }
0x1bb: {  	(v2sf) =	vpush v8, $0x5;
	_ =	sdelay $0x1  }
0x1bc: {  	s13 =	sadd.s32 $0x10, s1;
	(v2sf) =	vpush v8, $0xC  }
0x1bd: {  	[dreg:$0x9] =	wrdreg s13;
	s2 =	smov.u32 s0  }
0x1be: {  	[dreg:$0xc] =	wrdreg s2;
	s25 =	sadd.s32 s25, s17;
	(v2sf) =	vpush v8, $0xD;
	s18 =	spop (v2sf)  }
0x1bf: {  	[dreg:$0x6] =	wrdreg s25;
	s8 =	spop (v2sf)  }
0x1c0: {  	s21 =	smulhi.u32 $0x431BDE83, s18;
	s23 =	spop (v2sf)  }
0x1c1: {  	v7 =	vmov s25;
	(v2sf) =	vpush v8, $0xE;
	s0 =	sshra.s32 s18, $0x1F;
	s24 =	smulhi.u32 $0x431BDE83, s23;
	s25 =	spop (v2sf)  }
0x1c2: {  	(v2sf) =	vpush v8, $0x6;
	[smem:$0x7E9] =	sst s0;
	s0 =	sshra.s32 s23, $0x1F;
	s4 =	smulhi.u32 $0x431BDE83, s25  }
0x1c3: {  	p0 =	sne.s32 s1, $0xFF0;
	s5 =	spop (v2sf);
	s0 =	smul.u32 $0x431BDE83, s0  }
0x1c4: {  	[dreg:$0x12] =	wrdreg s8;
	s2 =	sshra.s32 s25, $0x1F;
	s3 =	smulhi.u32 $0x431BDE83, s5  }
0x1c5: {  	(v2sf) =	vpush v8, $0x8;
	[dreg:$0x1c] =	wrdreg s21;
	s5 =	sshra.s32 s5, $0x1F;
	s11 =	smul.u32 $0x431BDE83, s2  }
0x1c6: {  	(v2sf) =	vpush v8, $0x9;
	s8 =	sshra.s32 s8, $0x1F;
	s6 =	spop (v2sf);
	s14 =	smul.u32 $0x431BDE83, s5  }
0x1c7: {  	(v2sf) =	vpush v8, $0xF;
	[dreg:$0xf] =	wrdreg s8;
	s7 =	sshra.s32 s6, $0x1F;
	s6 =	smulhi.u32 $0x431BDE83, s6  }
0x1c8: {  	s15 =	spop (v2sf);
	s5 =	sadd.s32 s0, s24;
	s7 =	smul.u32 $0x431BDE83, s7  }
0x1c9: {  	s9 =	sshra.s32 s15, $0x1F;
	s10 =	spop (v2sf);
	s15 =	smulhi.u32 $0x431BDE83, s15  }
0x1ca: {  	s29 =	sshra.s32 s5, $0x12;
	s12 =	sadd.s32 s11, s4;
	s26 =	smulhi.u32 $0x431BDE83, s10  }
0x1cb: {  	s13 =	spop (v2sf);
	s28 =	sshra.s32 s10, $0x1F;
	s25 =	smul.u32 $0x431BDE83, s9  }
0x1cc: {  	(v2sf) =	vpush v8, $0xA;
	[smem:$0x7EA] =	sst s29;
	s10 =	sshrl.u32 s5, $0x1F;
	s30 =	smul.u32 $0x431BDE83, s28  }
0x1cd: {  	s5 =	sshra.s32 s5, $0x1F;
	s16 =	spop (v2sf);
	s23 =	smulhi.u32 $0x431BDE83, s13  }
0x1ce: {  	s17 =	sshra.s32 s13, $0x1F;
	s6 =	sadd.s32 s7, s6;
	s1 =	smulhi.u32 $0x431BDE83, s16  }
0x1cf: {  	[dreg:$0x15] =	wrdreg s26;
	s18 =	sshra.s32 s16, $0x1F;
	s17 =	smul.u32 $0x431BDE83, s17  }
0x1d0: {  	s21 =	spop (v2sf);
	s7 =	sshrl.u32 s6, $0x1F;
	s18 =	smul.u32 $0x431BDE83, s18  }
0x1d1: {  	s9 =	spop (v2sf);
	s24 =	sshra.s32 s21, $0x1F;
	s21 =	smulhi.u32 $0x431BDE83, s21  }
0x1d2: {  	s15 =	sadd.s32 s25, s15;
	s25 =	sshrl.u32 s12, $0x1F;
	s11 =	smulhi.u32 $0x431BDE83, s9  }
0x1d3: {  	[dreg:$0x18] =	wrdreg s30;
	s16 =	sshra.s32 s9, $0x1F;
	s24 =	smul.u32 $0x431BDE83, s24  }
0x1d4: {  	s23 =	sadd.s32 s17, s23;
	[dreg:$0x1d] =	wrdreg s11;
	s11 =	spop (v2sf)  }
0x1d5: {  	s2 =	sshra.s32 s11, $0x1F;
	s30 =	spop (v2sf);
	s11 =	smulhi.u32 $0x431BDE83, s11  }
0x1d6: {  	s26 =	sshra.s32 s30, $0x1F;
	s31 =	spop (v2sf);
	s8 =	smulhi.u32 $0x431BDE83, s30  }
0x1d7: {  	s30 =	sadd.s32 s14, s3;
	s14 =	sld [smem:$0x7E9];
	s2 =	smul.u32 $0x431BDE83, s2  }
0x1d8: {  	s9 =	sshra.s32 s6, $0x12;
	s13 =	sshra.s32 s31, $0x1F;
	s31 =	smulhi.u32 $0x431BDE83, s31  }
0x1d9: {  	s4 =	sadd.s32 s18, s1;
	s18 =	sshrl.u32 s23, $0x1F;
	s26 =	smul.u32 $0x431BDE83, s26  }
0x1da: {  	s1 =	rddreg [dreg:$0x1c];
	s17 =	sshra.s32 s4, $0x12;
	s0 =	smul.u32 $0x431BDE83, s14  }
0x1db: {  	s4 =	sshrl.u32 s4, $0x1F;
	s28 =	spop (v2sf);
	s13 =	smul.u32 $0x431BDE83, s13  }
0x1dc: {  	s29 =	sshra.s32 s28, $0x1F;
	s28 =	smulhi.u32 $0x431BDE83, s28;
	s3 =	sadd.s32 s0, s1  }
0x1dd: {  	s2 =	sadd.s32 s2, s11;
	s14 =	sshra.s32 s30, $0x1F;
	s0 =	sshrl.u32 s3, $0x1F  }
0x1de: {  	v11 =	vmov s18;
	s8 =	sadd.s32 s26, s8;
	s29 =	smul.u32 $0x431BDE83, s29;
	v10 =	vmov s14;
	s14 =	sshra.s32 s15, $0x12;
	v9 =	vmov s0  }
0x1df: {  	v11 =	vsel vm0, s4, v11;
	s4 =	sshrl.u32 s8, $0x1F;
	s1 =	sshra.s32 s12, $0x1F;
	s0 =	sshra.s32 s3, $0x12;
	v9 =	vnsel vm4, $0x0, v9  }
0x1e0: {  	v10 =	vsel vm4, s0, v10;
	s0 =	sshra.s32 s3, $0x1F;
	v9 =	vsel vm0, s10, v9;
	s10 =	sadd.s32 s24, s21;
	s21 =	sld [smem:$0x7EA]  }
0x1e1: {  	s12 =	sshra.s32 s12, $0x12;
	v10 =	vsel vm12, s0, v10;
	s0 =	sadd.s32 s29, s28;
	s28 =	rddreg [dreg:$0x15]  }
0x1e2: {  	s3 =	sshra.s32 s15, $0x1F;
	s15 =	sshrl.u32 s15, $0x1F;
	s29 =	rddreg [dreg:$0x18];
	v9 =	vsel vm1, s25, v9  }
0x1e3: {  	vm9 =	vcmask $0xF0C;
	s24 =	smul.u32 $0x431BDE83, s16;
	s26 =	sshrl.u32 s10, $0x1F;
	s11 =	sadd.s32 s29, s28;
	v9 =	vsel vm2, s7, v9;
	v10 =	vsel vm0, s21, v10  }
0x1e4: {  	s16 =	rddreg [dreg:$0x1d];
	s7 =	sshra.s32 s8, $0x12;
	v11 =	vsel vm1, s26, v11;
	s18 =	sshrl.u32 s11, $0x1F;
	v9 =	vsel vm5, s15, v9;
	v10 =	vsel vm9, s5, v10  }
0x1e5: {  	s8 =	sadd.s32 s24, s16;
	s21 =	sshra.s32 s23, $0x12;
	s23 =	sshrl.u32 s2, $0x1F;
	vm9 =	vcmask $0x1714;
	v9 =	vsel vm6, s18, v9;
	v10 =	vsel vm1, s12, v10  }
0x1e6: {  	s29 =	rddreg [dreg:$0xf];
	s24 =	sshrl.u32 s8, $0x1F;
	s2 =	sshra.s32 s2, $0x12;
	v12 =	vmov s23;
	v13 =	vmov s21;
	v10 =	vsel vm9, s1, v10  }
0x1e7: {  	s6 =	sshra.s32 s6, $0x1F;
	s26 =	rddreg [dreg:$0x12];
	v14 =	vmov s2;
	v9 =	vsel vm7, s24, v9;
	v10 =	vsel vm2, s9, v10;
	s9 =	smul.u32 $0x431BDE83, s29  }
0x1e8: {  	s28 =	sshrl.u32 s30, $0x1F;
	s16 =	sshra.s32 s10, $0x12;
	v12 =	vsel vm0, s4, v12;
	v13 =	vsel vm0, s17, v13;
	v10 =	vsel vm14, s6, v10;
	s6 =	smulhi.u32 $0x431BDE83, s26  }
0x1e9: {  	s12 =	sshra.s32 s0, $0x12;
	s0 =	sshrl.u32 s0, $0x1F;
	v14 =	vsel vm0, s7, v14;
	s1 =	sadd.s32 s13, s31;
	v9 =	vsel vm11, s28, v9;
	v10 =	vsel vm5, s14, v10  }
0x1ea: {  	v12 =	vsel vm1, s0, v12;
	v13 =	vsel vm1, s16, v13;
	s24 =	sshra.s32 s1, $0x12;
	s14 =	sshra.s32 s11, $0x12;
	v10 =	vsel vm15, s3, v10;
	s21 =	sadd.s32 s9, s6  }
0x1eb: {  	s18 =	sshra.s32 s11, $0x1F;
	v14 =	vsel vm1, s12, v14;
	s15 =	sshrl.u32 s1, $0x1F;
	v13 =	vsel vm2, s24, v13;
	v10 =	vsel vm6, s14, v10;
	s26 =	sshra.s32 s21, $0x12  }
0x1ec: {  	s23 =	sshra.s32 s8, $0x12;
	s29 =	sshra.s32 s30, $0x12;
	v11 =	vsel vm2, s15, v11;
	s30 =	sshrl.u32 s21, $0x1F;
	v10 =	vsel vm3, s18, v10;
	v14 =	vsel vm2, s26, v14  }
0x1ed: {  	s28 =	sshra.s32 s8, $0x1F;
	v12 =	vsel vm2, s30, v12;
	v10 =	vsel vm7, s23, v10;
	v13 =	vcombine.low v14, v13  }
0x1ee: {  	v11 =	vcombine.low v12, v11;
	v10 =	vsel vm13, s28, v10  }
0x1ef: {  	v9 =	vperm.xlane v9, v4;
	v10 =	vsel vm11, s29, v10;
	v63 =	vperm.xlane v13, v3  }
0x1f0: {  	v11 =	vperm.xlane v11, v3;
	v10 =	vperm.xlane v10, v4;
	_ =	sdelay $0x1  }
0x1f1: {  	v9 =	vsel vm8, v9, v11;
	v10 =	vsel vm8, v10, v63  }
.Ltmp4:
0x1f2: {  	v9 =	vadd.s32 v9, v10;
	(pc) =	sbr.rel @p0 .LBB2_6-.Ltmp4, $4  }
0x1f3: {  	v9 =	vmul.u32 $0xF4240, v9  }
0x1f4: {  	s25 =	rddreg [dreg:$0x6]  }
0x1f5: {  	v7 =	vadd.s32 $0xFFFFFFFF, v7;
	s31 =	rddreg [dreg:$0xc];
	v8 =	vsub.s32 v8, v9  }
0x1f6: {  	s1 =	rddreg [dreg:$0x9];
	vm9 =	vge.s32 v8, v0;
	vm10 =	vlt.s32 v8, v1;
	v8 =	vsub.s32 v8, v0  }
0x1f7: {  	vm9 =	vmand vm9, vm10  }
0x1f8: {  	v9 =	vsel vm9, $0x1, v5  }
0x1f9: {  	(xrf0) =	vadd.scan.msk.s32 $0xffff, v9;
	_ =	sdelay $0x5  }
0x1fa: {  	v9, _, _ =	vpop (xrf0)  }
0x1fb: {  	(v2sf) =	vpush v9, $0xF;
	_ =	sdelay $0x3  }
0x1fc: {  	v7 =	vbroadcast v7, $0x0;
	_ =	sdelay $0x1  }
0x1fd: {  	v7 =	vadd.s32 v9, v7  }
0x1fe: {  	vm10 =	vgt.s32 v7, $0x0  }
0x1ff: {  	v7 =	vnsel vm10, $0x0, v7;
	_ =	sdelay $0x1  }
0x200: {  	v8 =	vshll.u32 v8, $0xE;
	s0 =	sadd.s32 $0x2000, s31  }
0x201: {  	s24 =	sld [smem:$0x7F8];
	v8 =	vadd.s32 s0, v8  }
0x202: {  	s23 =	simm.s32 $0x1000;
	v8 =	vadd.s32 v2, v8  }
0x203: {  	s31 =	simm.s32 $0x0;
	[tilespmem:v7+s23+$0x0] =	vst.idx.msk vm9, v8  }
0x204: {  	v7 =	vor.u32 s31, v2;
	[tilespmem:s31], [sflag:$0x3] =	stream.linear.gather [hbm4b:s24+s31], $0x1000, $0x38;
	[tilespmem:$0x19800] =	vst v63  }
0x205: {  	s28 =	simm.s32 $0x3;
	s26 =	spop (v2sf)  }
0x206: {  	_ =	swait.ge [sflag:s28], $0x1000  }
0x207: {  	[sflag:s28] =	ssyncset.done $0x0  }
0x208: {  	s29 =	simm.s32 $0x0;
	[sflag:s28] =	ssyncadd.s32 $0xFFFFF000  }
0x209: {  	v8 =	vld.idx.msk [tilespmem:v7+s29+$0x0], $0xffff;
	_ =	sdelay $0x4  }
0x20a: {  	(v2sf) =	vpush v8, $0x0  }
0x20b: {  	(v2sf) =	vpush v8, $0xB  }
0x20c: {  	(v2sf) =	vpush v8, $0x1  }
0x20d: {  	(v2sf) =	vpush v8, $0x2;
	_ =	sdelay $0x1  }
0x20e: {  	(v2sf) =	vpush v8, $0x7;
	_ =	sdelay $0x2  }
0x20f: {  	(v2sf) =	vpush v8, $0x3  }
0x210: {  	(v2sf) =	vpush v8, $0x4  }
0x211: {  	(v2sf) =	vpush v8, $0x5;
	_ =	sdelay $0x2  }
0x212: {  	(v2sf) =	vpush v8, $0xC;
	_ =	sdelay $0x1  }
0x213: {  	(v2sf) =	vpush v8, $0xD;
	s30 =	spop (v2sf)  }
0x214: {  	s28 =	spop (v2sf)  }
0x215: {  	(v2sf) =	vpush v8, $0xE;
	s3 =	smulhi.u32 $0x431BDE83, s30;
	s1 =	spop (v2sf)  }
0x216: {  	(v2sf) =	vpush v8, $0x6;
	s4 =	smulhi.u32 $0x431BDE83, s1;
	s2 =	spop (v2sf)  }
0x217: {  	(v2sf) =	vpush v8, $0x8;
	s1 =	sshra.s32 s1, $0x1F;
	s5 =	smulhi.u32 $0x431BDE83, s2  }
0x218: {  	(v2sf) =	vpush v8, $0x9;
	s6 =	spop (v2sf);
	s9 =	smul.u32 $0x431BDE83, s1  }
0x219: {  	s2 =	sshra.s32 s2, $0x1F;
	s7 =	smulhi.u32 $0x431BDE83, s6  }
0x21a: {  	s6 =	sshra.s32 s6, $0x1F;
	s12 =	smul.u32 $0x431BDE83, s2  }
0x21b: {  	s8 =	spop (v2sf);
	s6 =	smul.u32 $0x431BDE83, s6  }
0x21c: {  	s11 =	spop (v2sf);
	s14 =	smulhi.u32 $0x431BDE83, s8;
	s8 =	sshra.s32 s8, $0x1F  }
0x21d: {  	s10 =	spop (v2sf);
	s8 =	smul.u32 $0x431BDE83, s8  }
0x21e: {  	(v2sf) =	vpush v8, $0xF;
	s29 =	sshra.s32 s11, $0x1F;
	s1 =	smulhi.u32 $0x431BDE83, s10  }
0x21f: {  	(v2sf) =	vpush v8, $0xA;
	s24 =	sshra.s32 s10, $0x1F;
	s17 =	smul.u32 $0x431BDE83, s29  }
0x220: {  	s13 =	spop (v2sf);
	s2 =	smul.u32 $0x431BDE83, s24  }
0x221: {  	s24 =	sshra.s32 s30, $0x1F;
	s30 =	smulhi.u32 $0x431BDE83, s13  }
0x222: {  	s15 =	spop (v2sf);
	s14 =	sadd.s32 s8, s14;
	s8 =	smulhi.u32 $0x431BDE83, s11  }
0x223: {  	s23 =	sshra.s32 s13, $0x1F;
	s18 =	smulhi.u32 $0x431BDE83, s15  }
0x224: {  	s16 =	spop (v2sf);
	s15 =	sshra.s32 s15, $0x1F;
	s23 =	smul.u32 $0x431BDE83, s23  }
0x225: {  	s5 =	sadd.s32 s12, s5;
	s21 =	spop (v2sf);
	s0 =	smul.u32 $0x431BDE83, s15  }
0x226: {  	s15 =	sadd.s32 s9, s4;
	s13 =	smulhi.u32 $0x431BDE83, s16;
	s9 =	spop (v2sf)  }
0x227: {  	s11 =	sshra.s32 s28, $0x1F;
	s10 =	smulhi.u32 $0x431BDE83, s21;
	s29 =	spop (v2sf)  }
0x228: {  	s16 =	sshra.s32 s16, $0x1F;
	s4 =	sadd.s32 s23, s30;
	s23 =	smulhi.u32 $0x431BDE83, s29  }
0x229: {  	s12 =	sshra.s32 s29, $0x1F;
	s29 =	sadd.s32 s6, s7;
	s7 =	smul.u32 $0x431BDE83, s24  }
0x22a: {  	s1 =	sadd.s32 s2, s1;
	s24 =	sshra.s32 s9, $0x1F;
	s9 =	smulhi.u32 $0x431BDE83, s9  }
0x22b: {  	s30 =	sshrl.u32 s15, $0x1F;
	s0 =	sadd.s32 s0, s18;
	s12 =	smul.u32 $0x431BDE83, s12  }
0x22c: {  	s18 =	sshra.s32 s15, $0x12;
	s6 =	sadd.s32 s7, s3;
	s7 =	smul.u32 $0x431BDE83, s16  }
0x22d: {  	s24 =	smul.u32 $0x431BDE83, s24;
	s16 =	sadd.s32 s17, s8;
	s17 =	spop (v2sf)  }
0x22e: {  	s3 =	sadd.s32 s12, s23;
	s8 =	sadd.s32 s7, s13;
	s13 =	spop (v2sf)  }
0x22f: {  	s23 =	sshra.s32 s17, $0x1F;
	s17 =	smulhi.u32 $0x431BDE83, s17;
	s12 =	sshra.s32 s13, $0x1F  }
0x230: {  	s7 =	smulhi.u32 $0x431BDE83, s13;
	s13 =	sadd.s32 s24, s9;
	s24 =	sshra.s32 s29, $0x1F  }
0x231: {  	s15 =	sshra.s32 s15, $0x1F;
	s9 =	smul.u32 $0x431BDE83, s12;
	v7 =	vmov s24;
	s24 =	sshra.s32 s6, $0x12  }
0x232: {  	s12 =	sshra.s32 s21, $0x1F;
	s21 =	sshrl.u32 s14, $0x1F;
	v7 =	vsel vm4, s24, v7;
	s24 =	sshra.s32 s14, $0x12  }
0x233: {  	s9 =	sadd.s32 s9, s7;
	s7 =	sshrl.u32 s6, $0x1F;
	s6 =	sshra.s32 s6, $0x1F  }
0x234: {  	vm9 =	vcmask $0xF0C;
	s12 =	smul.u32 $0x431BDE83, s12;
	v9 =	vmov s7;
	v7 =	vsel vm12, s6, v7;
	s6 =	sshra.s32 s14, $0x1F;
	s14 =	sshrl.u32 s4, $0x1F  }
0x235: {  	s7 =	smul.u32 $0x431BDE83, s23;
	s23 =	sshrl.u32 s5, $0x1F;
	s4 =	sshra.s32 s4, $0x12;
	v7 =	vsel vm0, s18, v7;
	v9 =	vnsel vm4, $0x0, v9;
	v10 =	vmov s14  }
0x236: {  	s18 =	sshrl.u32 s0, $0x1F;
	v12 =	vmov s4;
	s0 =	sshra.s32 s0, $0x12;
	s14 =	sshra.s32 s8, $0x12;
	v9 =	vsel vm0, s30, v9;
	v7 =	vsel vm9, s15, v7  }
0x237: {  	s30 =	sshra.s32 s5, $0x12;
	vm9 =	vcmask $0x1714;
	s2 =	sadd.s32 s7, s17;
	v10 =	vsel vm0, s18, v10;
	s17 =	sshrl.u32 s8, $0x1F;
	v12 =	vsel vm0, s0, v12  }
0x238: {  	s15 =	sshra.s32 s16, $0x1F;
	s18 =	sshrl.u32 s1, $0x1F;
	v9 =	vsel vm1, s23, v9;
	v7 =	vsel vm1, s30, v7;
	s23 =	sshra.s32 s5, $0x1F;
	v10 =	vsel vm1, s17, v10  }
0x239: {  	s30 =	sshra.s32 s16, $0x12;
	s16 =	sshrl.u32 s16, $0x1F;
	v12 =	vsel vm1, s14, v12;
	v9 =	vsel vm2, s21, v9;
	v7 =	vsel vm9, s23, v7;
	s23 =	sshrl.u32 s13, $0x1F  }
0x23a: {  	s5 =	sadd.s32 s12, s10;
	s21 =	smulhi.u32 $0x431BDE83, s28;
	s28 =	sshrl.u32 s3, $0x1F;
	v9 =	vsel vm5, s16, v9;
	v7 =	vsel vm2, s24, v7;
	v11 =	vmov s23  }
0x23b: {  	s11 =	smul.u32 $0x431BDE83, s11;
	s24 =	sshrl.u32 s5, $0x1F;
	s23 =	sshrl.u32 s2, $0x1F;
	v9 =	vsel vm6, s18, v9;
	v7 =	vsel vm14, s6, v7;
	v11 =	vsel vm0, s28, v11  }
0x23c: {  	s3 =	sshra.s32 s3, $0x12;
	s18 =	sshra.s32 s2, $0x12;
	v10 =	vsel vm2, s23, v10;
	v9 =	vsel vm7, s24, v9;
	v7 =	vsel vm5, s30, v7;
	s30 =	sshra.s32 s13, $0x12  }
0x23d: {  	s12 =	sadd.s32 s11, s21;
	s13 =	sshra.s32 s1, $0x12;
	v12 =	vsel vm2, s18, v12;
	v13 =	vmov s30;
	v7 =	vsel vm15, s15, v7;
	s15 =	sshrl.u32 s9, $0x1F  }
0x23e: {  	s17 =	sshra.s32 s9, $0x12;
	s1 =	sshra.s32 s1, $0x1F;
	s28 =	sshrl.u32 s12, $0x1F;
	v7 =	vsel vm6, s13, v7;
	v13 =	vsel vm0, s3, v13;
	v11 =	vsel vm1, s15, v11  }
0x23f: {  	s16 =	sshra.s32 s5, $0x12;
	s24 =	sshra.s32 s12, $0x12;
	v7 =	vsel vm3, s1, v7;
	v13 =	vsel vm1, s17, v13;
	v11 =	vsel vm2, s28, v11  }
0x240: {  	s10 =	sshrl.u32 s29, $0x1F;
	s21 =	sshra.s32 s5, $0x1F;
	v7 =	vsel vm7, s16, v7;
	v13 =	vsel vm2, s24, v13;
	v10 =	vcombine.low v11, v10  }
0x241: {  	v9 =	vsel vm11, s10, v9;
	s30 =	sshra.s32 s29, $0x12;
	v7 =	vsel vm13, s21, v7;
	v12 =	vcombine.low v13, v12  }
0x242: {  	v9 =	vperm.xlane v9, v4;
	v7 =	vsel vm11, s30, v7;
	v10 =	vperm.xlane v10, v3  }
0x243: {  	v7 =	vperm.xlane v7, v4;
	v11 =	vperm.xlane v12, v3;
	_ =	sdelay $0x1  }
0x244: {  	v9 =	vsel vm8, v9, v10;
	v7 =	vsel vm8, v7, v11  }
0x245: {  	v7 =	vadd.s32 v9, v7  }
0x246: {  	s2 =	sadd.s32 s25, s26;
	v9 =	vmul.u32 $0xF4240, v7  }
0x247: {  	v7 =	vmov s2  }
0x248: {  	v7 =	vadd.s32 $0xFFFFFFFF, v7;
	v8 =	vsub.s32 v8, v9  }
0x249: {  	s1 =	simm.s32 $0x10;
	vm9 =	vge.s32 v8, v0;
	vm10 =	vlt.s32 v8, v1;
	v8 =	vsub.s32 v8, v0  }
.LBB2_8:
0x24a: {  	vm9 =	vmand vm9, vm10  }
0x24b: {  	v9 =	vsel vm9, $0x1, v5  }
0x24c: {  	(xrf0) =	vadd.scan.msk.s32 $0xffff, v9;
	_ =	sdelay $0x5  }
0x24d: {  	v7 =	vbroadcast v7, $0x0;
	v9, _, _ =	vpop (xrf0)  }
0x24e: {  	(v2sf) =	vpush v9, $0xF  }
0x24f: {  	v7 =	vadd.s32 v9, v7  }
0x250: {  	vm10 =	vgt.s32 v7, $0x0  }
0x251: {  	s0 =	smov.u32 s1;
	v7 =	vnsel vm10, $0x0, v7  }
0x252: {  	v9 =	vor.u32 s0, v2  }
0x253: {  	v8 =	vshll.u32 v8, $0xE;
	s15 =	sadd.s32 $0x3000, s31  }
0x254: {  	v8 =	vadd.s32 s15, v8  }
0x255: {  	s16 =	simm.s32 $0x1000;
	v8 =	vadd.s32 v2, v8  }
0x256: {  	s17 =	simm.s32 $0x0;
	[tilespmem:v7+s16+$0x0] =	vst.idx.msk vm9, v8  }
0x257: {  	v8 =	vld.idx.msk [tilespmem:v9+s17+$0x0], $0xffff;
	_ =	sdelay $0x4  }
0x258: {  	(v2sf) =	vpush v8, $0x0  }
0x259: {  	s18 =	spop (v2sf);
	(v2sf) =	vpush v8, $0xB  }
0x25a: {  	(v2sf) =	vpush v8, $0x1  }
0x25b: {  	(v2sf) =	vpush v8, $0x2;
	_ =	sdelay $0x1  }
0x25c: {  	(v2sf) =	vpush v8, $0x7;
	_ =	sdelay $0x1  }
0x25d: {  	(v2sf) =	vpush v8, $0x3;
	_ =	sdelay $0x1  }
0x25e: {  	(v2sf) =	vpush v8, $0x4  }
0x25f: {  	(v2sf) =	vpush v8, $0x5;
	_ =	sdelay $0x1  }
0x260: {  	s14 =	sadd.s32 $0x10, s1;
	(v2sf) =	vpush v8, $0xC  }
0x261: {  	[dreg:$0xa] =	wrdreg s14;
	s3 =	smov.u32 s0  }
0x262: {  	[dreg:$0xd] =	wrdreg s3;
	s2 =	sadd.s32 s2, s18  }
0x263: {  	[dreg:$0x7] =	wrdreg s2;
	(v2sf) =	vpush v8, $0xD;
	s21 =	spop (v2sf)  }
0x264: {  	s23 =	smulhi.u32 $0x431BDE83, s21;
	s0 =	sshra.s32 s21, $0x1F;
	s8 =	spop (v2sf)  }
0x265: {  	(v2sf) =	vpush v8, $0xE;
	[smem:$0x7E7] =	sst s0;
	s24 =	spop (v2sf)  }
0x266: {  	s25 =	smulhi.u32 $0x431BDE83, s24;
	s26 =	spop (v2sf)  }
0x267: {  	(v2sf) =	vpush v8, $0x6;
	[dreg:$0x13] =	wrdreg s8;
	s0 =	sshra.s32 s24, $0x1F;
	s4 =	smulhi.u32 $0x431BDE83, s26  }
0x268: {  	p0 =	sne.s32 s1, $0xFF0;
	s5 =	spop (v2sf);
	s0 =	smul.u32 $0x431BDE83, s0  }
0x269: {  	v7 =	vmov s2;
	(v2sf) =	vpush v8, $0x8;
	[dreg:$0x1e] =	wrdreg s23;
	s2 =	sshra.s32 s26, $0x1F;
	s3 =	smulhi.u32 $0x431BDE83, s5  }
0x26a: {  	(v2sf) =	vpush v8, $0x9;
	s5 =	sshra.s32 s5, $0x1F;
	s6 =	spop (v2sf);
	s11 =	smul.u32 $0x431BDE83, s2  }
0x26b: {  	s1 =	rddreg [dreg:$0x1e];
	s7 =	sshra.s32 s6, $0x1F;
	s26 =	smul.u32 $0x431BDE83, s5  }
0x26c: {  	(v2sf) =	vpush v8, $0xF;
	s15 =	spop (v2sf);
	s5 =	sadd.s32 s0, s25;
	s6 =	smulhi.u32 $0x431BDE83, s6  }
0x26d: {  	s9 =	sshra.s32 s15, $0x1F;
	s10 =	spop (v2sf);
	s7 =	smul.u32 $0x431BDE83, s7  }
0x26e: {  	s30 =	sshra.s32 s5, $0x12;
	s12 =	sadd.s32 s11, s4;
	s15 =	smulhi.u32 $0x431BDE83, s15  }
0x26f: {  	s11 =	sshra.s32 s8, $0x1F;
	s28 =	smulhi.u32 $0x431BDE83, s10;
	s13 =	spop (v2sf)  }
0x270: {  	s29 =	sshra.s32 s10, $0x1F;
	[smem:$0x7E8] =	sst s30;
	s25 =	smul.u32 $0x431BDE83, s9  }
0x271: {  	s10 =	sshrl.u32 s5, $0x1F;
	[dreg:$0x10] =	wrdreg s11;
	s2 =	smul.u32 $0x431BDE83, s29  }
0x272: {  	(v2sf) =	vpush v8, $0xA;
	s5 =	sshra.s32 s5, $0x1F;
	s16 =	spop (v2sf);
	s23 =	smulhi.u32 $0x431BDE83, s13  }
0x273: {  	s17 =	sshra.s32 s13, $0x1F;
	[dreg:$0x16] =	wrdreg s28;
	s9 =	smulhi.u32 $0x431BDE83, s16  }
0x274: {  	s18 =	sshra.s32 s16, $0x1F;
	s21 =	spop (v2sf);
	s17 =	smul.u32 $0x431BDE83, s17  }
0x275: {  	s6 =	sadd.s32 s7, s6;
	[dreg:$0x19] =	wrdreg s2;
	s18 =	smul.u32 $0x431BDE83, s18  }
0x276: {  	s14 =	spop (v2sf);
	s2 =	sshra.s32 s21, $0x1F;
	s21 =	smulhi.u32 $0x431BDE83, s21  }
0x277: {  	s7 =	sshrl.u32 s6, $0x1F;
	s15 =	sadd.s32 s25, s15;
	s24 =	smulhi.u32 $0x431BDE83, s14  }
0x278: {  	s11 =	spop (v2sf);
	s13 =	sshra.s32 s14, $0x1F;
	s23 =	sadd.s32 s17, s23  }
0x279: {  	s2 =	smul.u32 $0x431BDE83, s2;
	s30 =	spop (v2sf);
	s4 =	sadd.s32 s18, s9  }
0x27a: {  	s8 =	sshrl.u32 s23, $0x1F;
	[dreg:$0x1f] =	wrdreg s24;
	s18 =	smulhi.u32 $0x431BDE83, s30  }
0x27b: {  	s24 =	sshra.s32 s11, $0x1F;
	s28 =	spop (v2sf);
	s11 =	smulhi.u32 $0x431BDE83, s11  }
0x27c: {  	s31 =	sshra.s32 s30, $0x1F;
	s29 =	sshra.s32 s28, $0x1F;
	s28 =	smulhi.u32 $0x431BDE83, s28  }
0x27d: {  	s30 =	sadd.s32 s26, s3;
	s26 =	sld [smem:$0x7E7];
	s31 =	smul.u32 $0x431BDE83, s31  }
0x27e: {  	s9 =	sshra.s32 s6, $0x12;
	s6 =	sshra.s32 s6, $0x1F;
	s24 =	smul.u32 $0x431BDE83, s24  }
0x27f: {  	s17 =	sshra.s32 s4, $0x12;
	s4 =	sshrl.u32 s4, $0x1F;
	s25 =	smul.u32 $0x431BDE83, s29  }
0x280: {  	s2 =	sadd.s32 s2, s21;
	s21 =	sld [smem:$0x7E8];
	s0 =	smul.u32 $0x431BDE83, s26  }
0x281: {  	s29 =	sshrl.u32 s12, $0x1F;
	s16 =	spop (v2sf);
	s26 =	sshra.s32 s30, $0x1F  }
0x282: {  	v11 =	vmov s8;
	s8 =	sadd.s32 s24, s11;
	s24 =	smul.u32 $0x431BDE83, s13;
	s3 =	sadd.s32 s0, s1  }
0x283: {  	s14 =	sshra.s32 s16, $0x1F;
	s16 =	smulhi.u32 $0x431BDE83, s16;
	s0 =	sshrl.u32 s3, $0x1F  }
0x284: {  	v10 =	vmov s26;
	s26 =	sshra.s32 s15, $0x12;
	s1 =	sshra.s32 s12, $0x1F;
	v9 =	vmov s0;
	s0 =	sshra.s32 s3, $0x12  }
0x285: {  	s12 =	sshra.s32 s12, $0x12;
	v9 =	vnsel vm4, $0x0, v9;
	v10 =	vsel vm4, s0, v10;
	s0 =	sshra.s32 s3, $0x1F;
	s3 =	sshra.s32 s15, $0x1F  }
0x286: {  	vm9 =	vcmask $0xF0C;
	v9 =	vsel vm0, s10, v9;
	s10 =	sadd.s32 s31, s18;
	v10 =	vsel vm12, s0, v10;
	s18 =	smul.u32 $0x431BDE83, s14;
	s14 =	rddreg [dreg:$0x16]  }
0x287: {  	v11 =	vsel vm0, s4, v11;
	v9 =	vsel vm1, s29, v9;
	v10 =	vsel vm0, s21, v10;
	s4 =	sshrl.u32 s10, $0x1F;
	s29 =	sshrl.u32 s2, $0x1F;
	s21 =	rddreg [dreg:$0x1f]  }
0x288: {  	v9 =	vsel vm2, s7, v9;
	s7 =	sshra.s32 s10, $0x12;
	v10 =	vsel vm9, s5, v10;
	s0 =	sadd.s32 s18, s16;
	s16 =	rddreg [dreg:$0x19]  }
0x289: {  	s18 =	sshrl.u32 s15, $0x1F;
	s10 =	sadd.s32 s24, s21;
	vm9 =	vcmask $0x1714;
	s11 =	sadd.s32 s16, s14;
	v10 =	vsel vm1, s12, v10  }
0x28a: {  	s15 =	rddreg [dreg:$0x10];
	v9 =	vsel vm5, s18, v9;
	v10 =	vsel vm9, s1, v10;
	s1 =	sadd.s32 s25, s28;
	s24 =	sshrl.u32 s11, $0x1F  }
0x28b: {  	v11 =	vsel vm1, s29, v11;
	s25 =	sshra.s32 s23, $0x12;
	s28 =	sshrl.u32 s8, $0x1F;
	v10 =	vsel vm2, s9, v10;
	v9 =	vsel vm6, s24, v9;
	s9 =	rddreg [dreg:$0x13]  }
0x28c: {  	s29 =	sshrl.u32 s10, $0x1F;
	s8 =	sshra.s32 s8, $0x12;
	v12 =	vmov s28;
	v13 =	vmov s25;
	v10 =	vsel vm14, s6, v10;
	s6 =	smulhi.u32 $0x431BDE83, s9  }
0x28d: {  	s2 =	sshra.s32 s2, $0x12;
	v14 =	vmov s8;
	v9 =	vsel vm7, s29, v9;
	s9 =	smul.u32 $0x431BDE83, s15;
	v12 =	vsel vm0, s4, v12  }
0x28e: {  	s12 =	sshra.s32 s0, $0x12;
	s0 =	sshrl.u32 s0, $0x1F;
	s18 =	sshrl.u32 s1, $0x1F;
	v13 =	vsel vm0, s17, v13;
	v14 =	vsel vm0, s7, v14;
	v10 =	vsel vm5, s26, v10  }
0x28f: {  	s14 =	sshrl.u32 s30, $0x1F;
	s16 =	sshra.s32 s11, $0x12;
	v11 =	vsel vm2, s18, v11;
	v12 =	vsel vm1, s0, v12;
	v10 =	vsel vm15, s3, v10;
	s23 =	sadd.s32 s9, s6  }
0x290: {  	s21 =	sshra.s32 s11, $0x1F;
	s25 =	sshra.s32 s1, $0x12;
	v13 =	vsel vm1, s2, v13;
	v14 =	vsel vm1, s12, v14;
	v10 =	vsel vm6, s16, v10;
	s26 =	sshra.s32 s23, $0x12  }
0x291: {  	s24 =	sshra.s32 s10, $0x12;
	s29 =	sshra.s32 s30, $0x12;
	v13 =	vsel vm2, s25, v13;
	s30 =	sshrl.u32 s23, $0x1F;
	v10 =	vsel vm3, s21, v10;
	v14 =	vsel vm2, s26, v14  }
0x292: {  	s28 =	sshra.s32 s10, $0x1F;
	v12 =	vsel vm2, s30, v12;
	v10 =	vsel vm7, s24, v10;
	v13 =	vcombine.low v14, v13  }
0x293: {  	v9 =	vsel vm11, s14, v9;
	v11 =	vcombine.low v12, v11;
	v10 =	vsel vm13, s28, v10  }
0x294: {  	v9 =	vperm.xlane v9, v4;
	v10 =	vsel vm11, s29, v10;
	v63 =	vperm.xlane v13, v3  }
0x295: {  	v11 =	vperm.xlane v11, v3;
	v10 =	vperm.xlane v10, v4;
	_ =	sdelay $0x1  }
0x296: {  	v9 =	vsel vm8, v9, v11;
	v10 =	vsel vm8, v10, v63  }
.Ltmp5:
0x297: {  	v9 =	vadd.s32 v9, v10;
	(pc) =	sbr.rel @p0 .LBB2_8-.Ltmp5, $4  }
0x298: {  	v9 =	vmul.u32 $0xF4240, v9  }
0x299: {  	s31 =	rddreg [dreg:$0xd]  }
0x29a: {  	v7 =	vadd.s32 $0xFFFFFFFF, v7;
	s1 =	rddreg [dreg:$0xa];
	v8 =	vsub.s32 v8, v9  }
0x29b: {  	s2 =	rddreg [dreg:$0x7];
	vm9 =	vge.s32 v8, v0;
	vm10 =	vlt.s32 v8, v1;
	v8 =	vsub.s32 v8, v0  }
0x29c: {  	vm9 =	vmand vm9, vm10  }
0x29d: {  	v9 =	vsel vm9, $0x1, v5  }
0x29e: {  	(xrf0) =	vadd.scan.msk.s32 $0xffff, v9;
	_ =	sdelay $0x5  }
0x29f: {  	v9, _, _ =	vpop (xrf0)  }
0x2a0: {  	(v2sf) =	vpush v9, $0xF;
	_ =	sdelay $0x3  }
0x2a1: {  	v7 =	vbroadcast v7, $0x0;
	_ =	sdelay $0x1  }
0x2a2: {  	v7 =	vadd.s32 v9, v7  }
0x2a3: {  	vm10 =	vgt.s32 v7, $0x0  }
0x2a4: {  	v7 =	vnsel vm10, $0x0, v7;
	_ =	sdelay $0x1  }
0x2a5: {  	s28 =	sadd.s32 $0x3000, s31;
	v8 =	vshll.u32 v8, $0xE  }
0x2a6: {  	s10 =	sld [smem:$0x7FB];
	v8 =	vadd.s32 s28, v8  }
0x2a7: {  	s31 =	simm.s32 $0x1000;
	v8 =	vadd.s32 v2, v8  }
0x2a8: {  	s17 =	simm.s32 $0x7A1400;
	s5 =	rddreg [dreg:$0x1];
	[tilespmem:v7+s31+$0x0] =	vst.idx.msk vm9, v8  }
0x2a9: {  	[tilespmem:s19], [sflag:$0x1] =	stream.strided.gather [hbm4b:s10+s31], $0x8000, s17, s31, $0x38;
	[tilespmem:$0x19800] =	vst v63  }
0x2aa: {  	s6 =	rddreg [dreg:$0x2];
	s0 =	spop (v2sf)  }
0x2ab: {  	s7 =	sld [smem:$0x7FA];
	s0 =	sadd.s32 s2, s0  }
0x2ac: {  	s25 =	simm.s32 $0x0;
	s9 =	rddreg [dreg:$0x3];
	s1 =	sadd.s32 $0xF, s0  }
0x2ad: {  	s15 =	simm.s32 $0x0;
	s11 =	sld [smem:$0x7FC];
	s3 =	sand.u32 $0xF, s1  }
0x2ae: {  	v8 =	vld [tilespmem:$0x1FFF0];
	s29 =	sshra.s32 s1, $0x1F;
	p1 =	slt.s32 s1, $0x1;
	p0 =	sne.s32 s3, $0x0  }
.Ltmp6:
0x2af: {  	s30 =	sshrl.u32 s29, $0x1C;
	p0 =	por !p1, !p0;
	(pc) =	sbr.rel .LBB2_10-.Ltmp6, $4  }
0x2b0: {  	s2 =	simm.s32 $0x1;
	s1 =	sadd.s32 s30, s1;
	p0 =	por !p0, !p0  }
0x2b1: {  	s12 =	sld [smem:$0x7FD];
	s1 =	sshra.s32 s1, $0x4;
	s2 =	simm.s32 @!p0 $0x0  }
0x2b2: {  	vm7 =	vcmask $0x1714;
	s13 =	simm.s32 $0x3;
	s16 =	simm.s32 $0x1000;
	s24 =	ssub.s32 s1, s2  }
0x2b3: {  	s14 =	simm.s32 $0x1;
	s18 =	simm.s32 $0x15800;
	vm12 =	vcmask $0xF0C;
	vm11 =	vnez.u8 v8;
	v7 =	vmov s0;
	p0 =	slt.s32 s24, $0x1  }
.LBB2_40:
0x2b4: {  	s25 =	sadd.s32 $0x1, s25  }
0x2b5: {  	p1 =	sne.s32 s25, s11  }
.Ltmp7:
0x2b6: {  	_ = 	snop;
	(pc) =	sbr.rel @!p1 .LBB2_41-.Ltmp7, $1  }
0x2b7: {  	_ =	sdelay $0x3  }
.LBB2_10:
0x2b8: {  	s28 =	sshllo.u32 s25, $0x1  }
0x2b9: {  	p1 =	sge.u32 s28, s7  }
0x2ba: {  	p2 =	sgt.u32 @!p1 s25, $0x1E  }
0x2bb: {  	p2 =	por p1, p2  }
.Ltmp8:
0x2bc: {  	_ = 	snop;
	(pc) =	sbr.rel @p2 .LBB2_12-.Ltmp8, $2  }
0x2bd: {  	_ =	sdelay $0x2  }
0x2be: {  	s26 =	sshll.u32 s28, $0x9  }
.Ltmp9:
0x2bf: {  	(pc) =	sbr.rel .LBB2_13-.Ltmp9, $3  }
0x2c0: {  	_ =	sdelay $0x1  }
0x2c1: {  	s0 =	sadd.s32 s26, s10  }
0x2c2: {  	[tilespmem:s20], [sflag:$0x2] =	stream.strided.gather [hbm4b:s0+s16], $0x8000, s17, s16, $0x38;
	[tilespmem:$0x19800] =	vst v63  }
.LBB2_12:
0x2c3: {  	p2 =	slt.u32 s25, $0x1F  }
0x2c4: {  	p3 =	sge.u32 @!p2 s28, s7  }
0x2c5: {  	p2 =	por p3, p2  }
0x2c6: {  	s0 =	simm.s32 @!p2 $0x0;
	s1 =	simm.s32 @!p2 $0xD000  }
0x2c7: {  	[tilespmem:s1], [sflag:$0x2] =	stream.linear.gather @!p2 [hbm4b:s6+s0], $0x8000, $0x38;
	[tilespmem:$0x19800] =	vst v63  }
.LBB2_13:
.Ltmp10:
0x2c8: {  	(pc) =	sbr.rel @p0 .LBB2_14-.Ltmp10, $4  }
0x2c9: {  	_ = 	snop  }
0x2ca: {  	_ =	swait.ge [sflag:s14], $0x8000  }
0x2cb: {  	[sflag:s14] =	ssyncset.done $0x0  }
0x2cc: {  	s29 =	sshll.u32 s25, $0x1;
	[sflag:s14] =	ssyncadd.s32 $0xFFFF8000  }
0x2cd: {  	p3 =	sne.s32 s24, $0x1  }
.Ltmp11:
0x2ce: {  	_ = 	snop;
	(pc) =	sbr.rel @!p3 .LBB2_19-.Ltmp11, $4  }
0x2cf: {  	_ = 	snop  }
0x2d0: {  	s0 =	sshll.u32 s25, $0xA;
	p2 =	slt.u32 s29, s7  }
0x2d1: {  	vm9 =	vmxor vm9, vm9;
	s30 =	simm.s32 $0x0;
	s1 =	sadd.s32 $0xFFFFFFFF, s24;
	s2 =	sor.u32 $0x200, s0  }
0x2d2: {  	s31 =	simm.s32 $0x0;
	v8 =	vmov s0;
	vm9 =	vmneg @p2 vm9;
	p2 =	por $0x0, $0x0;
	s0 =	simm.s32 $0x0;
	v9 =	vmov s2  }
0x2d3: {  	v12 =	vor.u32 s30, v2  }
0x2d4: {  	vm10 =	vlt.s32 v12, $0x3FFF  }
0x2d5: {  	v10 =	vnsel vm10, $0x3FFF, v12;
	_ =	sdelay $0x4  }
0x2d6: {  	v10 =	vld.idx.msk [tilespmem:v10+s16+$0x0], $0xffff;
	_ =	sdelay $0x4  }
0x2d7: {  	v11 =	vshra.s32 v10, $0x1F;
	v13 =	vand.u32 $0x3FFF, v10  }
0x2d8: {  	vm10 =	vlt.s32 v10, $0x1;
	v11 =	vshrl.u32 v11, $0x12;
	vm11 =	vne.s32 v13, $0x0  }
0x2d9: {  	v11 =	vadd.s32 v11, v10;
	vm10 =	vmand vm10, vm11  }
0x2da: {  	v11 =	vshra.s32 v11, $0xE;
	v13 =	vsel vm10, $0xFFFFFFFF, v5  }
0x2db: {  	p3 =	sne.s32 s1, $0x1;
	v11 =	vadd.s32 v13, v11  }
.Ltmp12:
0x2dc: {  	vm10 =	vlt.s32 v12, v7;
	vm11 =	vlt.s32 v11, v9;
	(pc) =	sbr.rel @!p3 .LBB2_17-.Ltmp12, $4  }
0x2dd: {  	vm12 =	vge.s32 v11, v8;
	vm10 =	vmand vm10, vm11  }
0x2de: {  	vm10 =	vmand vm10, vm12  }
0x2df: {  	s1 =	sadd.s32 $0xFFFFFFFF, s1;
	vm10 =	vmand vm9, vm10  }
0x2e0: {  	p2 =	por $0x1, $0x1;
	s31 =	simm.s32 $0x0;
	s0 =	simm.s32 $0x0;
	v12 =	vsel vm10, $0x1, v5  }
.LBB2_18:
0x2e1: {  	p3 =	sne.s32 s1, $0x1;
	(xrf0) =	vadd.scan.msk.s32 $0xffff, v12;
	_ =	sdelay $0x2  }
0x2e2: {  	v12 =	vmov s31  }
0x2e3: {  	v12 =	vadd.s32 $0xFFFFFFFF, v12  }
0x2e4: {  	v12 =	vbroadcast v12, $0x0  }
0x2e5: {  	v13, _, _ =	vpop (xrf0)  }
0x2e6: {  	s0 =	sadd.s32 $0x10, s0;
	v12 =	vadd.s32 v13, v12;
	(v2sf) =	vpush v13, $0xF  }
0x2e7: {  	v13 =	vor.u32 s0, v2;
	vm11 =	vgt.s32 v12, $0x0  }
0x2e8: {  	vm12 =	vlt.s32 v13, $0x3FFF;
	v12 =	vnsel vm11, $0x0, v12  }
0x2e9: {  	v14 =	vnsel vm12, $0x3FFF, v13  }
0x2ea: {  	v15 =	vshll.u32 v11, $0xE;
	v11 =	vsub.s32 v11, v8  }
0x2eb: {  	v10 =	vsub.s32 v10, v15;
	v11 =	vshll.u32 v11, $0xE  }
0x2ec: {  	v10 =	vadd.s32 v11, v10  }
0x2ed: {  	[tilespmem:v12+s18+$0x0] =	vst.idx.msk vm10, v10  }
0x2ee: {  	v10 =	vld.idx.msk [tilespmem:v14+s16+$0x0], $0xffff;
	_ =	sdelay $0x5  }
0x2ef: {  	v11 =	vshra.s32 v10, $0x1F;
	v12 =	vand.u32 $0x3FFF, v10  }
0x2f0: {  	vm10 =	vlt.s32 v10, $0x1;
	v11 =	vshrl.u32 v11, $0x12;
	vm11 =	vne.s32 v12, $0x0;
	s2 =	spop (v2sf)  }
0x2f1: {  	v11 =	vadd.s32 v11, v10;
	vm10 =	vmand vm10, vm11;
	s31 =	sadd.s32 s31, s2  }
0x2f2: {  	v11 =	vshra.s32 v11, $0xE;
	v12 =	vsel vm10, $0xFFFFFFFF, v5  }
0x2f3: {  	v11 =	vadd.s32 v12, v11  }
.Ltmp13:
0x2f4: {  	vm10 =	vlt.s32 v13, v7;
	vm11 =	vlt.s32 v11, v9;
	(pc) =	sbr.rel @p3 .LBB2_18-.Ltmp13, $4  }
0x2f5: {  	vm12 =	vge.s32 v11, v8;
	vm10 =	vmand vm10, vm11  }
0x2f6: {  	vm10 =	vmand vm10, vm12  }
0x2f7: {  	vm10 =	vmand vm9, vm10  }
0x2f8: {  	s1 =	sadd.s32 $0xFFFFFFFF, s1;
	v12 =	vsel vm10, $0x1, v5  }
.LBB2_19:
0x2f9: {  	(xrf0) =	vadd.scan.msk.s32 @p2 $0xffff, v12;
	_ =	sdelay $0x2  }
0x2fa: {  	v12 =	vmov @p2 s31  }
0x2fb: {  	v12 =	vadd.s32 @p2 $0xFFFFFFFF, v12  }
0x2fc: {  	v12 =	vbroadcast @p2 v12, $0x0  }
0x2fd: {  	s0 =	sadd.s32 @p2 $0x10, s0;
	s1 =	simm.s32 $0x0;
	v13, _, _ =	vpop @p2 (xrf0)  }
0x2fe: {  	s1 =	smov.u32 @p2 s0;
	v12 =	vadd.s32 @p2 v13, v12  }
0x2ff: {  	v14 =	vor.u32 s1, v2;
	vm11 =	vgt.s32 @p2 v12, $0x0  }
0x300: {  	vm12 =	vlt.s32 v14, $0x3FFF;
	v12 =	vnsel @p2 vm11, $0x0, v12  }
0x301: {  	v15 =	vnsel vm12, $0x3FFF, v14  }
0x302: {  	v16 =	vshll.u32 @p2 v11, $0xE;
	v11 =	vsub.s32 @p2 v11, v8  }
0x303: {  	v10 =	vsub.s32 @p2 v10, v16;
	v11 =	vshll.u32 @p2 v11, $0xE  }
0x304: {  	v10 =	vadd.s32 @p2 v11, v10  }
0x305: {  	[tilespmem:v12+s18+$0x0] =	vst.idx.msk @p2 vm10, v10  }
0x306: {  	v10 =	vld.idx.msk [tilespmem:v15+s16+$0x0], $0xffff;
	_ =	sdelay $0x3  }
0x307: {  	(v2sf) =	vpush @p2 v13, $0xF  }
0x308: {  	v58 =	vshra.s32 v10, $0x1F;
	v59 =	vand.u32 $0x3FFF, v10  }
0x309: {  	vm10 =	vlt.s32 v10, $0x1;
	v11 =	vshrl.u32 v58, $0x12;
	vm11 =	vne.s32 v59, $0x0  }
0x30a: {  	v11 =	vadd.s32 v11, v10;
	vm10 =	vmand vm10, vm11  }
0x30b: {  	v11 =	vshra.s32 v11, $0xE;
	v60 =	vsel vm10, $0xFFFFFFFF, v5  }
0x30c: {  	v11 =	vadd.s32 v60, v11  }
0x30d: {  	vm10 =	vlt.s32 v14, v7;
	vm11 =	vlt.s32 v11, v9  }
0x30e: {  	vm12 =	vge.s32 v11, v8;
	vm10 =	vmand vm10, vm11  }
0x30f: {  	vm10 =	vmand vm10, vm12  }
0x310: {  	vm9 =	vmand vm9, vm10  }
0x311: {  	v61 =	vsel vm9, $0x1, v5  }
0x312: {  	(xrf0) =	vadd.scan.msk.s32 $0xffff, v61;
	_ =	sdelay $0x3  }
0x313: {  	s0 =	spop @p2 (v2sf)  }
0x314: {  	s0 =	sadd.s32 @p2 s31, s0  }
0x315: {  	s30 =	smov.u32 @p2 s0;
	v9, _, _ =	vpop (xrf0)  }
0x316: {  	v62 =	vmov s30;
	(v2sf) =	vpush v9, $0xF  }
0x317: {  	v12 =	vadd.s32 $0xFFFFFFFF, v62  }
0x318: {  	v12 =	vbroadcast v12, $0x0;
	_ =	sdelay $0x1  }
0x319: {  	v9 =	vadd.s32 v9, v12  }
0x31a: {  	vm10 =	vgt.s32 v9, $0x0  }
0x31b: {  	v9 =	vnsel vm10, $0x0, v9;
	_ =	sdelay $0x1  }
0x31c: {  	v63 =	vshll.u32 v11, $0xE;
	v8 =	vsub.s32 v11, v8  }
0x31d: {  	v10 =	vsub.s32 v10, v63;
	v8 =	vshll.u32 v8, $0xE  }
0x31e: {  	v8 =	vadd.s32 v8, v10  }
0x31f: {  	[tilespmem:v9+s18+$0x0] =	vst.idx.msk vm9, v8;
	v8 =	vld [tilespmem:$0x1FFF0]  }
.Ltmp14:
0x320: {  	_ = 	snop;
	(pc) =	sbr.rel .LBB2_20-.Ltmp14, $3  }
0x321: {  	_ =	sdelay $0x1  }
0x322: {  	s31 =	spop (v2sf)  }
0x323: {  	vm12 =	vcmask $0xF0C;
	vm11 =	vnez.u8 v8;
	s1 =	sadd.s32 s30, s31  }
.LBB2_14:
0x324: {  	s1 =	simm.s32 $0x0  }
.LBB2_20:
0x325: {  	s0 =	sadd.s32 $0xF, s1  }
0x326: {  	s2 =	sand.u32 $0xF, s0  }
0x327: {  	s3 =	sshra.s32 s0, $0x1F;
	p2 =	slt.s32 s0, $0x1;
	p3 =	sne.s32 s2, $0x0  }
0x328: {  	s31 =	sshrl.u32 s3, $0x1C;
	p2 =	por !p2, !p3  }
0x329: {  	s2 =	simm.s32 $0x1;
	s0 =	sadd.s32 s31, s0;
	p2 =	por !p2, !p2  }
0x32a: {  	s0 =	sshra.s32 s0, $0x4;
	s2 =	simm.s32 @!p2 $0x0  }
0x32b: {  	s0 =	ssub.s32 s0, s2  }
0x32c: {  	p2 =	slt.s32 s0, $0x1  }
.Ltmp15:
0x32d: {  	_ = 	snop;
	(pc) =	sbr.rel @p2 .LBB2_25-.Ltmp15, $1  }
0x32e: {  	_ =	sdelay $0x3  }
0x32f: {  	s1 =	sadd.s32 $0xFFFFFFFF, s1  }
0x330: {  	p2 =	sgt.s32 s1, $0x0  }
0x331: {  	s1 =	simm.s32 @!p2 $0x0  }
0x332: {  	s4 =	simm.s32 $0x0;
	v8 =	vmov s1;
	s1 =	simm.s32 $0x0  }
.LBB2_22:
0x333: {  	s2 =	sshll.u32 s4, $0x4  }
0x334: {  	v9 =	vor.u32 s2, v2  }
0x335: {  	vm9 =	vlt.s32 v9, v8  }
0x336: {  	v9 =	vsel vm9, v9, v8;
	_ =	sdelay $0x4  }
0x337: {  	v9 =	vld.idx.msk [tilespmem:v9+s18+$0x0], $0xffff;
	_ =	sdelay $0x4  }
0x338: {  	v10 =	vshra.s32 v9, $0x1F;
	v11 =	vand.u32 $0x3FFF, v9  }
0x339: {  	vm9 =	vlt.s32 v9, $0x1;
	v10 =	vshrl.u32 v10, $0x12;
	vm10 =	vne.s32 v11, $0x0  }
0x33a: {  	v10 =	vadd.s32 v10, v9;
	vm9 =	vmand vm9, vm10  }
0x33b: {  	v10 =	vshra.s32 v10, $0xE;
	v11 =	vsel vm9, $0xFFFFFFFF, v5  }
0x33c: {  	v10 =	vadd.s32 v11, v10;
	v11 =	vmov s1  }
0x33d: {  	v12 =	vshll.u32 v10, $0x3;
	v13 =	vshll.u32 v11, $0x9  }
0x33e: {  	v11 =	vshll.u32 v11, $0x7;
	v12 =	vand.u32 $0xFFFFFC00, v12;
	v13 =	vand.u32 $0x7000, v13  }
0x33f: {  	v14 =	vand.u32 $0x380, v11;
	v13 =	vadd.s32 v12, v13  }
0x340: {  	v11 =	vand.u32 $0x7F, v10;
	v13 =	vor.u32 v14, v13  }
0x341: {  	s2 =	simm.s32 $0x1;
	v13 =	vor.u32 v11, v13  }
0x342: {  	v14 =	vmov s2  }
0x343: {  	v15 =	vshll.u32 v14, $0x9  }
0x344: {  	v14 =	vshll.u32 v14, $0x7;
	v15 =	vand.u32 $0x7000, v15  }
0x345: {  	v14 =	vand.u32 $0x380, v14;
	v15 =	vadd.s32 v12, v15  }
0x346: {  	v14 =	vor.u32 v14, v15;
	v15 =	vor.u32 s1, v6;
	v13 =	vld.idx.msk [tilespmem:v13+s19+$0x0], $0xffff  }
0x347: {  	v14 =	vor.u32 v11, v14  }
0x348: {  	s3 =	simm.s32 $0x2  }
0x349: {  	s8 =	simm.s32 $0x3;
	v16 =	vmov s3  }
.LBB2_23:
0x34a: {  	p2 =	sne.s32 s8, $0x3F;
	v17 =	vshll.u32 v16, $0x9  }
0x34b: {  	v16 =	vshll.u32 v16, $0x7;
	v17 =	vand.u32 $0x7000, v17;
	[tilespmem:v15+s22+$0x0] =	vst.idx.msk $0xffff, v13  }
.Ltmp16:
0x34c: {  	v16 =	vand.u32 $0x380, v16;
	v15 =	vadd.s32 v12, v17;
	v13 =	vld.idx.msk [tilespmem:v14+s19+$0x0], $0xffff;
	(pc) =	sbr.rel @p2 .LBB2_23-.Ltmp16, $3  }
0x34d: {  	v14 =	vor.u32 v16, v15;
	v15 =	vor.u32 s2, v6;
	s2 =	smov.u32 s3;
	s3 =	smov.u32 s8  }
0x34e: {  	v14 =	vor.u32 v11, v14;
	_ =	sdelay $0x1  }
0x34f: {  	s8 =	sadd.s32 $0x1, s8;
	v16 =	vmov s3  }
0x350: {  	_ =	sdelay $0x1  }
0x351: {  	v17 =	vshll.u32 v16, $0x9  }
0x352: {  	v60 =	vshll.u32 v16, $0x7;
	v17 =	vand.u32 $0x7000, v17  }
0x353: {  	[tilespmem:v15+s22+$0x0] =	vst.idx.msk $0xffff, v13;
	v61 =	vand.u32 $0x380, v60;
	v12 =	vadd.s32 v12, v17  }
0x354: {  	v62 =	vor.u32 s2, v6;
	v14 =	vld.idx.msk [tilespmem:v14+s19+$0x0], $0xffff;
	v12 =	vor.u32 v61, v12  }
0x355: {  	v11 =	vor.u32 v11, v12;
	_ =	sdelay $0x3  }
0x356: {  	[tilespmem:v62+s22+$0x0] =	vst.idx.msk $0xffff, v14  }
0x357: {  	v63 =	vor.u32 s3, v6;
	v10 =	vshll.u32 v10, $0xE;
	v11 =	vld.idx.msk [tilespmem:v11+s19+$0x0], $0xffff  }
0x358: {  	v9 =	vsub.s32 v9, v10;
	_ =	sdelay $0x1  }
0x359: {  	s4 =	sadd.s32 $0x1, s4  }
0x35a: {  	p2 =	sne.s32 s4, s0  }
.Ltmp17:
0x35b: {  	[tilespmem:v63+s22+$0x0] =	vst.idx.msk $0xffff, v11;
	(pc) =	sbr.rel @p2 .LBB2_22-.Ltmp17, $4  }
0x35c: {  	[hbm4b:s9+s15] =	stream.indirect_vreg.scatter [tilespmem:s22], [sflag:$0x3], $0x80, v9, vm11, $0xb8;
	[tilespmem:$0x19800] =	vst v63  }
0x35d: {  	_ =	swait.ge [sflag:s13], $0x800  }
0x35e: {  	[sflag:s13] =	ssyncset.done $0x0  }
0x35f: {  	[sflag:s13] =	ssyncadd.s32 $0xFFFFF800  }
.LBB2_25:
0x360: {  	s0 =	sadd.s32 $0x2, s29  }
0x361: {  	p2 =	sge.u32 s0, s7  }
0x362: {  	p3 =	sgt.u32 @!p2 s25, $0x1D  }
0x363: {  	p3 =	por p2, p3  }
.Ltmp18:
0x364: {  	_ = 	snop;
	(pc) =	sbr.rel @p3 .LBB2_27-.Ltmp18, $1  }
0x365: {  	_ =	sdelay $0x3  }
.Ltmp19:
0x366: {  	s0 =	sshll.u32 s0, $0xC;
	(pc) =	sbr.rel .LBB2_28-.Ltmp19, $4  }
0x367: {  	s0 =	sadd.s32 s12, s0  }
0x368: {  	s0 =	sshrl.u32 s0, $0x3  }
0x369: {  	s0 =	sadd.s32 s5, s0  }
0x36a: {  	[tilespmem:s19], [sflag:$0x1] =	stream.strided.gather [hbm4b:s0+s16], $0x8000, s17, s16, $0x38;
	[tilespmem:$0x19800] =	vst v63  }
.LBB2_27:
0x36b: {  	p3 =	slt.u32 @!p2 s25, $0x1E  }
0x36c: {  	p2 =	por p3, p2  }
0x36d: {  	s0 =	simm.s32 @!p2 $0x0;
	s1 =	simm.s32 @!p2 $0x5000  }
0x36e: {  	[tilespmem:s1], [sflag:$0x1] =	stream.linear.gather @!p2 [hbm4b:s6+s0], $0x8000, $0x38;
	[tilespmem:$0x19800] =	vst v63  }
.LBB2_28:
.Ltmp20:
0x36f: {  	(pc) =	sbr.rel @p0 .LBB2_29-.Ltmp20, $4  }
0x370: {  	s0 =	simm.s32 @!p1 $0x2  }
0x371: {  	_ =	swait.ge @!p1 [sflag:s0], $0x8000  }
0x372: {  	[sflag:s0] =	ssyncset.done @!p1 $0x0  }
0x373: {  	[sflag:s0] =	ssyncadd.s32 @!p1 $0xFFFF8000  }
0x374: {  	p2 =	sne.s32 s24, $0x1  }
.Ltmp21:
0x375: {  	_ = 	snop;
	(pc) =	sbr.rel @!p2 .LBB2_34-.Ltmp21, $4  }
0x376: {  	_ = 	snop  }
0x377: {  	p1 =	slt.u32 s28, s7  }
0x378: {  	s0 =	sadd.s32 $0x200, s26;
	vm9 =	vmxor vm9, vm9;
	s28 =	simm.s32 $0x0;
	s1 =	sadd.s32 $0xFFFFFFFF, s24  }
0x379: {  	v8 =	vmov s26;
	s26 =	simm.s32 $0x0;
	v9 =	vmov s0;
	vm9 =	vmneg @p1 vm9;
	p1 =	por $0x0, $0x0;
	s0 =	simm.s32 $0x0  }
0x37a: {  	v12 =	vor.u32 s28, v2  }
0x37b: {  	vm10 =	vlt.s32 v12, $0x3FFF  }
0x37c: {  	v10 =	vnsel vm10, $0x3FFF, v12;
	_ =	sdelay $0x4  }
0x37d: {  	v10 =	vld.idx.msk [tilespmem:v10+s16+$0x0], $0xffff;
	_ =	sdelay $0x4  }
0x37e: {  	v11 =	vshra.s32 v10, $0x1F;
	v13 =	vand.u32 $0x3FFF, v10  }
0x37f: {  	vm10 =	vlt.s32 v10, $0x1;
	v11 =	vshrl.u32 v11, $0x12;
	vm11 =	vne.s32 v13, $0x0  }
0x380: {  	v11 =	vadd.s32 v11, v10;
	vm10 =	vmand vm10, vm11  }
0x381: {  	v11 =	vshra.s32 v11, $0xE;
	v13 =	vsel vm10, $0xFFFFFFFF, v5  }
0x382: {  	p2 =	sne.s32 s1, $0x1;
	v11 =	vadd.s32 v13, v11  }
.Ltmp22:
0x383: {  	vm10 =	vlt.s32 v12, v7;
	vm11 =	vlt.s32 v11, v9;
	(pc) =	sbr.rel @!p2 .LBB2_32-.Ltmp22, $4  }
0x384: {  	vm12 =	vge.s32 v11, v8;
	vm10 =	vmand vm10, vm11  }
0x385: {  	vm10 =	vmand vm10, vm12  }
0x386: {  	s1 =	sadd.s32 $0xFFFFFFFF, s1;
	vm10 =	vmand vm9, vm10  }
0x387: {  	p1 =	por $0x1, $0x1;
	s26 =	simm.s32 $0x0;
	s0 =	simm.s32 $0x0;
	v12 =	vsel vm10, $0x1, v5  }
.LBB2_33:
0x388: {  	p2 =	sne.s32 s1, $0x1;
	(xrf0) =	vadd.scan.msk.s32 $0xffff, v12;
	_ =	sdelay $0x2  }
0x389: {  	v12 =	vmov s26  }
0x38a: {  	v12 =	vadd.s32 $0xFFFFFFFF, v12  }
0x38b: {  	v12 =	vbroadcast v12, $0x0  }
0x38c: {  	v13, _, _ =	vpop (xrf0)  }
0x38d: {  	s0 =	sadd.s32 $0x10, s0;
	v12 =	vadd.s32 v13, v12;
	(v2sf) =	vpush v13, $0xF  }
0x38e: {  	v13 =	vor.u32 s0, v2;
	vm11 =	vgt.s32 v12, $0x0  }
0x38f: {  	vm12 =	vlt.s32 v13, $0x3FFF;
	v12 =	vnsel vm11, $0x0, v12  }
0x390: {  	v14 =	vnsel vm12, $0x3FFF, v13  }
0x391: {  	v15 =	vshll.u32 v11, $0xE;
	v11 =	vsub.s32 v11, v8  }
0x392: {  	v10 =	vsub.s32 v10, v15;
	v11 =	vshll.u32 v11, $0xE  }
0x393: {  	v10 =	vadd.s32 v11, v10  }
0x394: {  	[tilespmem:v12+s18+$0x0] =	vst.idx.msk vm10, v10  }
0x395: {  	v10 =	vld.idx.msk [tilespmem:v14+s16+$0x0], $0xffff;
	_ =	sdelay $0x5  }
0x396: {  	v11 =	vshra.s32 v10, $0x1F;
	v12 =	vand.u32 $0x3FFF, v10  }
0x397: {  	vm10 =	vlt.s32 v10, $0x1;
	v11 =	vshrl.u32 v11, $0x12;
	vm11 =	vne.s32 v12, $0x0;
	s2 =	spop (v2sf)  }
0x398: {  	v11 =	vadd.s32 v11, v10;
	vm10 =	vmand vm10, vm11;
	s26 =	sadd.s32 s26, s2  }
0x399: {  	v11 =	vshra.s32 v11, $0xE;
	v12 =	vsel vm10, $0xFFFFFFFF, v5  }
0x39a: {  	v11 =	vadd.s32 v12, v11  }
.Ltmp23:
0x39b: {  	vm10 =	vlt.s32 v13, v7;
	vm11 =	vlt.s32 v11, v9;
	(pc) =	sbr.rel @p2 .LBB2_33-.Ltmp23, $4  }
0x39c: {  	vm12 =	vge.s32 v11, v8;
	vm10 =	vmand vm10, vm11  }
0x39d: {  	vm10 =	vmand vm10, vm12  }
0x39e: {  	vm10 =	vmand vm9, vm10  }
0x39f: {  	s1 =	sadd.s32 $0xFFFFFFFF, s1;
	v12 =	vsel vm10, $0x1, v5  }
.LBB2_34:
0x3a0: {  	(xrf0) =	vadd.scan.msk.s32 @p1 $0xffff, v12;
	_ =	sdelay $0x2  }
0x3a1: {  	v12 =	vmov @p1 s26  }
0x3a2: {  	v12 =	vadd.s32 @p1 $0xFFFFFFFF, v12  }
0x3a3: {  	v12 =	vbroadcast @p1 v12, $0x0  }
0x3a4: {  	s0 =	sadd.s32 @p1 $0x10, s0;
	s1 =	simm.s32 $0x0;
	v13, _, _ =	vpop @p1 (xrf0)  }
0x3a5: {  	s1 =	smov.u32 @p1 s0;
	v12 =	vadd.s32 @p1 v13, v12  }
0x3a6: {  	v14 =	vor.u32 s1, v2;
	vm11 =	vgt.s32 @p1 v12, $0x0  }
0x3a7: {  	vm12 =	vlt.s32 v14, $0x3FFF;
	v12 =	vnsel @p1 vm11, $0x0, v12  }
0x3a8: {  	v15 =	vnsel vm12, $0x3FFF, v14  }
0x3a9: {  	v16 =	vshll.u32 @p1 v11, $0xE;
	v11 =	vsub.s32 @p1 v11, v8  }
0x3aa: {  	v10 =	vsub.s32 @p1 v10, v16;
	v11 =	vshll.u32 @p1 v11, $0xE  }
0x3ab: {  	v10 =	vadd.s32 @p1 v11, v10  }
0x3ac: {  	[tilespmem:v12+s18+$0x0] =	vst.idx.msk @p1 vm10, v10  }
0x3ad: {  	v10 =	vld.idx.msk [tilespmem:v15+s16+$0x0], $0xffff;
	_ =	sdelay $0x3  }
0x3ae: {  	(v2sf) =	vpush @p1 v13, $0xF  }
0x3af: {  	v58 =	vshra.s32 v10, $0x1F;
	v59 =	vand.u32 $0x3FFF, v10  }
0x3b0: {  	vm10 =	vlt.s32 v10, $0x1;
	v11 =	vshrl.u32 v58, $0x12;
	vm11 =	vne.s32 v59, $0x0  }
0x3b1: {  	v11 =	vadd.s32 v11, v10;
	vm10 =	vmand vm10, vm11  }
0x3b2: {  	v11 =	vshra.s32 v11, $0xE;
	v60 =	vsel vm10, $0xFFFFFFFF, v5  }
0x3b3: {  	v11 =	vadd.s32 v60, v11  }
0x3b4: {  	vm10 =	vlt.s32 v14, v7;
	vm11 =	vlt.s32 v11, v9  }
0x3b5: {  	vm12 =	vge.s32 v11, v8;
	vm10 =	vmand vm10, vm11  }
0x3b6: {  	vm10 =	vmand vm10, vm12  }
0x3b7: {  	vm9 =	vmand vm9, vm10  }
0x3b8: {  	v61 =	vsel vm9, $0x1, v5  }
0x3b9: {  	(xrf0) =	vadd.scan.msk.s32 $0xffff, v61;
	_ =	sdelay $0x3  }
0x3ba: {  	s0 =	spop @p1 (v2sf)  }
0x3bb: {  	s0 =	sadd.s32 @p1 s26, s0  }
0x3bc: {  	s28 =	smov.u32 @p1 s0;
	v9, _, _ =	vpop (xrf0)  }
0x3bd: {  	v62 =	vmov s28;
	(v2sf) =	vpush v9, $0xF  }
0x3be: {  	v12 =	vadd.s32 $0xFFFFFFFF, v62  }
0x3bf: {  	v12 =	vbroadcast v12, $0x0;
	_ =	sdelay $0x1  }
0x3c0: {  	v9 =	vadd.s32 v9, v12  }
0x3c1: {  	vm10 =	vgt.s32 v9, $0x0  }
0x3c2: {  	v9 =	vnsel vm10, $0x0, v9;
	_ =	sdelay $0x1  }
0x3c3: {  	v63 =	vshll.u32 v11, $0xE;
	v8 =	vsub.s32 v11, v8  }
0x3c4: {  	v10 =	vsub.s32 v10, v63;
	v8 =	vshll.u32 v8, $0xE  }
0x3c5: {  	v8 =	vadd.s32 v8, v10  }
0x3c6: {  	[tilespmem:v9+s18+$0x0] =	vst.idx.msk vm9, v8;
	v8 =	vld [tilespmem:$0x1FFF0]  }
.Ltmp24:
0x3c7: {  	_ = 	snop;
	(pc) =	sbr.rel .LBB2_35-.Ltmp24, $3  }
0x3c8: {  	_ =	sdelay $0x1  }
0x3c9: {  	s31 =	spop (v2sf)  }
0x3ca: {  	vm12 =	vcmask $0xF0C;
	vm11 =	vnez.u8 v8;
	s1 =	sadd.s32 s28, s31  }
.LBB2_29:
0x3cb: {  	s1 =	simm.s32 $0x0  }
.LBB2_35:
0x3cc: {  	s0 =	sadd.s32 $0xF, s1  }
0x3cd: {  	s2 =	sand.u32 $0xF, s0  }
0x3ce: {  	s3 =	sshra.s32 s0, $0x1F;
	p1 =	slt.s32 s0, $0x1;
	p2 =	sne.s32 s2, $0x0  }
0x3cf: {  	s31 =	sshrl.u32 s3, $0x1C;
	p1 =	por !p1, !p2  }
0x3d0: {  	s2 =	simm.s32 $0x1;
	s0 =	sadd.s32 s31, s0;
	p1 =	por !p1, !p1  }
0x3d1: {  	s0 =	sshra.s32 s0, $0x4;
	s2 =	simm.s32 @!p1 $0x0  }
0x3d2: {  	s0 =	ssub.s32 s0, s2  }
0x3d3: {  	p1 =	slt.s32 s0, $0x1  }
.Ltmp25:
0x3d4: {  	_ = 	snop;
	(pc) =	sbr.rel @p1 .LBB2_40-.Ltmp25, $1  }
0x3d5: {  	_ =	sdelay $0x3  }
0x3d6: {  	s1 =	sadd.s32 $0xFFFFFFFF, s1  }
0x3d7: {  	p1 =	sgt.s32 s1, $0x0  }
0x3d8: {  	s1 =	simm.s32 @!p1 $0x0  }
0x3d9: {  	s4 =	simm.s32 $0x0;
	v8 =	vmov s1;
	s1 =	simm.s32 $0x0  }
.LBB2_37:
0x3da: {  	s2 =	sshll.u32 s4, $0x4  }
0x3db: {  	v9 =	vor.u32 s2, v2  }
0x3dc: {  	vm9 =	vlt.s32 v9, v8  }
0x3dd: {  	v9 =	vsel vm9, v9, v8;
	_ =	sdelay $0x4  }
0x3de: {  	v9 =	vld.idx.msk [tilespmem:v9+s18+$0x0], $0xffff;
	_ =	sdelay $0x4  }
0x3df: {  	v10 =	vshra.s32 v9, $0x1F;
	v11 =	vand.u32 $0x3FFF, v9  }
0x3e0: {  	vm9 =	vlt.s32 v9, $0x1;
	v10 =	vshrl.u32 v10, $0x12;
	vm10 =	vne.s32 v11, $0x0  }
0x3e1: {  	v10 =	vadd.s32 v10, v9;
	vm9 =	vmand vm9, vm10  }
0x3e2: {  	v10 =	vshra.s32 v10, $0xE;
	v11 =	vsel vm9, $0xFFFFFFFF, v5  }
0x3e3: {  	v10 =	vadd.s32 v11, v10;
	v11 =	vmov s1  }
0x3e4: {  	v12 =	vshll.u32 v10, $0x3;
	v13 =	vshll.u32 v11, $0x9  }
0x3e5: {  	v11 =	vshll.u32 v11, $0x7;
	v12 =	vand.u32 $0xFFFFFC00, v12;
	v13 =	vand.u32 $0x7000, v13  }
0x3e6: {  	v14 =	vand.u32 $0x380, v11;
	v13 =	vadd.s32 v12, v13  }
0x3e7: {  	v11 =	vand.u32 $0x7F, v10;
	v13 =	vor.u32 v14, v13  }
0x3e8: {  	s2 =	simm.s32 $0x1;
	v13 =	vor.u32 v11, v13  }
0x3e9: {  	v14 =	vmov s2  }
0x3ea: {  	v15 =	vshll.u32 v14, $0x9  }
0x3eb: {  	v14 =	vshll.u32 v14, $0x7;
	v15 =	vand.u32 $0x7000, v15  }
0x3ec: {  	v14 =	vand.u32 $0x380, v14;
	v15 =	vadd.s32 v12, v15  }
0x3ed: {  	v14 =	vor.u32 v14, v15;
	v15 =	vor.u32 s1, v6;
	v13 =	vld.idx.msk [tilespmem:v13+s20+$0x0], $0xffff  }
0x3ee: {  	v14 =	vor.u32 v11, v14  }
0x3ef: {  	s3 =	simm.s32 $0x2  }
0x3f0: {  	s8 =	simm.s32 $0x3;
	v16 =	vmov s3  }
.LBB2_38:
0x3f1: {  	p1 =	sne.s32 s8, $0x3F;
	v17 =	vshll.u32 v16, $0x9  }
0x3f2: {  	v16 =	vshll.u32 v16, $0x7;
	v17 =	vand.u32 $0x7000, v17;
	[tilespmem:v15+s22+$0x0] =	vst.idx.msk $0xffff, v13  }
.Ltmp26:
0x3f3: {  	v16 =	vand.u32 $0x380, v16;
	v15 =	vadd.s32 v12, v17;
	v13 =	vld.idx.msk [tilespmem:v14+s20+$0x0], $0xffff;
	(pc) =	sbr.rel @p1 .LBB2_38-.Ltmp26, $3  }
0x3f4: {  	v14 =	vor.u32 v16, v15;
	v15 =	vor.u32 s2, v6;
	s2 =	smov.u32 s3;
	s3 =	smov.u32 s8  }
0x3f5: {  	v14 =	vor.u32 v11, v14;
	_ =	sdelay $0x1  }
0x3f6: {  	s8 =	sadd.s32 $0x1, s8;
	v16 =	vmov s3  }
0x3f7: {  	_ =	sdelay $0x1  }
0x3f8: {  	v17 =	vshll.u32 v16, $0x9  }
0x3f9: {  	v60 =	vshll.u32 v16, $0x7;
	v17 =	vand.u32 $0x7000, v17  }
0x3fa: {  	[tilespmem:v15+s22+$0x0] =	vst.idx.msk $0xffff, v13;
	v61 =	vand.u32 $0x380, v60;
	v12 =	vadd.s32 v12, v17  }
0x3fb: {  	v62 =	vor.u32 s2, v6;
	v14 =	vld.idx.msk [tilespmem:v14+s20+$0x0], $0xffff;
	v12 =	vor.u32 v61, v12  }
0x3fc: {  	v11 =	vor.u32 v11, v12;
	_ =	sdelay $0x3  }
0x3fd: {  	[tilespmem:v62+s22+$0x0] =	vst.idx.msk $0xffff, v14  }
0x3fe: {  	v63 =	vor.u32 s3, v6;
	v10 =	vshll.u32 v10, $0xE;
	v11 =	vld.idx.msk [tilespmem:v11+s20+$0x0], $0xffff  }
0x3ff: {  	v9 =	vsub.s32 v9, v10;
	_ =	sdelay $0x2  }
0x400: {  	s4 =	sadd.s32 $0x1, s4  }
0x401: {  	p1 =	sne.s32 s4, s0;
	[tilespmem:v63+s22+$0x0] =	vst.idx.msk $0xffff, v11  }
0x402: {  	[hbm4b:s9+s15] =	stream.indirect_vreg.scatter [tilespmem:s22], [sflag:$0x3], $0x80, v9, vm11, $0xb8;
	[tilespmem:$0x19800] =	vst v63  }
.Ltmp27:
0x403: {  	_ = 	snop;
	(pc) =	sbr.rel @p1 .LBB2_37-.Ltmp27, $4  }
.Ltmp28:
0x404: {  	_ = 	snop;
	(pc) =	sbr.rel @!p1 .LBB2_40-.Ltmp28, $4  }
0x405: {  	_ =	swait.ge [sflag:s13], $0x800  }
0x406: {  	[sflag:s13] =	ssyncset.done $0x0  }
0x407: {  	[sflag:s13] =	ssyncadd.s32 $0xFFFFF800  }
0x408: {  	_ = 	snop  }
.LBB2_17:
.Ltmp29:
0x409: {  	(pc) =	sbr.rel .LBB2_19-.Ltmp29, $2  }
0x40a: {  	_ =	sdelay $0x2  }
0x40b: {  	s31 =	simm.s32 $0x0;
	s0 =	simm.s32 $0x0  }
.LBB2_32:
.Ltmp30:
0x40c: {  	(pc) =	sbr.rel .LBB2_34-.Ltmp30, $2  }
0x40d: {  	_ =	sdelay $0x2  }
0x40e: {  	s26 =	simm.s32 $0x0;
	s0 =	simm.s32 $0x0  }
.LBB2_42:
0x40f: {  	_ =	sfence.sel $0x180000  }
0x410: {  	[bflag:$0x0] =	sbarrier.arrive $0xFFFF  }
0x411: {  	_ =	strace $0x90000047  }
0x412: {  	s0 =	stileid.u32;
	[bflag:$0x2] =	sbarrier.arrive $0xFFFF  }
0x413: {  	p0 =	sne.s32 s0, $0x0;
	s0 =	rddreg [dreg:$0x4]  }
0x414: {  	s0 =	sadd.s32 @!p0 $0x100000, s0  }
0x415: {  	[sflag:s0] =	ssyncadd.tile.s32 @!p0 $0x1;
	_ =	shalt  }
.Lfunc_end2:
_tile_overlayer_lowered:
.L_overlay_start_2:
0x416: {  	(tag) =	ssettag $0x2  }
0x417: {  	s0 =	rddreg [dreg:$0x0];
	s2 =	stileid.u32  }
0x418: {  	s1 =	rddreg [dreg:$0x1];
	p0 =	sne.s32 s2, $0x0  }
0x419: {  	s3 =	rddreg [dreg:$0x2];
	[bflag:$0x3] =	sbarrier.arrive $0xFFFF;
	s2 =	simm.s32 @!p0 $0x1C03  }
0x41a: {  	[timem:s3], [sflag:s2] =	dma.local @!p0 [hbm:s0], s1  }
0x41b: {  	s0 =	simm.s32 @!p0 $0x3  }
0x41c: {  	_ =	swait.ge @!p0 [sflag:s0], s1  }
0x41d: {  	s1 =	ssub.s32 @!p0 $0x0, s1;
	[sflag:s0] =	ssyncset.done @!p0 $0x0  }
0x41e: {  	[sflag:s0] =	ssyncadd.s32 @!p0 s1  }
0x41f: {  	[bflag:$0x3] =	sbarrier.arrive $0xFFFF  }
0x420: {  	_ =	shalt  }

</sc_bundles>
